<compile_context>
chip_gen: v7x
topology: tpu7x:2x2x1
jax: 0.10.2.dev20260603
libtpu: 0.0.44.dev20260713+nightly
codegen_flags: <defaults>
</compile_context>

<pallas_src>
import functools

import jax
import jax.numpy as jnp
from jax import lax
from jax.experimental import pallas as pl
from jax.experimental.pallas import tpu as pltpu
from jax.experimental.pallas import tpu_sc as plsc

BATCH = 4096
HIST = 50
D = 128
NW = 32
PER_W = BATCH // NW
CB = 8
NST = PER_W // CB

_mesh = plsc.VectorSubcoreMesh(core_axis_name="c", subcore_axis_name="s")


@functools.partial(
    pl.kernel,
    mesh=_mesh,
    out_type=jax.ShapeDtypeStruct((HIST, BATCH, D), jnp.float32),
    scratch_types=[
        pltpu.VMEM((PER_W, HIST), jnp.int32),
        pltpu.VMEM((CB, HIST, D), jnp.float32),
        pltpu.VMEM((CB, HIST, D), jnp.float32),
        pltpu.SemaphoreType.DMA,
        pltpu.SemaphoreType.DMA,
        pltpu.SemaphoreType.DMA,
        pltpu.SemaphoreType.DMA,
    ],
)
def _gather_kernel(idx_hbm, table_hbm, out_hbm, idx_v, rows0, rows1,
                   gs0, gs1, ss0, ss1):
    wid = lax.axis_index("s") * 2 + lax.axis_index("c")
    base = wid * PER_W
    pltpu.sync_copy(idx_hbm.at[pl.ds(base, PER_W)], idx_v)

    class gather:

        def __init__(self, j, buf, sem):
            self.copies = [
                pltpu.make_async_copy(
                    table_hbm.at[idx_v.at[j * CB + b]], buf.at[b], sem)
                for b in range(CB)
            ]

        def start(self):
            for c in self.copies:
                c.start()

        def wait(self):
            for c in self.copies:
                c.wait()

    class scatter:

        def __init__(self, j, buf, sem):
            self.copies = [
                pltpu.make_async_copy(
                    buf.at[b], out_hbm.at[:, base + j * CB + b, :], sem)
                for b in range(CB)
            ]

        def start(self):
            for c in self.copies:
                c.start()

        def wait(self):
            for c in self.copies:
                c.wait()

    gather(0, rows0, gs0).start()
    gather(1, rows1, gs1).start()
    gather(0, rows0, gs0).wait()
    scatter(0, rows0, ss0).start()

    def body(g, carry):
        j = 2 * g + 1
        scatter(j - 1, rows0, ss0).wait()
        gather(j + 1, rows0, gs0).start()
        gather(j, rows1, gs1).wait()
        scatter(j, rows1, ss1).start()

        scatter(j, rows1, ss1).wait()
        gather(j + 2, rows1, gs1).start()
        gather(j + 1, rows0, gs0).wait()
        scatter(j + 1, rows0, ss0).start()
        return carry

    lax.fori_loop(0, NST // 2 - 1, body, 0)

    j_last = NST - 1
    gather(j_last, rows1, gs1).wait()
    scatter(j_last, rows1, ss1).start()
    scatter(j_last - 1, rows0, ss0).wait()
    scatter(j_last, rows1, ss1).wait()


def kernel(x, table):
    out_t = _gather_kernel(x.astype(jnp.int32), table)
    return out_t.transpose(1, 0, 2)

# --- scband reference (transcript-rebuilt; emitter-appended) ---
"""Pipeline reference for scband-token-embeddings-59682865545789 (READ-ONLY COPY).

The authoritative reference and input builder live on the scoring server;
editing this copy changes nothing except your own understanding.
"""

import jax, jax.numpy as jnp
import numpy as np

VOCAB_SIZE = 100000
EMB_SIZE = 128
BATCH = 4096
HIST_LEN = 50

def setup_inputs(seed: int = 0) -> dict:
    key = jax.random.key(seed)
    k_idx, k_tab = jax.random.split(key)
    x = jax.random.randint(k_idx, (BATCH, HIST_LEN), 0, VOCAB_SIZE, dtype=jnp.int64 if jax.config.jax_enable_x64 else jnp.int32)
    # nn.Embedding default init: N(0, 1)
    table = jax.random.normal(k_tab, (VOCAB_SIZE, EMB_SIZE), dtype=jnp.float32)
    return {"x": x, "table": table}

def reference(x, table):
    # Faithful translation of nn.Embedding forward: gather rows of the table
    return jnp.take(table, x, axis=0)

if __name__ == "__main__":
    import jax
    _d = setup_inputs()
    print(jax.jit(kernel)(*tuple(_d.values())))

</pallas_src>

<mosaic_0001>
#map = affine_map<(d0, d1) -> (0, 0)>
#map1 = affine_map<(d0, d1) -> (0, 0, 0)>
module attributes {stable_mosaic.version = 14 : i64} {
  func.func @_gather_kernel(%arg0: i32, %arg1: i32, %arg2: memref<4096x50xi32, #tpu.memory_space<hbm>>, %arg3: memref<100000x128xf32, #tpu.memory_space<hbm>>, %arg4: memref<50x4096x128xf32, #tpu.memory_space<hbm>>, %arg5: memref<128x50xi32, #tpu.memory_space<vmem>>, %arg6: memref<8x50x128xf32, #tpu.memory_space<vmem>>, %arg7: memref<8x50x128xf32, #tpu.memory_space<vmem>>, %arg8: memref<!tpu.dma_semaphore, #tpu.memory_space<semaphore_mem>>, %arg9: memref<!tpu.dma_semaphore, #tpu.memory_space<semaphore_mem>>, %arg10: memref<!tpu.dma_semaphore, #tpu.memory_space<semaphore_mem>>, %arg11: memref<!tpu.dma_semaphore, #tpu.memory_space<semaphore_mem>>) attributes {dimension_semantics = [#tpu.dimension_semantics<core_parallel>, #tpu.dimension_semantics<subcore_parallel>], iteration_bounds = array<i64: 2, 16>, scalar_prefetch = 0 : i64, scratch_operands = 7 : i64, tpu.core_type = #tpu.core_type<sc_vector_subcore>, window_params = [{transform_indices = #map}, {transform_indices = #map}, {transform_indices = #map1}]} {
    %mul3A = arith.constant 2 : i32
    %mul3A_0 = arith.muli %arg1, %mul3A : i32
    %add3A = arith.addi %mul3A_0, %arg0 : i32
    %mul3A_1 = arith.constant 128 : i32
    %mul3A_2 = arith.muli %add3A, %mul3A_1 : i32
    "tpu.region"() ({
      %run_scoped3A = tpu.sem_alloc : memref<!tpu.dma_semaphore, #tpu.memory_space<semaphore_mem>>
      %dma_start3A_1062 = arith.constant 0 : i32
      %dma_start3A_1063 = tpu.memref_slice %arg2[%mul3A_2, %dma_start3A_1062] : memref<4096x50xi32, #tpu.memory_space<hbm>> -> memref<128x50xi32, #tpu.memory_space<hbm>>
      %dma_start3A_1064 = arith.constant 0 : i32
      %dma_start3A_1065 = tpu.memref_slice %arg2[%mul3A_2, %dma_start3A_1064] : memref<4096x50xi32, #tpu.memory_space<hbm>> -> memref<128x50xi32, #tpu.memory_space<hbm>>
      tpu.enqueue_dma source(%dma_start3A_1065 : memref<128x50xi32, #tpu.memory_space<hbm>>) target(%arg5 : memref<128x50xi32, #tpu.memory_space<vmem>>) target_semaphore(%run_scoped3A : memref<!tpu.dma_semaphore, #tpu.memory_space<semaphore_mem>>)
      %dma_wait3A_1066 = arith.constant 0 : i32
      %dma_wait3A_1067 = tpu.memref_slice %arg2[%mul3A_2, %dma_wait3A_1066] : memref<4096x50xi32, #tpu.memory_space<hbm>> -> memref<128x50xi32, #tpu.memory_space<hbm>>
      %dma_wait3A_1068 = arith.constant 0 : i32
      %dma_wait3A_1069 = tpu.memref_slice %arg2[%mul3A_2, %dma_wait3A_1068] : memref<4096x50xi32, #tpu.memory_space<hbm>> -> memref<128x50xi32, #tpu.memory_space<hbm>>
      tpu.wait_dma2 semaphore(%run_scoped3A : memref<!tpu.dma_semaphore, #tpu.memory_space<semaphore_mem>>) src(%dma_wait3A_1069 : memref<128x50xi32, #tpu.memory_space<hbm>>) dst(%arg5 : memref<128x50xi32, #tpu.memory_space<vmem>>)
      tpu.yield
    }) : () -> ()
    %dma_start3A = arith.constant 0 : i32
    %dma_start3A_3 = arith.constant 0 : i32
    %dma_start3A_4 = arith.constant 0 : i32
    %dma_start3A_5 = arith.constant 0 : i32
    %dma_start3A_6 = tpu.memref_slice %arg6[%dma_start3A_3, %dma_start3A_4, %dma_start3A_5] : memref<8x50x128xf32, #tpu.memory_space<vmem>> -> memref<1x50x128xf32, #tpu.memory_space<vmem>>
    %dma_start3A_7 = tpu.memref_squeeze %dma_start3A_6 : memref<1x50x128xf32, #tpu.memory_space<vmem>> -> memref<50x128xf32, #tpu.memory_space<vmem>>
    %dma_start3A_8 = arith.constant 0 : i32
    %dma_start3A_9 = tpu.memref_slice %arg5[%dma_start3A, %dma_start3A_8] : memref<128x50xi32, #tpu.memory_space<vmem>> -> memref<1x50xi32, #tpu.memory_space<vmem>>
    %dma_start3A_10 = tpu.memref_squeeze %dma_start3A_9 : memref<1x50xi32, #tpu.memory_space<vmem>> -> memref<50xi32, #tpu.memory_space<vmem>>
    %dma_start3A_11 = arith.constant 0 : i32
    %dma_start3A_12 = arith.constant 0 : i32
    %dma_start3A_13 = tpu.memref_slice %arg3[%dma_start3A_11, %dma_start3A_12] : memref<100000x128xf32, #tpu.memory_space<hbm>> -> memref<100000x128xf32, #tpu.memory_space<hbm>>
    tpu.enqueue_indirect_dma source(%dma_start3A_13 : memref<100000x128xf32, #tpu.memory_space<hbm>>) target(%dma_start3A_7 : memref<50x128xf32, #tpu.memory_space<vmem>>) offsets(%dma_start3A_10 : memref<50xi32, #tpu.memory_space<vmem>>) semaphore(%arg8 : memref<!tpu.dma_semaphore, #tpu.memory_space<semaphore_mem>>)
    %dma_start3A_14 = arith.constant 1 : i32
    %dma_start3A_15 = arith.constant 1 : i32
    %dma_start3A_16 = arith.constant 0 : i32
    %dma_start3A_17 = arith.constant 0 : i32
    %dma_start3A_18 = tpu.memref_slice %arg6[%dma_start3A_15, %dma_start3A_16, %dma_start3A_17] : memref<8x50x128xf32, #tpu.memory_space<vmem>> -> memref<1x50x128xf32, #tpu.memory_space<vmem>>
    %dma_start3A_19 = tpu.memref_squeeze %dma_start3A_18 : memref<1x50x128xf32, #tpu.memory_space<vmem>> -> memref<50x128xf32, #tpu.memory_space<vmem>>
    %dma_start3A_20 = arith.constant 0 : i32
    %dma_start3A_21 = tpu.memref_slice %arg5[%dma_start3A_14, %dma_start3A_20] : memref<128x50xi32, #tpu.memory_space<vmem>> -> memref<1x50xi32, #tpu.memory_space<vmem>>
    %dma_start3A_22 = tpu.memref_squeeze %dma_start3A_21 : memref<1x50xi32, #tpu.memory_space<vmem>> -> memref<50xi32, #tpu.memory_space<vmem>>
    %dma_start3A_23 = arith.constant 0 : i32
    %dma_start3A_24 = arith.constant 0 : i32
    %dma_start3A_25 = tpu.memref_slice %arg3[%dma_start3A_23, %dma_start3A_24] : memref<100000x128xf32, #tpu.memory_space<hbm>> -> memref<100000x128xf32, #tpu.memory_space<hbm>>
    tpu.enqueue_indirect_dma source(%dma_start3A_25 : memref<100000x128xf32, #tpu.memory_space<hbm>>) target(%dma_start3A_19 : memref<50x128xf32, #tpu.memory_space<vmem>>) offsets(%dma_start3A_22 : memref<50xi32, #tpu.memory_space<vmem>>) semaphore(%arg8 : memref<!tpu.dma_semaphore, #tpu.memory_space<semaphore_mem>>)
    %dma_start3A_26 = arith.constant 2 : i32
    %dma_start3A_27 = arith.constant 2 : i32
    %dma_start3A_28 = arith.constant 0 : i32
    %dma_start3A_29 = arith.constant 0 : i32
    %dma_start3A_30 = tpu.memref_slice %arg6[%dma_start3A_27, %dma_start3A_28, %dma_start3A_29] : memref<8x50x128xf32, #tpu.memory_space<vmem>> -> memref<1x50x128xf32, #tpu.memory_space<vmem>>
    %dma_start3A_31 = tpu.memref_squeeze %dma_start3A_30 : memref<1x50x128xf32, #tpu.memory_space<vmem>> -> memref<50x128xf32, #tpu.memory_space<vmem>>
    %dma_start3A_32 = arith.constant 0 : i32
    %dma_start3A_33 = tpu.memref_slice %arg5[%dma_start3A_26, %dma_start3A_32] : memref<128x50xi32, #tpu.memory_space<vmem>> -> memref<1x50xi32, #tpu.memory_space<vmem>>
    %dma_start3A_34 = tpu.memref_squeeze %dma_start3A_33 : memref<1x50xi32, #tpu.memory_space<vmem>> -> memref<50xi32, #tpu.memory_space<vmem>>
    %dma_start3A_35 = arith.constant 0 : i32
    %dma_start3A_36 = arith.constant 0 : i32
    %dma_start3A_37 = tpu.memref_slice %arg3[%dma_start3A_35, %dma_start3A_36] : memref<100000x128xf32, #tpu.memory_space<hbm>> -> memref<100000x128xf32, #tpu.memory_space<hbm>>
    tpu.enqueue_indirect_dma source(%dma_start3A_37 : memref<100000x128xf32, #tpu.memory_space<hbm>>) target(%dma_start3A_31 : memref<50x128xf32, #tpu.memory_space<vmem>>) offsets(%dma_start3A_34 : memref<50xi32, #tpu.memory_space<vmem>>) semaphore(%arg8 : memref<!tpu.dma_semaphore, #tpu.memory_space<semaphore_mem>>)
    %dma_start3A_38 = arith.constant 3 : i32
    %dma_start3A_39 = arith.constant 3 : i32
    %dma_start3A_40 = arith.constant 0 : i32
    %dma_start3A_41 = arith.constant 0 : i32
    %dma_start3A_42 = tpu.memref_slice %arg6[%dma_start3A_39, %dma_start3A_40, %dma_start3A_41] : memref<8x50x128xf32, #tpu.memory_space<vmem>> -> memref<1x50x128xf32, #tpu.memory_space<vmem>>
    %dma_start3A_43 = tpu.memref_squeeze %dma_start3A_42 : memref<1x50x128xf32, #tpu.memory_space<vmem>> -> memref<50x128xf32, #tpu.memory_space<vmem>>
    %dma_start3A_44 = arith.constant 0 : i32
    %dma_start3A_45 = tpu.memref_slice %arg5[%dma_start3A_38, %dma_start3A_44] : memref<128x50xi32, #tpu.memory_space<vmem>> -> memref<1x50xi32, #tpu.memory_space<vmem>>
    %dma_start3A_46 = tpu.memref_squeeze %dma_start3A_45 : memref<1x50xi32, #tpu.memory_space<vmem>> -> memref<50xi32, #tpu.memory_space<vmem>>
    %dma_start3A_47 = arith.constant 0 : i32
    %dma_start3A_48 = arith.constant 0 : i32
    %dma_start3A_49 = tpu.memref_slice %arg3[%dma_start3A_47, %dma_start3A_48] : memref<100000x128xf32, #tpu.memory_space<hbm>> -> memref<100000x128xf32, #tpu.memory_space<hbm>>
    tpu.enqueue_indirect_dma source(%dma_start3A_49 : memref<100000x128xf32, #tpu.memory_space<hbm>>) target(%dma_start3A_43 : memref<50x128xf32, #tpu.memory_space<vmem>>) offsets(%dma_start3A_46 : memref<50xi32, #tpu.memory_space<vmem>>) semaphore(%arg8 : memref<!tpu.dma_semaphore, #tpu.memory_space<semaphore_mem>>)
    %dma_start3A_50 = arith.constant 4 : i32
    %dma_start3A_51 = arith.constant 4 : i32
    %dma_start3A_52 = arith.constant 0 : i32
    %dma_start3A_53 = arith.constant 0 : i32
    %dma_start3A_54 = tpu.memref_slice %arg6[%dma_start3A_51, %dma_start3A_52, %dma_start3A_53] : memref<8x50x128xf32, #tpu.memory_space<vmem>> -> memref<1x50x128xf32, #tpu.memory_space<vmem>>
    %dma_start3A_55 = tpu.memref_squeeze %dma_start3A_54 : memref<1x50x128xf32, #tpu.memory_space<vmem>> -> memref<50x128xf32, #tpu.memory_space<vmem>>
    %dma_start3A_56 = arith.constant 0 : i32
    %dma_start3A_57 = tpu.memref_slice %arg5[%dma_start3A_50, %dma_start3A_56] : memref<128x50xi32, #tpu.memory_space<vmem>> -> memref<1x50xi32, #tpu.memory_space<vmem>>
    %dma_start3A_58 = tpu.memref_squeeze %dma_start3A_57 : memref<1x50xi32, #tpu.memory_space<vmem>> -> memref<50xi32, #tpu.memory_space<vmem>>
    %dma_start3A_59 = arith.constant 0 : i32
    %dma_start3A_60 = arith.constant 0 : i32
    %dma_start3A_61 = tpu.memref_slice %arg3[%dma_start3A_59, %dma_start3A_60] : memref<100000x128xf32, #tpu.memory_space<hbm>> -> memref<100000x128xf32, #tpu.memory_space<hbm>>
    tpu.enqueue_indirect_dma source(%dma_start3A_61 : memref<100000x128xf32, #tpu.memory_space<hbm>>) target(%dma_start3A_55 : memref<50x128xf32, #tpu.memory_space<vmem>>) offsets(%dma_start3A_58 : memref<50xi32, #tpu.memory_space<vmem>>) semaphore(%arg8 : memref<!tpu.dma_semaphore, #tpu.memory_space<semaphore_mem>>)
    %dma_start3A_62 = arith.constant 5 : i32
    %dma_start3A_63 = arith.constant 5 : i32
    %dma_start3A_64 = arith.constant 0 : i32
    %dma_start3A_65 = arith.constant 0 : i32
    %dma_start3A_66 = tpu.memref_slice %arg6[%dma_start3A_63, %dma_start3A_64, %dma_start3A_65] : memref<8x50x128xf32, #tpu.memory_space<vmem>> -> memref<1x50x128xf32, #tpu.memory_space<vmem>>
    %dma_start3A_67 = tpu.memref_squeeze %dma_start3A_66 : memref<1x50x128xf32, #tpu.memory_space<vmem>> -> memref<50x128xf32, #tpu.memory_space<vmem>>
    %dma_start3A_68 = arith.constant 0 : i32
    %dma_start3A_69 = tpu.memref_slice %arg5[%dma_start3A_62, %dma_start3A_68] : memref<128x50xi32, #tpu.memory_space<vmem>> -> memref<1x50xi32, #tpu.memory_space<vmem>>
    %dma_start3A_70 = tpu.memref_squeeze %dma_start3A_69 : memref<1x50xi32, #tpu.memory_space<vmem>> -> memref<50xi32, #tpu.memory_space<vmem>>
    %dma_start3A_71 = arith.constant 0 : i32
    %dma_start3A_72 = arith.constant 0 : i32
    %dma_start3A_73 = tpu.memref_slice %arg3[%dma_start3A_71, %dma_start3A_72] : memref<100000x128xf32, #tpu.memory_space<hbm>> -> memref<100000x128xf32, #tpu.memory_space<hbm>>
    tpu.enqueue_indirect_dma source(%dma_start3A_73 : memref<100000x128xf32, #tpu.memory_space<hbm>>) target(%dma_start3A_67 : memref<50x128xf32, #tpu.memory_space<vmem>>) offsets(%dma_start3A_70 : memref<50xi32, #tpu.memory_space<vmem>>) semaphore(%arg8 : memref<!tpu.dma_semaphore, #tpu.memory_space<semaphore_mem>>)
    %dma_start3A_74 = arith.constant 6 : i32
    %dma_start3A_75 = arith.constant 6 : i32
    %dma_start3A_76 = arith.constant 0 : i32
    %dma_start3A_77 = arith.constant 0 : i32
    %dma_start3A_78 = tpu.memref_slice %arg6[%dma_start3A_75, %dma_start3A_76, %dma_start3A_77] : memref<8x50x128xf32, #tpu.memory_space<vmem>> -> memref<1x50x128xf32, #tpu.memory_space<vmem>>
    %dma_start3A_79 = tpu.memref_squeeze %dma_start3A_78 : memref<1x50x128xf32, #tpu.memory_space<vmem>> -> memref<50x128xf32, #tpu.memory_space<vmem>>
    %dma_start3A_80 = arith.constant 0 : i32
    %dma_start3A_81 = tpu.memref_slice %arg5[%dma_start3A_74, %dma_start3A_80] : memref<128x50xi32, #tpu.memory_space<vmem>> -> memref<1x50xi32, #tpu.memory_space<vmem>>
    %dma_start3A_82 = tpu.memref_squeeze %dma_start3A_81 : memref<1x50xi32, #tpu.memory_space<vmem>> -> memref<50xi32, #tpu.memory_space<vmem>>
    %dma_start3A_83 = arith.constant 0 : i32
    %dma_start3A_84 = arith.constant 0 : i32
    %dma_start3A_85 = tpu.memref_slice %arg3[%dma_start3A_83, %dma_start3A_84] : memref<100000x128xf32, #tpu.memory_space<hbm>> -> memref<100000x128xf32, #tpu.memory_space<hbm>>
    tpu.enqueue_indirect_dma source(%dma_start3A_85 : memref<100000x128xf32, #tpu.memory_space<hbm>>) target(%dma_start3A_79 : memref<50x128xf32, #tpu.memory_space<vmem>>) offsets(%dma_start3A_82 : memref<50xi32, #tpu.memory_space<vmem>>) semaphore(%arg8 : memref<!tpu.dma_semaphore, #tpu.memory_space<semaphore_mem>>)
    %dma_start3A_86 = arith.constant 7 : i32
    %dma_start3A_87 = arith.constant 7 : i32
    %dma_start3A_88 = arith.constant 0 : i32
    %dma_start3A_89 = arith.constant 0 : i32
    %dma_start3A_90 = tpu.memref_slice %arg6[%dma_start3A_87, %dma_start3A_88, %dma_start3A_89] : memref<8x50x128xf32, #tpu.memory_space<vmem>> -> memref<1x50x128xf32, #tpu.memory_space<vmem>>
    %dma_start3A_91 = tpu.memref_squeeze %dma_start3A_90 : memref<1x50x128xf32, #tpu.memory_space<vmem>> -> memref<50x128xf32, #tpu.memory_space<vmem>>
    %dma_start3A_92 = arith.constant 0 : i32
    %dma_start3A_93 = tpu.memref_slice %arg5[%dma_start3A_86, %dma_start3A_92] : memref<128x50xi32, #tpu.memory_space<vmem>> -> memref<1x50xi32, #tpu.memory_space<vmem>>
    %dma_start3A_94 = tpu.memref_squeeze %dma_start3A_93 : memref<1x50xi32, #tpu.memory_space<vmem>> -> memref<50xi32, #tpu.memory_space<vmem>>
    %dma_start3A_95 = arith.constant 0 : i32
    %dma_start3A_96 = arith.constant 0 : i32
    %dma_start3A_97 = tpu.memref_slice %arg3[%dma_start3A_95, %dma_start3A_96] : memref<100000x128xf32, #tpu.memory_space<hbm>> -> memref<100000x128xf32, #tpu.memory_space<hbm>>
    tpu.enqueue_indirect_dma source(%dma_start3A_97 : memref<100000x128xf32, #tpu.memory_space<hbm>>) target(%dma_start3A_91 : memref<50x128xf32, #tpu.memory_space<vmem>>) offsets(%dma_start3A_94 : memref<50xi32, #tpu.memory_space<vmem>>) semaphore(%arg8 : memref<!tpu.dma_semaphore, #tpu.memory_space<semaphore_mem>>)
    %dma_start3A_98 = arith.constant 8 : i32
    %dma_start3A_99 = arith.constant 0 : i32
    %dma_start3A_100 = arith.constant 0 : i32
    %dma_start3A_101 = arith.constant 0 : i32
    %dma_start3A_102 = tpu.memref_slice %arg7[%dma_start3A_99, %dma_start3A_100, %dma_start3A_101] : memref<8x50x128xf32, #tpu.memory_space<vmem>> -> memref<1x50x128xf32, #tpu.memory_space<vmem>>
    %dma_start3A_103 = tpu.memref_squeeze %dma_start3A_102 : memref<1x50x128xf32, #tpu.memory_space<vmem>> -> memref<50x128xf32, #tpu.memory_space<vmem>>
    %dma_start3A_104 = arith.constant 0 : i32
    %dma_start3A_105 = tpu.memref_slice %arg5[%dma_start3A_98, %dma_start3A_104] : memref<128x50xi32, #tpu.memory_space<vmem>> -> memref<1x50xi32, #tpu.memory_space<vmem>>
    %dma_start3A_106 = tpu.memref_squeeze %dma_start3A_105 : memref<1x50xi32, #tpu.memory_space<vmem>> -> memref<50xi32, #tpu.memory_space<vmem>>
    %dma_start3A_107 = arith.constant 0 : i32
    %dma_start3A_108 = arith.constant 0 : i32
    %dma_start3A_109 = tpu.memref_slice %arg3[%dma_start3A_107, %dma_start3A_108] : memref<100000x128xf32, #tpu.memory_space<hbm>> -> memref<100000x128xf32, #tpu.memory_space<hbm>>
    tpu.enqueue_indirect_dma source(%dma_start3A_109 : memref<100000x128xf32, #tpu.memory_space<hbm>>) target(%dma_start3A_103 : memref<50x128xf32, #tpu.memory_space<vmem>>) offsets(%dma_start3A_106 : memref<50xi32, #tpu.memory_space<vmem>>) semaphore(%arg9 : memref<!tpu.dma_semaphore, #tpu.memory_space<semaphore_mem>>)
    %dma_start3A_110 = arith.constant 9 : i32
    %dma_start3A_111 = arith.constant 1 : i32
    %dma_start3A_112 = arith.constant 0 : i32
    %dma_start3A_113 = arith.constant 0 : i32
    %dma_start3A_114 = tpu.memref_slice %arg7[%dma_start3A_111, %dma_start3A_112, %dma_start3A_113] : memref<8x50x128xf32, #tpu.memory_space<vmem>> -> memref<1x50x128xf32, #tpu.memory_space<vmem>>
    %dma_start3A_115 = tpu.memref_squeeze %dma_start3A_114 : memref<1x50x128xf32, #tpu.memory_space<vmem>> -> memref<50x128xf32, #tpu.memory_space<vmem>>
    %dma_start3A_116 = arith.constant 0 : i32
    %dma_start3A_117 = tpu.memref_slice %arg5[%dma_start3A_110, %dma_start3A_116] : memref<128x50xi32, #tpu.memory_space<vmem>> -> memref<1x50xi32, #tpu.memory_space<vmem>>
    %dma_start3A_118 = tpu.memref_squeeze %dma_start3A_117 : memref<1x50xi32, #tpu.memory_space<vmem>> -> memref<50xi32, #tpu.memory_space<vmem>>
    %dma_start3A_119 = arith.constant 0 : i32
    %dma_start3A_120 = arith.constant 0 : i32
    %dma_start3A_121 = tpu.memref_slice %arg3[%dma_start3A_119, %dma_start3A_120] : memref<100000x128xf32, #tpu.memory_space<hbm>> -> memref<100000x128xf32, #tpu.memory_space<hbm>>
    tpu.enqueue_indirect_dma source(%dma_start3A_121 : memref<100000x128xf32, #tpu.memory_space<hbm>>) target(%dma_start3A_115 : memref<50x128xf32, #tpu.memory_space<vmem>>) offsets(%dma_start3A_118 : memref<50xi32, #tpu.memory_space<vmem>>) semaphore(%arg9 : memref<!tpu.dma_semaphore, #tpu.memory_space<semaphore_mem>>)
    %dma_start3A_122 = arith.constant 10 : i32
    %dma_start3A_123 = arith.constant 2 : i32
    %dma_start3A_124 = arith.constant 0 : i32
    %dma_start3A_125 = arith.constant 0 : i32
    %dma_start3A_126 = tpu.memref_slice %arg7[%dma_start3A_123, %dma_start3A_124, %dma_start3A_125] : memref<8x50x128xf32, #tpu.memory_space<vmem>> -> memref<1x50x128xf32, #tpu.memory_space<vmem>>
    %dma_start3A_127 = tpu.memref_squeeze %dma_start3A_126 : memref<1x50x128xf32, #tpu.memory_space<vmem>> -> memref<50x128xf32, #tpu.memory_space<vmem>>
    %dma_start3A_128 = arith.constant 0 : i32
    %dma_start3A_129 = tpu.memref_slice %arg5[%dma_start3A_122, %dma_start3A_128] : memref<128x50xi32, #tpu.memory_space<vmem>> -> memref<1x50xi32, #tpu.memory_space<vmem>>
    %dma_start3A_130 = tpu.memref_squeeze %dma_start3A_129 : memref<1x50xi32, #tpu.memory_space<vmem>> -> memref<50xi32, #tpu.memory_space<vmem>>
    %dma_start3A_131 = arith.constant 0 : i32
    %dma_start3A_132 = arith.constant 0 : i32
    %dma_start3A_133 = tpu.memref_slice %arg3[%dma_start3A_131, %dma_start3A_132] : memref<100000x128xf32, #tpu.memory_space<hbm>> -> memref<100000x128xf32, #tpu.memory_space<hbm>>
    tpu.enqueue_indirect_dma source(%dma_start3A_133 : memref<100000x128xf32, #tpu.memory_space<hbm>>) target(%dma_start3A_127 : memref<50x128xf32, #tpu.memory_space<vmem>>) offsets(%dma_start3A_130 : memref<50xi32, #tpu.memory_space<vmem>>) semaphore(%arg9 : memref<!tpu.dma_semaphore, #tpu.memory_space<semaphore_mem>>)
    %dma_start3A_134 = arith.constant 11 : i32
    %dma_start3A_135 = arith.constant 3 : i32
    %dma_start3A_136 = arith.constant 0 : i32
    %dma_start3A_137 = arith.constant 0 : i32
    %dma_start3A_138 = tpu.memref_slice %arg7[%dma_start3A_135, %dma_start3A_136, %dma_start3A_137] : memref<8x50x128xf32, #tpu.memory_space<vmem>> -> memref<1x50x128xf32, #tpu.memory_space<vmem>>
    %dma_start3A_139 = tpu.memref_squeeze %dma_start3A_138 : memref<1x50x128xf32, #tpu.memory_space<vmem>> -> memref<50x128xf32, #tpu.memory_space<vmem>>
    %dma_start3A_140 = arith.constant 0 : i32
    %dma_start3A_141 = tpu.memref_slice %arg5[%dma_start3A_134, %dma_start3A_140] : memref<128x50xi32, #tpu.memory_space<vmem>> -> memref<1x50xi32, #tpu.memory_space<vmem>>
    %dma_start3A_142 = tpu.memref_squeeze %dma_start3A_141 : memref<1x50xi32, #tpu.memory_space<vmem>> -> memref<50xi32, #tpu.memory_space<vmem>>
    %dma_start3A_143 = arith.constant 0 : i32
    %dma_start3A_144 = arith.constant 0 : i32
    %dma_start3A_145 = tpu.memref_slice %arg3[%dma_start3A_143, %dma_start3A_144] : memref<100000x128xf32, #tpu.memory_space<hbm>> -> memref<100000x128xf32, #tpu.memory_space<hbm>>
    tpu.enqueue_indirect_dma source(%dma_start3A_145 : memref<100000x128xf32, #tpu.memory_space<hbm>>) target(%dma_start3A_139 : memref<50x128xf32, #tpu.memory_space<vmem>>) offsets(%dma_start3A_142 : memref<50xi32, #tpu.memory_space<vmem>>) semaphore(%arg9 : memref<!tpu.dma_semaphore, #tpu.memory_space<semaphore_mem>>)
    %dma_start3A_146 = arith.constant 12 : i32
    %dma_start3A_147 = arith.constant 4 : i32
    %dma_start3A_148 = arith.constant 0 : i32
    %dma_start3A_149 = arith.constant 0 : i32
    %dma_start3A_150 = tpu.memref_slice %arg7[%dma_start3A_147, %dma_start3A_148, %dma_start3A_149] : memref<8x50x128xf32, #tpu.memory_space<vmem>> -> memref<1x50x128xf32, #tpu.memory_space<vmem>>
    %dma_start3A_151 = tpu.memref_squeeze %dma_start3A_150 : memref<1x50x128xf32, #tpu.memory_space<vmem>> -> memref<50x128xf32, #tpu.memory_space<vmem>>
    %dma_start3A_152 = arith.constant 0 : i32
    %dma_start3A_153 = tpu.memref_slice %arg5[%dma_start3A_146, %dma_start3A_152] : memref<128x50xi32, #tpu.memory_space<vmem>> -> memref<1x50xi32, #tpu.memory_space<vmem>>
    %dma_start3A_154 = tpu.memref_squeeze %dma_start3A_153 : memref<1x50xi32, #tpu.memory_space<vmem>> -> memref<50xi32, #tpu.memory_space<vmem>>
    %dma_start3A_155 = arith.constant 0 : i32
    %dma_start3A_156 = arith.constant 0 : i32
    %dma_start3A_157 = tpu.memref_slice %arg3[%dma_start3A_155, %dma_start3A_156] : memref<100000x128xf32, #tpu.memory_space<hbm>> -> memref<100000x128xf32, #tpu.memory_space<hbm>>
    tpu.enqueue_indirect_dma source(%dma_start3A_157 : memref<100000x128xf32, #tpu.memory_space<hbm>>) target(%dma_start3A_151 : memref<50x128xf32, #tpu.memory_space<vmem>>) offsets(%dma_start3A_154 : memref<50xi32, #tpu.memory_space<vmem>>) semaphore(%arg9 : memref<!tpu.dma_semaphore, #tpu.memory_space<semaphore_mem>>)
    %dma_start3A_158 = arith.constant 13 : i32
    %dma_start3A_159 = arith.constant 5 : i32
    %dma_start3A_160 = arith.constant 0 : i32
    %dma_start3A_161 = arith.constant 0 : i32
    %dma_start3A_162 = tpu.memref_slice %arg7[%dma_start3A_159, %dma_start3A_160, %dma_start3A_161] : memref<8x50x128xf32, #tpu.memory_space<vmem>> -> memref<1x50x128xf32, #tpu.memory_space<vmem>>
    %dma_start3A_163 = tpu.memref_squeeze %dma_start3A_162 : memref<1x50x128xf32, #tpu.memory_space<vmem>> -> memref<50x128xf32, #tpu.memory_space<vmem>>
    %dma_start3A_164 = arith.constant 0 : i32
    %dma_start3A_165 = tpu.memref_slice %arg5[%dma_start3A_158, %dma_start3A_164] : memref<128x50xi32, #tpu.memory_space<vmem>> -> memref<1x50xi32, #tpu.memory_space<vmem>>
    %dma_start3A_166 = tpu.memref_squeeze %dma_start3A_165 : memref<1x50xi32, #tpu.memory_space<vmem>> -> memref<50xi32, #tpu.memory_space<vmem>>
    %dma_start3A_167 = arith.constant 0 : i32
    %dma_start3A_168 = arith.constant 0 : i32
    %dma_start3A_169 = tpu.memref_slice %arg3[%dma_start3A_167, %dma_start3A_168] : memref<100000x128xf32, #tpu.memory_space<hbm>> -> memref<100000x128xf32, #tpu.memory_space<hbm>>
    tpu.enqueue_indirect_dma source(%dma_start3A_169 : memref<100000x128xf32, #tpu.memory_space<hbm>>) target(%dma_start3A_163 : memref<50x128xf32, #tpu.memory_space<vmem>>) offsets(%dma_start3A_166 : memref<50xi32, #tpu.memory_space<vmem>>) semaphore(%arg9 : memref<!tpu.dma_semaphore, #tpu.memory_space<semaphore_mem>>)
    %dma_start3A_170 = arith.constant 14 : i32
    %dma_start3A_171 = arith.constant 6 : i32
    %dma_start3A_172 = arith.constant 0 : i32
    %dma_start3A_173 = arith.constant 0 : i32
    %dma_start3A_174 = tpu.memref_slice %arg7[%dma_start3A_171, %dma_start3A_172, %dma_start3A_173] : memref<8x50x128xf32, #tpu.memory_space<vmem>> -> memref<1x50x128xf32, #tpu.memory_space<vmem>>
    %dma_start3A_175 = tpu.memref_squeeze %dma_start3A_174 : memref<1x50x128xf32, #tpu.memory_space<vmem>> -> memref<50x128xf32, #tpu.memory_space<vmem>>
    %dma_start3A_176 = arith.constant 0 : i32
    %dma_start3A_177 = tpu.memref_slice %arg5[%dma_start3A_170, %dma_start3A_176] : memref<128x50xi32, #tpu.memory_space<vmem>> -> memref<1x50xi32, #tpu.memory_space<vmem>>
    %dma_start3A_178 = tpu.memref_squeeze %dma_start3A_177 : memref<1x50xi32, #tpu.memory_space<vmem>> -> memref<50xi32, #tpu.memory_space<vmem>>
    %dma_start3A_179 = arith.constant 0 : i32
    %dma_start3A_180 = arith.constant 0 : i32
    %dma_start3A_181 = tpu.memref_slice %arg3[%dma_start3A_179, %dma_start3A_180] : memref<100000x128xf32, #tpu.memory_space<hbm>> -> memref<100000x128xf32, #tpu.memory_space<hbm>>
    tpu.enqueue_indirect_dma source(%dma_start3A_181 : memref<100000x128xf32, #tpu.memory_space<hbm>>) target(%dma_start3A_175 : memref<50x128xf32, #tpu.memory_space<vmem>>) offsets(%dma_start3A_178 : memref<50xi32, #tpu.memory_space<vmem>>) semaphore(%arg9 : memref<!tpu.dma_semaphore, #tpu.memory_space<semaphore_mem>>)
    %dma_start3A_182 = arith.constant 15 : i32
    %dma_start3A_183 = arith.constant 7 : i32
    %dma_start3A_184 = arith.constant 0 : i32
    %dma_start3A_185 = arith.constant 0 : i32
    %dma_start3A_186 = tpu.memref_slice %arg7[%dma_start3A_183, %dma_start3A_184, %dma_start3A_185] : memref<8x50x128xf32, #tpu.memory_space<vmem>> -> memref<1x50x128xf32, #tpu.memory_space<vmem>>
    %dma_start3A_187 = tpu.memref_squeeze %dma_start3A_186 : memref<1x50x128xf32, #tpu.memory_space<vmem>> -> memref<50x128xf32, #tpu.memory_space<vmem>>
    %dma_start3A_188 = arith.constant 0 : i32
    %dma_start3A_189 = tpu.memref_slice %arg5[%dma_start3A_182, %dma_start3A_188] : memref<128x50xi32, #tpu.memory_space<vmem>> -> memref<1x50xi32, #tpu.memory_space<vmem>>
    %dma_start3A_190 = tpu.memref_squeeze %dma_start3A_189 : memref<1x50xi32, #tpu.memory_space<vmem>> -> memref<50xi32, #tpu.memory_space<vmem>>
    %dma_start3A_191 = arith.constant 0 : i32
    %dma_start3A_192 = arith.constant 0 : i32
    %dma_start3A_193 = tpu.memref_slice %arg3[%dma_start3A_191, %dma_start3A_192] : memref<100000x128xf32, #tpu.memory_space<hbm>> -> memref<100000x128xf32, #tpu.memory_space<hbm>>
    tpu.enqueue_indirect_dma source(%dma_start3A_193 : memref<100000x128xf32, #tpu.memory_space<hbm>>) target(%dma_start3A_187 : memref<50x128xf32, #tpu.memory_space<vmem>>) offsets(%dma_start3A_190 : memref<50xi32, #tpu.memory_space<vmem>>) semaphore(%arg9 : memref<!tpu.dma_semaphore, #tpu.memory_space<semaphore_mem>>)
    %dma_wait3A = arith.constant 0 : i32
    %dma_wait3A_194 = arith.constant 0 : i32
    %dma_wait3A_195 = arith.constant 0 : i32
    %dma_wait3A_196 = arith.constant 0 : i32
    %dma_wait3A_197 = tpu.memref_slice %arg6[%dma_wait3A_194, %dma_wait3A_195, %dma_wait3A_196] : memref<8x50x128xf32, #tpu.memory_space<vmem>> -> memref<1x50x128xf32, #tpu.memory_space<vmem>>
    %dma_wait3A_198 = tpu.memref_squeeze %dma_wait3A_197 : memref<1x50x128xf32, #tpu.memory_space<vmem>> -> memref<50x128xf32, #tpu.memory_space<vmem>>
    %dma_wait3A_199 = arith.constant 0 : i32
    %dma_wait3A_200 = tpu.memref_slice %arg5[%dma_wait3A, %dma_wait3A_199] : memref<128x50xi32, #tpu.memory_space<vmem>> -> memref<1x50xi32, #tpu.memory_space<vmem>>
    %dma_wait3A_201 = tpu.memref_squeeze %dma_wait3A_200 : memref<1x50xi32, #tpu.memory_space<vmem>> -> memref<50xi32, #tpu.memory_space<vmem>>
    %dma_wait3A_202 = arith.constant 0 : i32
    %dma_wait3A_203 = arith.constant 0 : i32
    %dma_wait3A_204 = tpu.memref_slice %arg3[%dma_wait3A_202, %dma_wait3A_203] : memref<100000x128xf32, #tpu.memory_space<hbm>> -> memref<100000x128xf32, #tpu.memory_space<hbm>>
    tpu.wait_indirect_dma semaphore(%arg8 : memref<!tpu.dma_semaphore, #tpu.memory_space<semaphore_mem>>) src(%dma_wait3A_204 : memref<100000x128xf32, #tpu.memory_space<hbm>>) dst(%dma_wait3A_198 : memref<50x128xf32, #tpu.memory_space<vmem>>)
    %dma_wait3A_205 = arith.constant 1 : i32
    %dma_wait3A_206 = arith.constant 1 : i32
    %dma_wait3A_207 = arith.constant 0 : i32
    %dma_wait3A_208 = arith.constant 0 : i32
    %dma_wait3A_209 = tpu.memref_slice %arg6[%dma_wait3A_206, %dma_wait3A_207, %dma_wait3A_208] : memref<8x50x128xf32, #tpu.memory_space<vmem>> -> memref<1x50x128xf32, #tpu.memory_space<vmem>>
    %dma_wait3A_210 = tpu.memref_squeeze %dma_wait3A_209 : memref<1x50x128xf32, #tpu.memory_space<vmem>> -> memref<50x128xf32, #tpu.memory_space<vmem>>
    %dma_wait3A_211 = arith.constant 0 : i32
    %dma_wait3A_212 = tpu.memref_slice %arg5[%dma_wait3A_205, %dma_wait3A_211] : memref<128x50xi32, #tpu.memory_space<vmem>> -> memref<1x50xi32, #tpu.memory_space<vmem>>
    %dma_wait3A_213 = tpu.memref_squeeze %dma_wait3A_212 : memref<1x50xi32, #tpu.memory_space<vmem>> -> memref<50xi32, #tpu.memory_space<vmem>>
    %dma_wait3A_214 = arith.constant 0 : i32
    %dma_wait3A_215 = arith.constant 0 : i32
    %dma_wait3A_216 = tpu.memref_slice %arg3[%dma_wait3A_214, %dma_wait3A_215] : memref<100000x128xf32, #tpu.memory_space<hbm>> -> memref<100000x128xf32, #tpu.memory_space<hbm>>
    tpu.wait_indirect_dma semaphore(%arg8 : memref<!tpu.dma_semaphore, #tpu.memory_space<semaphore_mem>>) src(%dma_wait3A_216 : memref<100000x128xf32, #tpu.memory_space<hbm>>) dst(%dma_wait3A_210 : memref<50x128xf32, #tpu.memory_space<vmem>>)
    %dma_wait3A_217 = arith.constant 2 : i32
    %dma_wait3A_218 = arith.constant 2 : i32
    %dma_wait3A_219 = arith.constant 0 : i32
    %dma_wait3A_220 = arith.constant 0 : i32
    %dma_wait3A_221 = tpu.memref_slice %arg6[%dma_wait3A_218, %dma_wait3A_219, %dma_wait3A_220] : memref<8x50x128xf32, #tpu.memory_space<vmem>> -> memref<1x50x128xf32, #tpu.memory_space<vmem>>
    %dma_wait3A_222 = tpu.memref_squeeze %dma_wait3A_221 : memref<1x50x128xf32, #tpu.memory_space<vmem>> -> memref<50x128xf32, #tpu.memory_space<vmem>>
    %dma_wait3A_223 = arith.constant 0 : i32
    %dma_wait3A_224 = tpu.memref_slice %arg5[%dma_wait3A_217, %dma_wait3A_223] : memref<128x50xi32, #tpu.memory_space<vmem>> -> memref<1x50xi32, #tpu.memory_space<vmem>>
    %dma_wait3A_225 = tpu.memref_squeeze %dma_wait3A_224 : memref<1x50xi32, #tpu.memory_space<vmem>> -> memref<50xi32, #tpu.memory_space<vmem>>
    %dma_wait3A_226 = arith.constant 0 : i32
    %dma_wait3A_227 = arith.constant 0 : i32
    %dma_wait3A_228 = tpu.memref_slice %arg3[%dma_wait3A_226, %dma_wait3A_227] : memref<100000x128xf32, #tpu.memory_space<hbm>> -> memref<100000x128xf32, #tpu.memory_space<hbm>>
    tpu.wait_indirect_dma semaphore(%arg8 : memref<!tpu.dma_semaphore, #tpu.memory_space<semaphore_mem>>) src(%dma_wait3A_228 : memref<100000x128xf32, #tpu.memory_space<hbm>>) dst(%dma_wait3A_222 : memref<50x128xf32, #tpu.memory_space<vmem>>)
    %dma_wait3A_229 = arith.constant 3 : i32
    %dma_wait3A_230 = arith.constant 3 : i32
    %dma_wait3A_231 = arith.constant 0 : i32
    %dma_wait3A_232 = arith.constant 0 : i32
    %dma_wait3A_233 = tpu.memref_slice %arg6[%dma_wait3A_230, %dma_wait3A_231, %dma_wait3A_232] : memref<8x50x128xf32, #tpu.memory_space<vmem>> -> memref<1x50x128xf32, #tpu.memory_space<vmem>>
    %dma_wait3A_234 = tpu.memref_squeeze %dma_wait3A_233 : memref<1x50x128xf32, #tpu.memory_space<vmem>> -> memref<50x128xf32, #tpu.memory_space<vmem>>
    %dma_wait3A_235 = arith.constant 0 : i32
    %dma_wait3A_236 = tpu.memref_slice %arg5[%dma_wait3A_229, %dma_wait3A_235] : memref<128x50xi32, #tpu.memory_space<vmem>> -> memref<1x50xi32, #tpu.memory_space<vmem>>
    %dma_wait3A_237 = tpu.memref_squeeze %dma_wait3A_236 : memref<1x50xi32, #tpu.memory_space<vmem>> -> memref<50xi32, #tpu.memory_space<vmem>>
    %dma_wait3A_238 = arith.constant 0 : i32
    %dma_wait3A_239 = arith.constant 0 : i32
    %dma_wait3A_240 = tpu.memref_slice %arg3[%dma_wait3A_238, %dma_wait3A_239] : memref<100000x128xf32, #tpu.memory_space<hbm>> -> memref<100000x128xf32, #tpu.memory_space<hbm>>
    tpu.wait_indirect_dma semaphore(%arg8 : memref<!tpu.dma_semaphore, #tpu.memory_space<semaphore_mem>>) src(%dma_wait3A_240 : memref<100000x128xf32, #tpu.memory_space<hbm>>) dst(%dma_wait3A_234 : memref<50x128xf32, #tpu.memory_space<vmem>>)
    %dma_wait3A_241 = arith.constant 4 : i32
    %dma_wait3A_242 = arith.constant 4 : i32
    %dma_wait3A_243 = arith.constant 0 : i32
    %dma_wait3A_244 = arith.constant 0 : i32
    %dma_wait3A_245 = tpu.memref_slice %arg6[%dma_wait3A_242, %dma_wait3A_243, %dma_wait3A_244] : memref<8x50x128xf32, #tpu.memory_space<vmem>> -> memref<1x50x128xf32, #tpu.memory_space<vmem>>
    %dma_wait3A_246 = tpu.memref_squeeze %dma_wait3A_245 : memref<1x50x128xf32, #tpu.memory_space<vmem>> -> memref<50x128xf32, #tpu.memory_space<vmem>>
    %dma_wait3A_247 = arith.constant 0 : i32
    %dma_wait3A_248 = tpu.memref_slice %arg5[%dma_wait3A_241, %dma_wait3A_247] : memref<128x50xi32, #tpu.memory_space<vmem>> -> memref<1x50xi32, #tpu.memory_space<vmem>>
    %dma_wait3A_249 = tpu.memref_squeeze %dma_wait3A_248 : memref<1x50xi32, #tpu.memory_space<vmem>> -> memref<50xi32, #tpu.memory_space<vmem>>
    %dma_wait3A_250 = arith.constant 0 : i32
    %dma_wait3A_251 = arith.constant 0 : i32
    %dma_wait3A_252 = tpu.memref_slice %arg3[%dma_wait3A_250, %dma_wait3A_251] : memref<100000x128xf32, #tpu.memory_space<hbm>> -> memref<100000x128xf32, #tpu.memory_space<hbm>>
    tpu.wait_indirect_dma semaphore(%arg8 : memref<!tpu.dma_semaphore, #tpu.memory_space<semaphore_mem>>) src(%dma_wait3A_252 : memref<100000x128xf32, #tpu.memory_space<hbm>>) dst(%dma_wait3A_246 : memref<50x128xf32, #tpu.memory_space<vmem>>)
    %dma_wait3A_253 = arith.constant 5 : i32
    %dma_wait3A_254 = arith.constant 5 : i32
    %dma_wait3A_255 = arith.constant 0 : i32
    %dma_wait3A_256 = arith.constant 0 : i32
    %dma_wait3A_257 = tpu.memref_slice %arg6[%dma_wait3A_254, %dma_wait3A_255, %dma_wait3A_256] : memref<8x50x128xf32, #tpu.memory_space<vmem>> -> memref<1x50x128xf32, #tpu.memory_space<vmem>>
    %dma_wait3A_258 = tpu.memref_squeeze %dma_wait3A_257 : memref<1x50x128xf32, #tpu.memory_space<vmem>> -> memref<50x128xf32, #tpu.memory_space<vmem>>
    %dma_wait3A_259 = arith.constant 0 : i32
    %dma_wait3A_260 = tpu.memref_slice %arg5[%dma_wait3A_253, %dma_wait3A_259] : memref<128x50xi32, #tpu.memory_space<vmem>> -> memref<1x50xi32, #tpu.memory_space<vmem>>
    %dma_wait3A_261 = tpu.memref_squeeze %dma_wait3A_260 : memref<1x50xi32, #tpu.memory_space<vmem>> -> memref<50xi32, #tpu.memory_space<vmem>>
    %dma_wait3A_262 = arith.constant 0 : i32
    %dma_wait3A_263 = arith.constant 0 : i32
    %dma_wait3A_264 = tpu.memref_slice %arg3[%dma_wait3A_262, %dma_wait3A_263] : memref<100000x128xf32, #tpu.memory_space<hbm>> -> memref<100000x128xf32, #tpu.memory_space<hbm>>
    tpu.wait_indirect_dma semaphore(%arg8 : memref<!tpu.dma_semaphore, #tpu.memory_space<semaphore_mem>>) src(%dma_wait3A_264 : memref<100000x128xf32, #tpu.memory_space<hbm>>) dst(%dma_wait3A_258 : memref<50x128xf32, #tpu.memory_space<vmem>>)
    %dma_wait3A_265 = arith.constant 6 : i32
    %dma_wait3A_266 = arith.constant 6 : i32
    %dma_wait3A_267 = arith.constant 0 : i32
    %dma_wait3A_268 = arith.constant 0 : i32
    %dma_wait3A_269 = tpu.memref_slice %arg6[%dma_wait3A_266, %dma_wait3A_267, %dma_wait3A_268] : memref<8x50x128xf32, #tpu.memory_space<vmem>> -> memref<1x50x128xf32, #tpu.memory_space<vmem>>
    %dma_wait3A_270 = tpu.memref_squeeze %dma_wait3A_269 : memref<1x50x128xf32, #tpu.memory_space<vmem>> -> memref<50x128xf32, #tpu.memory_space<vmem>>
    %dma_wait3A_271 = arith.constant 0 : i32
    %dma_wait3A_272 = tpu.memref_slice %arg5[%dma_wait3A_265, %dma_wait3A_271] : memref<128x50xi32, #tpu.memory_space<vmem>> -> memref<1x50xi32, #tpu.memory_space<vmem>>
    %dma_wait3A_273 = tpu.memref_squeeze %dma_wait3A_272 : memref<1x50xi32, #tpu.memory_space<vmem>> -> memref<50xi32, #tpu.memory_space<vmem>>
    %dma_wait3A_274 = arith.constant 0 : i32
    %dma_wait3A_275 = arith.constant 0 : i32
    %dma_wait3A_276 = tpu.memref_slice %arg3[%dma_wait3A_274, %dma_wait3A_275] : memref<100000x128xf32, #tpu.memory_space<hbm>> -> memref<100000x128xf32, #tpu.memory_space<hbm>>
    tpu.wait_indirect_dma semaphore(%arg8 : memref<!tpu.dma_semaphore, #tpu.memory_space<semaphore_mem>>) src(%dma_wait3A_276 : memref<100000x128xf32, #tpu.memory_space<hbm>>) dst(%dma_wait3A_270 : memref<50x128xf32, #tpu.memory_space<vmem>>)
    %dma_wait3A_277 = arith.constant 7 : i32
    %dma_wait3A_278 = arith.constant 7 : i32
    %dma_wait3A_279 = arith.constant 0 : i32
    %dma_wait3A_280 = arith.constant 0 : i32
    %dma_wait3A_281 = tpu.memref_slice %arg6[%dma_wait3A_278, %dma_wait3A_279, %dma_wait3A_280] : memref<8x50x128xf32, #tpu.memory_space<vmem>> -> memref<1x50x128xf32, #tpu.memory_space<vmem>>
    %dma_wait3A_282 = tpu.memref_squeeze %dma_wait3A_281 : memref<1x50x128xf32, #tpu.memory_space<vmem>> -> memref<50x128xf32, #tpu.memory_space<vmem>>
    %dma_wait3A_283 = arith.constant 0 : i32
    %dma_wait3A_284 = tpu.memref_slice %arg5[%dma_wait3A_277, %dma_wait3A_283] : memref<128x50xi32, #tpu.memory_space<vmem>> -> memref<1x50xi32, #tpu.memory_space<vmem>>
    %dma_wait3A_285 = tpu.memref_squeeze %dma_wait3A_284 : memref<1x50xi32, #tpu.memory_space<vmem>> -> memref<50xi32, #tpu.memory_space<vmem>>
    %dma_wait3A_286 = arith.constant 0 : i32
    %dma_wait3A_287 = arith.constant 0 : i32
    %dma_wait3A_288 = tpu.memref_slice %arg3[%dma_wait3A_286, %dma_wait3A_287] : memref<100000x128xf32, #tpu.memory_space<hbm>> -> memref<100000x128xf32, #tpu.memory_space<hbm>>
    tpu.wait_indirect_dma semaphore(%arg8 : memref<!tpu.dma_semaphore, #tpu.memory_space<semaphore_mem>>) src(%dma_wait3A_288 : memref<100000x128xf32, #tpu.memory_space<hbm>>) dst(%dma_wait3A_282 : memref<50x128xf32, #tpu.memory_space<vmem>>)
    %add3A_289 = arith.constant 0 : i32
    %add3A_290 = arith.addi %mul3A_2, %add3A_289 : i32
    %add3A_291 = arith.constant 0 : i32
    %add3A_292 = arith.addi %add3A_290, %add3A_291 : i32
    %add3A_293 = arith.constant 0 : i32
    %add3A_294 = arith.addi %mul3A_2, %add3A_293 : i32
    %add3A_295 = arith.constant 1 : i32
    %add3A_296 = arith.addi %add3A_294, %add3A_295 : i32
    %add3A_297 = arith.constant 0 : i32
    %add3A_298 = arith.addi %mul3A_2, %add3A_297 : i32
    %add3A_299 = arith.constant 2 : i32
    %add3A_300 = arith.addi %add3A_298, %add3A_299 : i32
    %add3A_301 = arith.constant 0 : i32
    %add3A_302 = arith.addi %mul3A_2, %add3A_301 : i32
    %add3A_303 = arith.constant 3 : i32
    %add3A_304 = arith.addi %add3A_302, %add3A_303 : i32
    %add3A_305 = arith.constant 0 : i32
    %add3A_306 = arith.addi %mul3A_2, %add3A_305 : i32
    %add3A_307 = arith.constant 4 : i32
    %add3A_308 = arith.addi %add3A_306, %add3A_307 : i32
    %add3A_309 = arith.constant 0 : i32
    %add3A_310 = arith.addi %mul3A_2, %add3A_309 : i32
    %add3A_311 = arith.constant 5 : i32
    %add3A_312 = arith.addi %add3A_310, %add3A_311 : i32
    %add3A_313 = arith.constant 0 : i32
    %add3A_314 = arith.addi %mul3A_2, %add3A_313 : i32
    %add3A_315 = arith.constant 6 : i32
    %add3A_316 = arith.addi %add3A_314, %add3A_315 : i32
    %add3A_317 = arith.constant 0 : i32
    %add3A_318 = arith.addi %mul3A_2, %add3A_317 : i32
    %add3A_319 = arith.constant 7 : i32
    %add3A_320 = arith.addi %add3A_318, %add3A_319 : i32
    %dma_start3A_321 = arith.constant 0 : i32
    %dma_start3A_322 = arith.constant 0 : i32
    %dma_start3A_323 = arith.constant 0 : i32
    %dma_start3A_324 = tpu.memref_slice %arg6[%dma_start3A_321, %dma_start3A_322, %dma_start3A_323] : memref<8x50x128xf32, #tpu.memory_space<vmem>> -> memref<1x50x128xf32, #tpu.memory_space<vmem>>
    %dma_start3A_325 = tpu.memref_squeeze %dma_start3A_324 : memref<1x50x128xf32, #tpu.memory_space<vmem>> -> memref<50x128xf32, #tpu.memory_space<vmem>>
    %dma_start3A_326 = arith.constant 0 : i32
    %dma_start3A_327 = arith.constant 0 : i32
    %dma_start3A_328 = tpu.memref_slice %arg4[%dma_start3A_326, %add3A_292, %dma_start3A_327] : memref<50x4096x128xf32, #tpu.memory_space<hbm>> -> memref<50x1x128xf32, #tpu.memory_space<hbm>>
    %dma_start3A_329 = tpu.memref_squeeze %dma_start3A_328 : memref<50x1x128xf32, #tpu.memory_space<hbm>> -> memref<50x128xf32, #tpu.memory_space<hbm>>
    %dma_start3A_330 = arith.constant 0 : i32
    %dma_start3A_331 = arith.constant 0 : i32
    %dma_start3A_332 = tpu.memref_slice %arg4[%dma_start3A_330, %add3A_292, %dma_start3A_331] : memref<50x4096x128xf32, #tpu.memory_space<hbm>> -> memref<50x1x128xf32, #tpu.memory_space<hbm>>
    %dma_start3A_333 = tpu.memref_squeeze %dma_start3A_332 : memref<50x1x128xf32, #tpu.memory_space<hbm>> -> memref<50x128xf32, #tpu.memory_space<hbm>>
    %dma_start3A_334 = arith.constant 0 : i32
    %dma_start3A_335 = arith.constant 0 : i32
    %dma_start3A_336 = tpu.memref_slice %arg6[%dma_start3A_321, %dma_start3A_334, %dma_start3A_335] : memref<8x50x128xf32, #tpu.memory_space<vmem>> -> memref<1x50x128xf32, #tpu.memory_space<vmem>>
    %dma_start3A_337 = tpu.memref_squeeze %dma_start3A_336 : memref<1x50x128xf32, #tpu.memory_space<vmem>> -> memref<50x128xf32, #tpu.memory_space<vmem>>
    tpu.enqueue_dma source(%dma_start3A_337 : memref<50x128xf32, #tpu.memory_space<vmem>>) target(%dma_start3A_333 : memref<50x128xf32, #tpu.memory_space<hbm>>) target_semaphore(%arg10 : memref<!tpu.dma_semaphore, #tpu.memory_space<semaphore_mem>>)
    %dma_start3A_338 = arith.constant 1 : i32
    %dma_start3A_339 = arith.constant 0 : i32
    %dma_start3A_340 = arith.constant 0 : i32
    %dma_start3A_341 = tpu.memref_slice %arg6[%dma_start3A_338, %dma_start3A_339, %dma_start3A_340] : memref<8x50x128xf32, #tpu.memory_space<vmem>> -> memref<1x50x128xf32, #tpu.memory_space<vmem>>
    %dma_start3A_342 = tpu.memref_squeeze %dma_start3A_341 : memref<1x50x128xf32, #tpu.memory_space<vmem>> -> memref<50x128xf32, #tpu.memory_space<vmem>>
    %dma_start3A_343 = arith.constant 0 : i32
    %dma_start3A_344 = arith.constant 0 : i32
    %dma_start3A_345 = tpu.memref_slice %arg4[%dma_start3A_343, %add3A_296, %dma_start3A_344] : memref<50x4096x128xf32, #tpu.memory_space<hbm>> -> memref<50x1x128xf32, #tpu.memory_space<hbm>>
    %dma_start3A_346 = tpu.memref_squeeze %dma_start3A_345 : memref<50x1x128xf32, #tpu.memory_space<hbm>> -> memref<50x128xf32, #tpu.memory_space<hbm>>
    %dma_start3A_347 = arith.constant 0 : i32
    %dma_start3A_348 = arith.constant 0 : i32
    %dma_start3A_349 = tpu.memref_slice %arg4[%dma_start3A_347, %add3A_296, %dma_start3A_348] : memref<50x4096x128xf32, #tpu.memory_space<hbm>> -> memref<50x1x128xf32, #tpu.memory_space<hbm>>
    %dma_start3A_350 = tpu.memref_squeeze %dma_start3A_349 : memref<50x1x128xf32, #tpu.memory_space<hbm>> -> memref<50x128xf32, #tpu.memory_space<hbm>>
    %dma_start3A_351 = arith.constant 0 : i32
    %dma_start3A_352 = arith.constant 0 : i32
    %dma_start3A_353 = tpu.memref_slice %arg6[%dma_start3A_338, %dma_start3A_351, %dma_start3A_352] : memref<8x50x128xf32, #tpu.memory_space<vmem>> -> memref<1x50x128xf32, #tpu.memory_space<vmem>>
    %dma_start3A_354 = tpu.memref_squeeze %dma_start3A_353 : memref<1x50x128xf32, #tpu.memory_space<vmem>> -> memref<50x128xf32, #tpu.memory_space<vmem>>
    tpu.enqueue_dma source(%dma_start3A_354 : memref<50x128xf32, #tpu.memory_space<vmem>>) target(%dma_start3A_350 : memref<50x128xf32, #tpu.memory_space<hbm>>) target_semaphore(%arg10 : memref<!tpu.dma_semaphore, #tpu.memory_space<semaphore_mem>>)
    %dma_start3A_355 = arith.constant 2 : i32
    %dma_start3A_356 = arith.constant 0 : i32
    %dma_start3A_357 = arith.constant 0 : i32
    %dma_start3A_358 = tpu.memref_slice %arg6[%dma_start3A_355, %dma_start3A_356, %dma_start3A_357] : memref<8x50x128xf32, #tpu.memory_space<vmem>> -> memref<1x50x128xf32, #tpu.memory_space<vmem>>
    %dma_start3A_359 = tpu.memref_squeeze %dma_start3A_358 : memref<1x50x128xf32, #tpu.memory_space<vmem>> -> memref<50x128xf32, #tpu.memory_space<vmem>>
    %dma_start3A_360 = arith.constant 0 : i32
    %dma_start3A_361 = arith.constant 0 : i32
    %dma_start3A_362 = tpu.memref_slice %arg4[%dma_start3A_360, %add3A_300, %dma_start3A_361] : memref<50x4096x128xf32, #tpu.memory_space<hbm>> -> memref<50x1x128xf32, #tpu.memory_space<hbm>>
    %dma_start3A_363 = tpu.memref_squeeze %dma_start3A_362 : memref<50x1x128xf32, #tpu.memory_space<hbm>> -> memref<50x128xf32, #tpu.memory_space<hbm>>
    %dma_start3A_364 = arith.constant 0 : i32
    %dma_start3A_365 = arith.constant 0 : i32
    %dma_start3A_366 = tpu.memref_slice %arg4[%dma_start3A_364, %add3A_300, %dma_start3A_365] : memref<50x4096x128xf32, #tpu.memory_space<hbm>> -> memref<50x1x128xf32, #tpu.memory_space<hbm>>
    %dma_start3A_367 = tpu.memref_squeeze %dma_start3A_366 : memref<50x1x128xf32, #tpu.memory_space<hbm>> -> memref<50x128xf32, #tpu.memory_space<hbm>>
    %dma_start3A_368 = arith.constant 0 : i32
    %dma_start3A_369 = arith.constant 0 : i32
    %dma_start3A_370 = tpu.memref_slice %arg6[%dma_start3A_355, %dma_start3A_368, %dma_start3A_369] : memref<8x50x128xf32, #tpu.memory_space<vmem>> -> memref<1x50x128xf32, #tpu.memory_space<vmem>>
    %dma_start3A_371 = tpu.memref_squeeze %dma_start3A_370 : memref<1x50x128xf32, #tpu.memory_space<vmem>> -> memref<50x128xf32, #tpu.memory_space<vmem>>
    tpu.enqueue_dma source(%dma_start3A_371 : memref<50x128xf32, #tpu.memory_space<vmem>>) target(%dma_start3A_367 : memref<50x128xf32, #tpu.memory_space<hbm>>) target_semaphore(%arg10 : memref<!tpu.dma_semaphore, #tpu.memory_space<semaphore_mem>>)
    %dma_start3A_372 = arith.constant 3 : i32
    %dma_start3A_373 = arith.constant 0 : i32
    %dma_start3A_374 = arith.constant 0 : i32
    %dma_start3A_375 = tpu.memref_slice %arg6[%dma_start3A_372, %dma_start3A_373, %dma_start3A_374] : memref<8x50x128xf32, #tpu.memory_space<vmem>> -> memref<1x50x128xf32, #tpu.memory_space<vmem>>
    %dma_start3A_376 = tpu.memref_squeeze %dma_start3A_375 : memref<1x50x128xf32, #tpu.memory_space<vmem>> -> memref<50x128xf32, #tpu.memory_space<vmem>>
    %dma_start3A_377 = arith.constant 0 : i32
    %dma_start3A_378 = arith.constant 0 : i32
    %dma_start3A_379 = tpu.memref_slice %arg4[%dma_start3A_377, %add3A_304, %dma_start3A_378] : memref<50x4096x128xf32, #tpu.memory_space<hbm>> -> memref<50x1x128xf32, #tpu.memory_space<hbm>>
    %dma_start3A_380 = tpu.memref_squeeze %dma_start3A_379 : memref<50x1x128xf32, #tpu.memory_space<hbm>> -> memref<50x128xf32, #tpu.memory_space<hbm>>
    %dma_start3A_381 = arith.constant 0 : i32
    %dma_start3A_382 = arith.constant 0 : i32
    %dma_start3A_383 = tpu.memref_slice %arg4[%dma_start3A_381, %add3A_304, %dma_start3A_382] : memref<50x4096x128xf32, #tpu.memory_space<hbm>> -> memref<50x1x128xf32, #tpu.memory_space<hbm>>
    %dma_start3A_384 = tpu.memref_squeeze %dma_start3A_383 : memref<50x1x128xf32, #tpu.memory_space<hbm>> -> memref<50x128xf32, #tpu.memory_space<hbm>>
    %dma_start3A_385 = arith.constant 0 : i32
    %dma_start3A_386 = arith.constant 0 : i32
    %dma_start3A_387 = tpu.memref_slice %arg6[%dma_start3A_372, %dma_start3A_385, %dma_start3A_386] : memref<8x50x128xf32, #tpu.memory_space<vmem>> -> memref<1x50x128xf32, #tpu.memory_space<vmem>>
    %dma_start3A_388 = tpu.memref_squeeze %dma_start3A_387 : memref<1x50x128xf32, #tpu.memory_space<vmem>> -> memref<50x128xf32, #tpu.memory_space<vmem>>
    tpu.enqueue_dma source(%dma_start3A_388 : memref<50x128xf32, #tpu.memory_space<vmem>>) target(%dma_start3A_384 : memref<50x128xf32, #tpu.memory_space<hbm>>) target_semaphore(%arg10 : memref<!tpu.dma_semaphore, #tpu.memory_space<semaphore_mem>>)
    %dma_start3A_389 = arith.constant 4 : i32
    %dma_start3A_390 = arith.constant 0 : i32
    %dma_start3A_391 = arith.constant 0 : i32
    %dma_start3A_392 = tpu.memref_slice %arg6[%dma_start3A_389, %dma_start3A_390, %dma_start3A_391] : memref<8x50x128xf32, #tpu.memory_space<vmem>> -> memref<1x50x128xf32, #tpu.memory_space<vmem>>
    %dma_start3A_393 = tpu.memref_squeeze %dma_start3A_392 : memref<1x50x128xf32, #tpu.memory_space<vmem>> -> memref<50x128xf32, #tpu.memory_space<vmem>>
    %dma_start3A_394 = arith.constant 0 : i32
    %dma_start3A_395 = arith.constant 0 : i32
    %dma_start3A_396 = tpu.memref_slice %arg4[%dma_start3A_394, %add3A_308, %dma_start3A_395] : memref<50x4096x128xf32, #tpu.memory_space<hbm>> -> memref<50x1x128xf32, #tpu.memory_space<hbm>>
    %dma_start3A_397 = tpu.memref_squeeze %dma_start3A_396 : memref<50x1x128xf32, #tpu.memory_space<hbm>> -> memref<50x128xf32, #tpu.memory_space<hbm>>
    %dma_start3A_398 = arith.constant 0 : i32
    %dma_start3A_399 = arith.constant 0 : i32
    %dma_start3A_400 = tpu.memref_slice %arg4[%dma_start3A_398, %add3A_308, %dma_start3A_399] : memref<50x4096x128xf32, #tpu.memory_space<hbm>> -> memref<50x1x128xf32, #tpu.memory_space<hbm>>
    %dma_start3A_401 = tpu.memref_squeeze %dma_start3A_400 : memref<50x1x128xf32, #tpu.memory_space<hbm>> -> memref<50x128xf32, #tpu.memory_space<hbm>>
    %dma_start3A_402 = arith.constant 0 : i32
    %dma_start3A_403 = arith.constant 0 : i32
    %dma_start3A_404 = tpu.memref_slice %arg6[%dma_start3A_389, %dma_start3A_402, %dma_start3A_403] : memref<8x50x128xf32, #tpu.memory_space<vmem>> -> memref<1x50x128xf32, #tpu.memory_space<vmem>>
    %dma_start3A_405 = tpu.memref_squeeze %dma_start3A_404 : memref<1x50x128xf32, #tpu.memory_space<vmem>> -> memref<50x128xf32, #tpu.memory_space<vmem>>
    tpu.enqueue_dma source(%dma_start3A_405 : memref<50x128xf32, #tpu.memory_space<vmem>>) target(%dma_start3A_401 : memref<50x128xf32, #tpu.memory_space<hbm>>) target_semaphore(%arg10 : memref<!tpu.dma_semaphore, #tpu.memory_space<semaphore_mem>>)
    %dma_start3A_406 = arith.constant 5 : i32
    %dma_start3A_407 = arith.constant 0 : i32
    %dma_start3A_408 = arith.constant 0 : i32
    %dma_start3A_409 = tpu.memref_slice %arg6[%dma_start3A_406, %dma_start3A_407, %dma_start3A_408] : memref<8x50x128xf32, #tpu.memory_space<vmem>> -> memref<1x50x128xf32, #tpu.memory_space<vmem>>
    %dma_start3A_410 = tpu.memref_squeeze %dma_start3A_409 : memref<1x50x128xf32, #tpu.memory_space<vmem>> -> memref<50x128xf32, #tpu.memory_space<vmem>>
    %dma_start3A_411 = arith.constant 0 : i32
    %dma_start3A_412 = arith.constant 0 : i32
    %dma_start3A_413 = tpu.memref_slice %arg4[%dma_start3A_411, %add3A_312, %dma_start3A_412] : memref<50x4096x128xf32, #tpu.memory_space<hbm>> -> memref<50x1x128xf32, #tpu.memory_space<hbm>>
    %dma_start3A_414 = tpu.memref_squeeze %dma_start3A_413 : memref<50x1x128xf32, #tpu.memory_space<hbm>> -> memref<50x128xf32, #tpu.memory_space<hbm>>
    %dma_start3A_415 = arith.constant 0 : i32
    %dma_start3A_416 = arith.constant 0 : i32
    %dma_start3A_417 = tpu.memref_slice %arg4[%dma_start3A_415, %add3A_312, %dma_start3A_416] : memref<50x4096x128xf32, #tpu.memory_space<hbm>> -> memref<50x1x128xf32, #tpu.memory_space<hbm>>
    %dma_start3A_418 = tpu.memref_squeeze %dma_start3A_417 : memref<50x1x128xf32, #tpu.memory_space<hbm>> -> memref<50x128xf32, #tpu.memory_space<hbm>>
    %dma_start3A_419 = arith.constant 0 : i32
    %dma_start3A_420 = arith.constant 0 : i32
    %dma_start3A_421 = tpu.memref_slice %arg6[%dma_start3A_406, %dma_start3A_419, %dma_start3A_420] : memref<8x50x128xf32, #tpu.memory_space<vmem>> -> memref<1x50x128xf32, #tpu.memory_space<vmem>>
    %dma_start3A_422 = tpu.memref_squeeze %dma_start3A_421 : memref<1x50x128xf32, #tpu.memory_space<vmem>> -> memref<50x128xf32, #tpu.memory_space<vmem>>
    tpu.enqueue_dma source(%dma_start3A_422 : memref<50x128xf32, #tpu.memory_space<vmem>>) target(%dma_start3A_418 : memref<50x128xf32, #tpu.memory_space<hbm>>) target_semaphore(%arg10 : memref<!tpu.dma_semaphore, #tpu.memory_space<semaphore_mem>>)
    %dma_start3A_423 = arith.constant 6 : i32
    %dma_start3A_424 = arith.constant 0 : i32
    %dma_start3A_425 = arith.constant 0 : i32
    %dma_start3A_426 = tpu.memref_slice %arg6[%dma_start3A_423, %dma_start3A_424, %dma_start3A_425] : memref<8x50x128xf32, #tpu.memory_space<vmem>> -> memref<1x50x128xf32, #tpu.memory_space<vmem>>
    %dma_start3A_427 = tpu.memref_squeeze %dma_start3A_426 : memref<1x50x128xf32, #tpu.memory_space<vmem>> -> memref<50x128xf32, #tpu.memory_space<vmem>>
    %dma_start3A_428 = arith.constant 0 : i32
    %dma_start3A_429 = arith.constant 0 : i32
    %dma_start3A_430 = tpu.memref_slice %arg4[%dma_start3A_428, %add3A_316, %dma_start3A_429] : memref<50x4096x128xf32, #tpu.memory_space<hbm>> -> memref<50x1x128xf32, #tpu.memory_space<hbm>>
    %dma_start3A_431 = tpu.memref_squeeze %dma_start3A_430 : memref<50x1x128xf32, #tpu.memory_space<hbm>> -> memref<50x128xf32, #tpu.memory_space<hbm>>
    %dma_start3A_432 = arith.constant 0 : i32
    %dma_start3A_433 = arith.constant 0 : i32
    %dma_start3A_434 = tpu.memref_slice %arg4[%dma_start3A_432, %add3A_316, %dma_start3A_433] : memref<50x4096x128xf32, #tpu.memory_space<hbm>> -> memref<50x1x128xf32, #tpu.memory_space<hbm>>
    %dma_start3A_435 = tpu.memref_squeeze %dma_start3A_434 : memref<50x1x128xf32, #tpu.memory_space<hbm>> -> memref<50x128xf32, #tpu.memory_space<hbm>>
    %dma_start3A_436 = arith.constant 0 : i32
    %dma_start3A_437 = arith.constant 0 : i32
    %dma_start3A_438 = tpu.memref_slice %arg6[%dma_start3A_423, %dma_start3A_436, %dma_start3A_437] : memref<8x50x128xf32, #tpu.memory_space<vmem>> -> memref<1x50x128xf32, #tpu.memory_space<vmem>>
    %dma_start3A_439 = tpu.memref_squeeze %dma_start3A_438 : memref<1x50x128xf32, #tpu.memory_space<vmem>> -> memref<50x128xf32, #tpu.memory_space<vmem>>
    tpu.enqueue_dma source(%dma_start3A_439 : memref<50x128xf32, #tpu.memory_space<vmem>>) target(%dma_start3A_435 : memref<50x128xf32, #tpu.memory_space<hbm>>) target_semaphore(%arg10 : memref<!tpu.dma_semaphore, #tpu.memory_space<semaphore_mem>>)
    %dma_start3A_440 = arith.constant 7 : i32
    %dma_start3A_441 = arith.constant 0 : i32
    %dma_start3A_442 = arith.constant 0 : i32
    %dma_start3A_443 = tpu.memref_slice %arg6[%dma_start3A_440, %dma_start3A_441, %dma_start3A_442] : memref<8x50x128xf32, #tpu.memory_space<vmem>> -> memref<1x50x128xf32, #tpu.memory_space<vmem>>
    %dma_start3A_444 = tpu.memref_squeeze %dma_start3A_443 : memref<1x50x128xf32, #tpu.memory_space<vmem>> -> memref<50x128xf32, #tpu.memory_space<vmem>>
    %dma_start3A_445 = arith.constant 0 : i32
    %dma_start3A_446 = arith.constant 0 : i32
    %dma_start3A_447 = tpu.memref_slice %arg4[%dma_start3A_445, %add3A_320, %dma_start3A_446] : memref<50x4096x128xf32, #tpu.memory_space<hbm>> -> memref<50x1x128xf32, #tpu.memory_space<hbm>>
    %dma_start3A_448 = tpu.memref_squeeze %dma_start3A_447 : memref<50x1x128xf32, #tpu.memory_space<hbm>> -> memref<50x128xf32, #tpu.memory_space<hbm>>
    %dma_start3A_449 = arith.constant 0 : i32
    %dma_start3A_450 = arith.constant 0 : i32
    %dma_start3A_451 = tpu.memref_slice %arg4[%dma_start3A_449, %add3A_320, %dma_start3A_450] : memref<50x4096x128xf32, #tpu.memory_space<hbm>> -> memref<50x1x128xf32, #tpu.memory_space<hbm>>
    %dma_start3A_452 = tpu.memref_squeeze %dma_start3A_451 : memref<50x1x128xf32, #tpu.memory_space<hbm>> -> memref<50x128xf32, #tpu.memory_space<hbm>>
    %dma_start3A_453 = arith.constant 0 : i32
    %dma_start3A_454 = arith.constant 0 : i32
    %dma_start3A_455 = tpu.memref_slice %arg6[%dma_start3A_440, %dma_start3A_453, %dma_start3A_454] : memref<8x50x128xf32, #tpu.memory_space<vmem>> -> memref<1x50x128xf32, #tpu.memory_space<vmem>>
    %dma_start3A_456 = tpu.memref_squeeze %dma_start3A_455 : memref<1x50x128xf32, #tpu.memory_space<vmem>> -> memref<50x128xf32, #tpu.memory_space<vmem>>
    tpu.enqueue_dma source(%dma_start3A_456 : memref<50x128xf32, #tpu.memory_space<vmem>>) target(%dma_start3A_452 : memref<50x128xf32, #tpu.memory_space<hbm>>) target_semaphore(%arg10 : memref<!tpu.dma_semaphore, #tpu.memory_space<semaphore_mem>>)
    %scan3A = arith.constant 0 : i32
    %scan3A_457 = arith.constant 0 : i32
    %scan3A_458 = arith.constant 7 : i32
    %scan3A_459 = arith.addi %scan3A_457, %scan3A_458 : i32
    %scan3A_460 = arith.constant 1 : i32
    scf.for %scan3A_1062 = %scan3A_457 to %scan3A_459 step %scan3A_460  : i32 {
      %mul3A_1063 = arith.constant 2 : i32
      %mul3A_1064 = arith.muli %mul3A_1063, %scan3A_1062 : i32
      %add3A_1065 = arith.constant 1 : i32
      %add3A_1066 = arith.addi %mul3A_1064, %add3A_1065 : i32
      %sub3A = arith.constant 1 : i32
      %sub3A_1067 = arith.subi %add3A_1066, %sub3A : i32
      %mul3A_1068 = arith.constant 8 : i32
      %mul3A_1069 = arith.muli %sub3A_1067, %mul3A_1068 : i32
      %add3A_1070 = arith.addi %mul3A_2, %mul3A_1069 : i32
      %add3A_1071 = arith.constant 0 : i32
      %add3A_1072 = arith.addi %add3A_1070, %add3A_1071 : i32
      %mul3A_1073 = arith.constant 8 : i32
      %mul3A_1074 = arith.muli %sub3A_1067, %mul3A_1073 : i32
      %add3A_1075 = arith.addi %mul3A_2, %mul3A_1074 : i32
      %add3A_1076 = arith.constant 1 : i32
      %add3A_1077 = arith.addi %add3A_1075, %add3A_1076 : i32
      %mul3A_1078 = arith.constant 8 : i32
      %mul3A_1079 = arith.muli %sub3A_1067, %mul3A_1078 : i32
      %add3A_1080 = arith.addi %mul3A_2, %mul3A_1079 : i32
      %add3A_1081 = arith.constant 2 : i32
      %add3A_1082 = arith.addi %add3A_1080, %add3A_1081 : i32
      %mul3A_1083 = arith.constant 8 : i32
      %mul3A_1084 = arith.muli %sub3A_1067, %mul3A_1083 : i32
      %add3A_1085 = arith.addi %mul3A_2, %mul3A_1084 : i32
      %add3A_1086 = arith.constant 3 : i32
      %add3A_1087 = arith.addi %add3A_1085, %add3A_1086 : i32
      %mul3A_1088 = arith.constant 8 : i32
      %mul3A_1089 = arith.muli %sub3A_1067, %mul3A_1088 : i32
      %add3A_1090 = arith.addi %mul3A_2, %mul3A_1089 : i32
      %add3A_1091 = arith.constant 4 : i32
      %add3A_1092 = arith.addi %add3A_1090, %add3A_1091 : i32
      %mul3A_1093 = arith.constant 8 : i32
      %mul3A_1094 = arith.muli %sub3A_1067, %mul3A_1093 : i32
      %add3A_1095 = arith.addi %mul3A_2, %mul3A_1094 : i32
      %add3A_1096 = arith.constant 5 : i32
      %add3A_1097 = arith.addi %add3A_1095, %add3A_1096 : i32
      %mul3A_1098 = arith.constant 8 : i32
      %mul3A_1099 = arith.muli %sub3A_1067, %mul3A_1098 : i32
      %add3A_1100 = arith.addi %mul3A_2, %mul3A_1099 : i32
      %add3A_1101 = arith.constant 6 : i32
      %add3A_1102 = arith.addi %add3A_1100, %add3A_1101 : i32
      %mul3A_1103 = arith.constant 8 : i32
      %mul3A_1104 = arith.muli %sub3A_1067, %mul3A_1103 : i32
      %add3A_1105 = arith.addi %mul3A_2, %mul3A_1104 : i32
      %add3A_1106 = arith.constant 7 : i32
      %add3A_1107 = arith.addi %add3A_1105, %add3A_1106 : i32
      %dma_wait3A_1108 = arith.constant 0 : i32
      %dma_wait3A_1109 = arith.constant 0 : i32
      %dma_wait3A_1110 = arith.constant 0 : i32
      %dma_wait3A_1111 = tpu.memref_slice %arg6[%dma_wait3A_1108, %dma_wait3A_1109, %dma_wait3A_1110] : memref<8x50x128xf32, #tpu.memory_space<vmem>> -> memref<1x50x128xf32, #tpu.memory_space<vmem>>
      %dma_wait3A_1112 = tpu.memref_squeeze %dma_wait3A_1111 : memref<1x50x128xf32, #tpu.memory_space<vmem>> -> memref<50x128xf32, #tpu.memory_space<vmem>>
      %dma_wait3A_1113 = arith.constant 0 : i32
      %dma_wait3A_1114 = arith.constant 0 : i32
      %dma_wait3A_1115 = tpu.memref_slice %arg4[%dma_wait3A_1113, %add3A_1072, %dma_wait3A_1114] : memref<50x4096x128xf32, #tpu.memory_space<hbm>> -> memref<50x1x128xf32, #tpu.memory_space<hbm>>
      %dma_wait3A_1116 = tpu.memref_squeeze %dma_wait3A_1115 : memref<50x1x128xf32, #tpu.memory_space<hbm>> -> memref<50x128xf32, #tpu.memory_space<hbm>>
      %dma_wait3A_1117 = arith.constant 0 : i32
      %dma_wait3A_1118 = arith.constant 0 : i32
      %dma_wait3A_1119 = tpu.memref_slice %arg4[%dma_wait3A_1117, %add3A_1072, %dma_wait3A_1118] : memref<50x4096x128xf32, #tpu.memory_space<hbm>> -> memref<50x1x128xf32, #tpu.memory_space<hbm>>
      %dma_wait3A_1120 = tpu.memref_squeeze %dma_wait3A_1119 : memref<50x1x128xf32, #tpu.memory_space<hbm>> -> memref<50x128xf32, #tpu.memory_space<hbm>>
      %dma_wait3A_1121 = arith.constant 0 : i32
      %dma_wait3A_1122 = arith.constant 0 : i32
      %dma_wait3A_1123 = tpu.memref_slice %arg6[%dma_wait3A_1108, %dma_wait3A_1121, %dma_wait3A_1122] : memref<8x50x128xf32, #tpu.memory_space<vmem>> -> memref<1x50x128xf32, #tpu.memory_space<vmem>>
      %dma_wait3A_1124 = tpu.memref_squeeze %dma_wait3A_1123 : memref<1x50x128xf32, #tpu.memory_space<vmem>> -> memref<50x128xf32, #tpu.memory_space<vmem>>
      tpu.wait_dma2 semaphore(%arg10 : memref<!tpu.dma_semaphore, #tpu.memory_space<semaphore_mem>>) src(%dma_wait3A_1124 : memref<50x128xf32, #tpu.memory_space<vmem>>) dst(%dma_wait3A_1120 : memref<50x128xf32, #tpu.memory_space<hbm>>)
      %dma_wait3A_1125 = arith.constant 1 : i32
      %dma_wait3A_1126 = arith.constant 0 : i32
      %dma_wait3A_1127 = arith.constant 0 : i32
      %dma_wait3A_1128 = tpu.memref_slice %arg6[%dma_wait3A_1125, %dma_wait3A_1126, %dma_wait3A_1127] : memref<8x50x128xf32, #tpu.memory_space<vmem>> -> memref<1x50x128xf32, #tpu.memory_space<vmem>>
      %dma_wait3A_1129 = tpu.memref_squeeze %dma_wait3A_1128 : memref<1x50x128xf32, #tpu.memory_space<vmem>> -> memref<50x128xf32, #tpu.memory_space<vmem>>
      %dma_wait3A_1130 = arith.constant 0 : i32
      %dma_wait3A_1131 = arith.constant 0 : i32
      %dma_wait3A_1132 = tpu.memref_slice %arg4[%dma_wait3A_1130, %add3A_1077, %dma_wait3A_1131] : memref<50x4096x128xf32, #tpu.memory_space<hbm>> -> memref<50x1x128xf32, #tpu.memory_space<hbm>>
      %dma_wait3A_1133 = tpu.memref_squeeze %dma_wait3A_1132 : memref<50x1x128xf32, #tpu.memory_space<hbm>> -> memref<50x128xf32, #tpu.memory_space<hbm>>
      %dma_wait3A_1134 = arith.constant 0 : i32
      %dma_wait3A_1135 = arith.constant 0 : i32
      %dma_wait3A_1136 = tpu.memref_slice %arg4[%dma_wait3A_1134, %add3A_1077, %dma_wait3A_1135] : memref<50x4096x128xf32, #tpu.memory_space<hbm>> -> memref<50x1x128xf32, #tpu.memory_space<hbm>>
      %dma_wait3A_1137 = tpu.memref_squeeze %dma_wait3A_1136 : memref<50x1x128xf32, #tpu.memory_space<hbm>> -> memref<50x128xf32, #tpu.memory_space<hbm>>
      %dma_wait3A_1138 = arith.constant 0 : i32
      %dma_wait3A_1139 = arith.constant 0 : i32
      %dma_wait3A_1140 = tpu.memref_slice %arg6[%dma_wait3A_1125, %dma_wait3A_1138, %dma_wait3A_1139] : memref<8x50x128xf32, #tpu.memory_space<vmem>> -> memref<1x50x128xf32, #tpu.memory_space<vmem>>
      %dma_wait3A_1141 = tpu.memref_squeeze %dma_wait3A_1140 : memref<1x50x128xf32, #tpu.memory_space<vmem>> -> memref<50x128xf32, #tpu.memory_space<vmem>>
      tpu.wait_dma2 semaphore(%arg10 : memref<!tpu.dma_semaphore, #tpu.memory_space<semaphore_mem>>) src(%dma_wait3A_1141 : memref<50x128xf32, #tpu.memory_space<vmem>>) dst(%dma_wait3A_1137 : memref<50x128xf32, #tpu.memory_space<hbm>>)
      %dma_wait3A_1142 = arith.constant 2 : i32
      %dma_wait3A_1143 = arith.constant 0 : i32
      %dma_wait3A_1144 = arith.constant 0 : i32
      %dma_wait3A_1145 = tpu.memref_slice %arg6[%dma_wait3A_1142, %dma_wait3A_1143, %dma_wait3A_1144] : memref<8x50x128xf32, #tpu.memory_space<vmem>> -> memref<1x50x128xf32, #tpu.memory_space<vmem>>
      %dma_wait3A_1146 = tpu.memref_squeeze %dma_wait3A_1145 : memref<1x50x128xf32, #tpu.memory_space<vmem>> -> memref<50x128xf32, #tpu.memory_space<vmem>>
      %dma_wait3A_1147 = arith.constant 0 : i32
      %dma_wait3A_1148 = arith.constant 0 : i32
      %dma_wait3A_1149 = tpu.memref_slice %arg4[%dma_wait3A_1147, %add3A_1082, %dma_wait3A_1148] : memref<50x4096x128xf32, #tpu.memory_space<hbm>> -> memref<50x1x128xf32, #tpu.memory_space<hbm>>
      %dma_wait3A_1150 = tpu.memref_squeeze %dma_wait3A_1149 : memref<50x1x128xf32, #tpu.memory_space<hbm>> -> memref<50x128xf32, #tpu.memory_space<hbm>>
      %dma_wait3A_1151 = arith.constant 0 : i32
      %dma_wait3A_1152 = arith.constant 0 : i32
      %dma_wait3A_1153 = tpu.memref_slice %arg4[%dma_wait3A_1151, %add3A_1082, %dma_wait3A_1152] : memref<50x4096x128xf32, #tpu.memory_space<hbm>> -> memref<50x1x128xf32, #tpu.memory_space<hbm>>
      %dma_wait3A_1154 = tpu.memref_squeeze %dma_wait3A_1153 : memref<50x1x128xf32, #tpu.memory_space<hbm>> -> memref<50x128xf32, #tpu.memory_space<hbm>>
      %dma_wait3A_1155 = arith.constant 0 : i32
      %dma_wait3A_1156 = arith.constant 0 : i32
      %dma_wait3A_1157 = tpu.memref_slice %arg6[%dma_wait3A_1142, %dma_wait3A_1155, %dma_wait3A_1156] : memref<8x50x128xf32, #tpu.memory_space<vmem>> -> memref<1x50x128xf32, #tpu.memory_space<vmem>>
      %dma_wait3A_1158 = tpu.memref_squeeze %dma_wait3A_1157 : memref<1x50x128xf32, #tpu.memory_space<vmem>> -> memref<50x128xf32, #tpu.memory_space<vmem>>
      tpu.wait_dma2 semaphore(%arg10 : memref<!tpu.dma_semaphore, #tpu.memory_space<semaphore_mem>>) src(%dma_wait3A_1158 : memref<50x128xf32, #tpu.memory_space<vmem>>) dst(%dma_wait3A_1154 : memref<50x128xf32, #tpu.memory_space<hbm>>)
      %dma_wait3A_1159 = arith.constant 3 : i32
      %dma_wait3A_1160 = arith.constant 0 : i32
      %dma_wait3A_1161 = arith.constant 0 : i32
      %dma_wait3A_1162 = tpu.memref_slice %arg6[%dma_wait3A_1159, %dma_wait3A_1160, %dma_wait3A_1161] : memref<8x50x128xf32, #tpu.memory_space<vmem>> -> memref<1x50x128xf32, #tpu.memory_space<vmem>>
      %dma_wait3A_1163 = tpu.memref_squeeze %dma_wait3A_1162 : memref<1x50x128xf32, #tpu.memory_space<vmem>> -> memref<50x128xf32, #tpu.memory_space<vmem>>
      %dma_wait3A_1164 = arith.constant 0 : i32
      %dma_wait3A_1165 = arith.constant 0 : i32
      %dma_wait3A_1166 = tpu.memref_slice %arg4[%dma_wait3A_1164, %add3A_1087, %dma_wait3A_1165] : memref<50x4096x128xf32, #tpu.memory_space<hbm>> -> memref<50x1x128xf32, #tpu.memory_space<hbm>>
      %dma_wait3A_1167 = tpu.memref_squeeze %dma_wait3A_1166 : memref<50x1x128xf32, #tpu.memory_space<hbm>> -> memref<50x128xf32, #tpu.memory_space<hbm>>
      %dma_wait3A_1168 = arith.constant 0 : i32
      %dma_wait3A_1169 = arith.constant 0 : i32
      %dma_wait3A_1170 = tpu.memref_slice %arg4[%dma_wait3A_1168, %add3A_1087, %dma_wait3A_1169] : memref<50x4096x128xf32, #tpu.memory_space<hbm>> -> memref<50x1x128xf32, #tpu.memory_space<hbm>>
      %dma_wait3A_1171 = tpu.memref_squeeze %dma_wait3A_1170 : memref<50x1x128xf32, #tpu.memory_space<hbm>> -> memref<50x128xf32, #tpu.memory_space<hbm>>
      %dma_wait3A_1172 = arith.constant 0 : i32
      %dma_wait3A_1173 = arith.constant 0 : i32
      %dma_wait3A_1174 = tpu.memref_slice %arg6[%dma_wait3A_1159, %dma_wait3A_1172, %dma_wait3A_1173] : memref<8x50x128xf32, #tpu.memory_space<vmem>> -> memref<1x50x128xf32, #tpu.memory_space<vmem>>
      %dma_wait3A_1175 = tpu.memref_squeeze %dma_wait3A_1174 : memref<1x50x128xf32, #tpu.memory_space<vmem>> -> memref<50x128xf32, #tpu.memory_space<vmem>>
      tpu.wait_dma2 semaphore(%arg10 : memref<!tpu.dma_semaphore, #tpu.memory_space<semaphore_mem>>) src(%dma_wait3A_1175 : memref<50x128xf32, #tpu.memory_space<vmem>>) dst(%dma_wait3A_1171 : memref<50x128xf32, #tpu.memory_space<hbm>>)
      %dma_wait3A_1176 = arith.constant 4 : i32
      %dma_wait3A_1177 = arith.constant 0 : i32
      %dma_wait3A_1178 = arith.constant 0 : i32
      %dma_wait3A_1179 = tpu.memref_slice %arg6[%dma_wait3A_1176, %dma_wait3A_1177, %dma_wait3A_1178] : memref<8x50x128xf32, #tpu.memory_space<vmem>> -> memref<1x50x128xf32, #tpu.memory_space<vmem>>
      %dma_wait3A_1180 = tpu.memref_squeeze %dma_wait3A_1179 : memref<1x50x128xf32, #tpu.memory_space<vmem>> -> memref<50x128xf32, #tpu.memory_space<vmem>>
      %dma_wait3A_1181 = arith.constant 0 : i32
      %dma_wait3A_1182 = arith.constant 0 : i32
      %dma_wait3A_1183 = tpu.memref_slice %arg4[%dma_wait3A_1181, %add3A_1092, %dma_wait3A_1182] : memref<50x4096x128xf32, #tpu.memory_space<hbm>> -> memref<50x1x128xf32, #tpu.memory_space<hbm>>
      %dma_wait3A_1184 = tpu.memref_squeeze %dma_wait3A_1183 : memref<50x1x128xf32, #tpu.memory_space<hbm>> -> memref<50x128xf32, #tpu.memory_space<hbm>>
      %dma_wait3A_1185 = arith.constant 0 : i32
      %dma_wait3A_1186 = arith.constant 0 : i32
      %dma_wait3A_1187 = tpu.memref_slice %arg4[%dma_wait3A_1185, %add3A_1092, %dma_wait3A_1186] : memref<50x4096x128xf32, #tpu.memory_space<hbm>> -> memref<50x1x128xf32, #tpu.memory_space<hbm>>
      %dma_wait3A_1188 = tpu.memref_squeeze %dma_wait3A_1187 : memref<50x1x128xf32, #tpu.memory_space<hbm>> -> memref<50x128xf32, #tpu.memory_space<hbm>>
      %dma_wait3A_1189 = arith.constant 0 : i32
      %dma_wait3A_1190 = arith.constant 0 : i32
      %dma_wait3A_1191 = tpu.memref_slice %arg6[%dma_wait3A_1176, %dma_wait3A_1189, %dma_wait3A_1190] : memref<8x50x128xf32, #tpu.memory_space<vmem>> -> memref<1x50x128xf32, #tpu.memory_space<vmem>>
      %dma_wait3A_1192 = tpu.memref_squeeze %dma_wait3A_1191 : memref<1x50x128xf32, #tpu.memory_space<vmem>> -> memref<50x128xf32, #tpu.memory_space<vmem>>
      tpu.wait_dma2 semaphore(%arg10 : memref<!tpu.dma_semaphore, #tpu.memory_space<semaphore_mem>>) src(%dma_wait3A_1192 : memref<50x128xf32, #tpu.memory_space<vmem>>) dst(%dma_wait3A_1188 : memref<50x128xf32, #tpu.memory_space<hbm>>)
      %dma_wait3A_1193 = arith.constant 5 : i32
      %dma_wait3A_1194 = arith.constant 0 : i32
      %dma_wait3A_1195 = arith.constant 0 : i32
      %dma_wait3A_1196 = tpu.memref_slice %arg6[%dma_wait3A_1193, %dma_wait3A_1194, %dma_wait3A_1195] : memref<8x50x128xf32, #tpu.memory_space<vmem>> -> memref<1x50x128xf32, #tpu.memory_space<vmem>>
      %dma_wait3A_1197 = tpu.memref_squeeze %dma_wait3A_1196 : memref<1x50x128xf32, #tpu.memory_space<vmem>> -> memref<50x128xf32, #tpu.memory_space<vmem>>
      %dma_wait3A_1198 = arith.constant 0 : i32
      %dma_wait3A_1199 = arith.constant 0 : i32
      %dma_wait3A_1200 = tpu.memref_slice %arg4[%dma_wait3A_1198, %add3A_1097, %dma_wait3A_1199] : memref<50x4096x128xf32, #tpu.memory_space<hbm>> -> memref<50x1x128xf32, #tpu.memory_space<hbm>>
      %dma_wait3A_1201 = tpu.memref_squeeze %dma_wait3A_1200 : memref<50x1x128xf32, #tpu.memory_space<hbm>> -> memref<50x128xf32, #tpu.memory_space<hbm>>
      %dma_wait3A_1202 = arith.constant 0 : i32
      %dma_wait3A_1203 = arith.constant 0 : i32
      %dma_wait3A_1204 = tpu.memref_slice %arg4[%dma_wait3A_1202, %add3A_1097, %dma_wait3A_1203] : memref<50x4096x128xf32, #tpu.memory_space<hbm>> -> memref<50x1x128xf32, #tpu.memory_space<hbm>>
      %dma_wait3A_1205 = tpu.memref_squeeze %dma_wait3A_1204 : memref<50x1x128xf32, #tpu.memory_space<hbm>> -> memref<50x128xf32, #tpu.memory_space<hbm>>
      %dma_wait3A_1206 = arith.constant 0 : i32
      %dma_wait3A_1207 = arith.constant 0 : i32
      %dma_wait3A_1208 = tpu.memref_slice %arg6[%dma_wait3A_1193, %dma_wait3A_1206, %dma_wait3A_1207] : memref<8x50x128xf32, #tpu.memory_space<vmem>> -> memref<1x50x128xf32, #tpu.memory_space<vmem>>
      %dma_wait3A_1209 = tpu.memref_squeeze %dma_wait3A_1208 : memref<1x50x128xf32, #tpu.memory_space<vmem>> -> memref<50x128xf32, #tpu.memory_space<vmem>>
      tpu.wait_dma2 semaphore(%arg10 : memref<!tpu.dma_semaphore, #tpu.memory_space<semaphore_mem>>) src(%dma_wait3A_1209 : memref<50x128xf32, #tpu.memory_space<vmem>>) dst(%dma_wait3A_1205 : memref<50x128xf32, #tpu.memory_space<hbm>>)
      %dma_wait3A_1210 = arith.constant 6 : i32
      %dma_wait3A_1211 = arith.constant 0 : i32
      %dma_wait3A_1212 = arith.constant 0 : i32
      %dma_wait3A_1213 = tpu.memref_slice %arg6[%dma_wait3A_1210, %dma_wait3A_1211, %dma_wait3A_1212] : memref<8x50x128xf32, #tpu.memory_space<vmem>> -> memref<1x50x128xf32, #tpu.memory_space<vmem>>
      %dma_wait3A_1214 = tpu.memref_squeeze %dma_wait3A_1213 : memref<1x50x128xf32, #tpu.memory_space<vmem>> -> memref<50x128xf32, #tpu.memory_space<vmem>>
      %dma_wait3A_1215 = arith.constant 0 : i32
      %dma_wait3A_1216 = arith.constant 0 : i32
      %dma_wait3A_1217 = tpu.memref_slice %arg4[%dma_wait3A_1215, %add3A_1102, %dma_wait3A_1216] : memref<50x4096x128xf32, #tpu.memory_space<hbm>> -> memref<50x1x128xf32, #tpu.memory_space<hbm>>
      %dma_wait3A_1218 = tpu.memref_squeeze %dma_wait3A_1217 : memref<50x1x128xf32, #tpu.memory_space<hbm>> -> memref<50x128xf32, #tpu.memory_space<hbm>>
      %dma_wait3A_1219 = arith.constant 0 : i32
      %dma_wait3A_1220 = arith.constant 0 : i32
      %dma_wait3A_1221 = tpu.memref_slice %arg4[%dma_wait3A_1219, %add3A_1102, %dma_wait3A_1220] : memref<50x4096x128xf32, #tpu.memory_space<hbm>> -> memref<50x1x128xf32, #tpu.memory_space<hbm>>
      %dma_wait3A_1222 = tpu.memref_squeeze %dma_wait3A_1221 : memref<50x1x128xf32, #tpu.memory_space<hbm>> -> memref<50x128xf32, #tpu.memory_space<hbm>>
      %dma_wait3A_1223 = arith.constant 0 : i32
      %dma_wait3A_1224 = arith.constant 0 : i32
      %dma_wait3A_1225 = tpu.memref_slice %arg6[%dma_wait3A_1210, %dma_wait3A_1223, %dma_wait3A_1224] : memref<8x50x128xf32, #tpu.memory_space<vmem>> -> memref<1x50x128xf32, #tpu.memory_space<vmem>>
      %dma_wait3A_1226 = tpu.memref_squeeze %dma_wait3A_1225 : memref<1x50x128xf32, #tpu.memory_space<vmem>> -> memref<50x128xf32, #tpu.memory_space<vmem>>
      tpu.wait_dma2 semaphore(%arg10 : memref<!tpu.dma_semaphore, #tpu.memory_space<semaphore_mem>>) src(%dma_wait3A_1226 : memref<50x128xf32, #tpu.memory_space<vmem>>) dst(%dma_wait3A_1222 : memref<50x128xf32, #tpu.memory_space<hbm>>)
      %dma_wait3A_1227 = arith.constant 7 : i32
      %dma_wait3A_1228 = arith.constant 0 : i32
      %dma_wait3A_1229 = arith.constant 0 : i32
      %dma_wait3A_1230 = tpu.memref_slice %arg6[%dma_wait3A_1227, %dma_wait3A_1228, %dma_wait3A_1229] : memref<8x50x128xf32, #tpu.memory_space<vmem>> -> memref<1x50x128xf32, #tpu.memory_space<vmem>>
      %dma_wait3A_1231 = tpu.memref_squeeze %dma_wait3A_1230 : memref<1x50x128xf32, #tpu.memory_space<vmem>> -> memref<50x128xf32, #tpu.memory_space<vmem>>
      %dma_wait3A_1232 = arith.constant 0 : i32
      %dma_wait3A_1233 = arith.constant 0 : i32
      %dma_wait3A_1234 = tpu.memref_slice %arg4[%dma_wait3A_1232, %add3A_1107, %dma_wait3A_1233] : memref<50x4096x128xf32, #tpu.memory_space<hbm>> -> memref<50x1x128xf32, #tpu.memory_space<hbm>>
      %dma_wait3A_1235 = tpu.memref_squeeze %dma_wait3A_1234 : memref<50x1x128xf32, #tpu.memory_space<hbm>> -> memref<50x128xf32, #tpu.memory_space<hbm>>
      %dma_wait3A_1236 = arith.constant 0 : i32
      %dma_wait3A_1237 = arith.constant 0 : i32
      %dma_wait3A_1238 = tpu.memref_slice %arg4[%dma_wait3A_1236, %add3A_1107, %dma_wait3A_1237] : memref<50x4096x128xf32, #tpu.memory_space<hbm>> -> memref<50x1x128xf32, #tpu.memory_space<hbm>>
      %dma_wait3A_1239 = tpu.memref_squeeze %dma_wait3A_1238 : memref<50x1x128xf32, #tpu.memory_space<hbm>> -> memref<50x128xf32, #tpu.memory_space<hbm>>
      %dma_wait3A_1240 = arith.constant 0 : i32
      %dma_wait3A_1241 = arith.constant 0 : i32
      %dma_wait3A_1242 = tpu.memref_slice %arg6[%dma_wait3A_1227, %dma_wait3A_1240, %dma_wait3A_1241] : memref<8x50x128xf32, #tpu.memory_space<vmem>> -> memref<1x50x128xf32, #tpu.memory_space<vmem>>
      %dma_wait3A_1243 = tpu.memref_squeeze %dma_wait3A_1242 : memref<1x50x128xf32, #tpu.memory_space<vmem>> -> memref<50x128xf32, #tpu.memory_space<vmem>>
      tpu.wait_dma2 semaphore(%arg10 : memref<!tpu.dma_semaphore, #tpu.memory_space<semaphore_mem>>) src(%dma_wait3A_1243 : memref<50x128xf32, #tpu.memory_space<vmem>>) dst(%dma_wait3A_1239 : memref<50x128xf32, #tpu.memory_space<hbm>>)
      %add3A_1244 = arith.constant 1 : i32
      %add3A_1245 = arith.addi %add3A_1066, %add3A_1244 : i32
      %mul3A_1246 = arith.constant 8 : i32
      %mul3A_1247 = arith.muli %add3A_1245, %mul3A_1246 : i32
      %add3A_1248 = arith.constant 0 : i32
      %add3A_1249 = arith.addi %mul3A_1247, %add3A_1248 : i32
      %mul3A_1250 = arith.constant 8 : i32
      %mul3A_1251 = arith.muli %add3A_1245, %mul3A_1250 : i32
      %add3A_1252 = arith.constant 1 : i32
      %add3A_1253 = arith.addi %mul3A_1251, %add3A_1252 : i32
      %mul3A_1254 = arith.constant 8 : i32
      %mul3A_1255 = arith.muli %add3A_1245, %mul3A_1254 : i32
      %add3A_1256 = arith.constant 2 : i32
      %add3A_1257 = arith.addi %mul3A_1255, %add3A_1256 : i32
      %mul3A_1258 = arith.constant 8 : i32
      %mul3A_1259 = arith.muli %add3A_1245, %mul3A_1258 : i32
      %add3A_1260 = arith.constant 3 : i32
      %add3A_1261 = arith.addi %mul3A_1259, %add3A_1260 : i32
      %mul3A_1262 = arith.constant 8 : i32
      %mul3A_1263 = arith.muli %add3A_1245, %mul3A_1262 : i32
      %add3A_1264 = arith.constant 4 : i32
      %add3A_1265 = arith.addi %mul3A_1263, %add3A_1264 : i32
      %mul3A_1266 = arith.constant 8 : i32
      %mul3A_1267 = arith.muli %add3A_1245, %mul3A_1266 : i32
      %add3A_1268 = arith.constant 5 : i32
      %add3A_1269 = arith.addi %mul3A_1267, %add3A_1268 : i32
      %mul3A_1270 = arith.constant 8 : i32
      %mul3A_1271 = arith.muli %add3A_1245, %mul3A_1270 : i32
      %add3A_1272 = arith.constant 6 : i32
      %add3A_1273 = arith.addi %mul3A_1271, %add3A_1272 : i32
      %mul3A_1274 = arith.constant 8 : i32
      %mul3A_1275 = arith.muli %add3A_1245, %mul3A_1274 : i32
      %add3A_1276 = arith.constant 7 : i32
      %add3A_1277 = arith.addi %mul3A_1275, %add3A_1276 : i32
      %dma_start3A_1278 = arith.constant 0 : i32
      %dma_start3A_1279 = arith.constant 0 : i32
      %dma_start3A_1280 = arith.constant 0 : i32
      %dma_start3A_1281 = tpu.memref_slice %arg6[%dma_start3A_1278, %dma_start3A_1279, %dma_start3A_1280] : memref<8x50x128xf32, #tpu.memory_space<vmem>> -> memref<1x50x128xf32, #tpu.memory_space<vmem>>
      %dma_start3A_1282 = tpu.memref_squeeze %dma_start3A_1281 : memref<1x50x128xf32, #tpu.memory_space<vmem>> -> memref<50x128xf32, #tpu.memory_space<vmem>>
      %dma_start3A_1283 = arith.constant 0 : i32
      %dma_start3A_1284 = tpu.memref_slice %arg5[%add3A_1249, %dma_start3A_1283] : memref<128x50xi32, #tpu.memory_space<vmem>> -> memref<1x50xi32, #tpu.memory_space<vmem>>
      %dma_start3A_1285 = tpu.memref_squeeze %dma_start3A_1284 : memref<1x50xi32, #tpu.memory_space<vmem>> -> memref<50xi32, #tpu.memory_space<vmem>>
      %dma_start3A_1286 = arith.constant 0 : i32
      %dma_start3A_1287 = arith.constant 0 : i32
      %dma_start3A_1288 = tpu.memref_slice %arg3[%dma_start3A_1286, %dma_start3A_1287] : memref<100000x128xf32, #tpu.memory_space<hbm>> -> memref<100000x128xf32, #tpu.memory_space<hbm>>
      tpu.enqueue_indirect_dma source(%dma_start3A_1288 : memref<100000x128xf32, #tpu.memory_space<hbm>>) target(%dma_start3A_1282 : memref<50x128xf32, #tpu.memory_space<vmem>>) offsets(%dma_start3A_1285 : memref<50xi32, #tpu.memory_space<vmem>>) semaphore(%arg8 : memref<!tpu.dma_semaphore, #tpu.memory_space<semaphore_mem>>)
      %dma_start3A_1289 = arith.constant 1 : i32
      %dma_start3A_1290 = arith.constant 0 : i32
      %dma_start3A_1291 = arith.constant 0 : i32
      %dma_start3A_1292 = tpu.memref_slice %arg6[%dma_start3A_1289, %dma_start3A_1290, %dma_start3A_1291] : memref<8x50x128xf32, #tpu.memory_space<vmem>> -> memref<1x50x128xf32, #tpu.memory_space<vmem>>
      %dma_start3A_1293 = tpu.memref_squeeze %dma_start3A_1292 : memref<1x50x128xf32, #tpu.memory_space<vmem>> -> memref<50x128xf32, #tpu.memory_space<vmem>>
      %dma_start3A_1294 = arith.constant 0 : i32
      %dma_start3A_1295 = tpu.memref_slice %arg5[%add3A_1253, %dma_start3A_1294] : memref<128x50xi32, #tpu.memory_space<vmem>> -> memref<1x50xi32, #tpu.memory_space<vmem>>
      %dma_start3A_1296 = tpu.memref_squeeze %dma_start3A_1295 : memref<1x50xi32, #tpu.memory_space<vmem>> -> memref<50xi32, #tpu.memory_space<vmem>>
      %dma_start3A_1297 = arith.constant 0 : i32
      %dma_start3A_1298 = arith.constant 0 : i32
      %dma_start3A_1299 = tpu.memref_slice %arg3[%dma_start3A_1297, %dma_start3A_1298] : memref<100000x128xf32, #tpu.memory_space<hbm>> -> memref<100000x128xf32, #tpu.memory_space<hbm>>
      tpu.enqueue_indirect_dma source(%dma_start3A_1299 : memref<100000x128xf32, #tpu.memory_space<hbm>>) target(%dma_start3A_1293 : memref<50x128xf32, #tpu.memory_space<vmem>>) offsets(%dma_start3A_1296 : memref<50xi32, #tpu.memory_space<vmem>>) semaphore(%arg8 : memref<!tpu.dma_semaphore, #tpu.memory_space<semaphore_mem>>)
      %dma_start3A_1300 = arith.constant 2 : i32
      %dma_start3A_1301 = arith.constant 0 : i32
      %dma_start3A_1302 = arith.constant 0 : i32
      %dma_start3A_1303 = tpu.memref_slice %arg6[%dma_start3A_1300, %dma_start3A_1301, %dma_start3A_1302] : memref<8x50x128xf32, #tpu.memory_space<vmem>> -> memref<1x50x128xf32, #tpu.memory_space<vmem>>
      %dma_start3A_1304 = tpu.memref_squeeze %dma_start3A_1303 : memref<1x50x128xf32, #tpu.memory_space<vmem>> -> memref<50x128xf32, #tpu.memory_space<vmem>>
      %dma_start3A_1305 = arith.constant 0 : i32
      %dma_start3A_1306 = tpu.memref_slice %arg5[%add3A_1257, %dma_start3A_1305] : memref<128x50xi32, #tpu.memory_space<vmem>> -> memref<1x50xi32, #tpu.memory_space<vmem>>
      %dma_start3A_1307 = tpu.memref_squeeze %dma_start3A_1306 : memref<1x50xi32, #tpu.memory_space<vmem>> -> memref<50xi32, #tpu.memory_space<vmem>>
      %dma_start3A_1308 = arith.constant 0 : i32
      %dma_start3A_1309 = arith.constant 0 : i32
      %dma_start3A_1310 = tpu.memref_slice %arg3[%dma_start3A_1308, %dma_start3A_1309] : memref<100000x128xf32, #tpu.memory_space<hbm>> -> memref<100000x128xf32, #tpu.memory_space<hbm>>
      tpu.enqueue_indirect_dma source(%dma_start3A_1310 : memref<100000x128xf32, #tpu.memory_space<hbm>>) target(%dma_start3A_1304 : memref<50x128xf32, #tpu.memory_space<vmem>>) offsets(%dma_start3A_1307 : memref<50xi32, #tpu.memory_space<vmem>>) semaphore(%arg8 : memref<!tpu.dma_semaphore, #tpu.memory_space<semaphore_mem>>)
      %dma_start3A_1311 = arith.constant 3 : i32
      %dma_start3A_1312 = arith.constant 0 : i32
      %dma_start3A_1313 = arith.constant 0 : i32
      %dma_start3A_1314 = tpu.memref_slice %arg6[%dma_start3A_1311, %dma_start3A_1312, %dma_start3A_1313] : memref<8x50x128xf32, #tpu.memory_space<vmem>> -> memref<1x50x128xf32, #tpu.memory_space<vmem>>
      %dma_start3A_1315 = tpu.memref_squeeze %dma_start3A_1314 : memref<1x50x128xf32, #tpu.memory_space<vmem>> -> memref<50x128xf32, #tpu.memory_space<vmem>>
      %dma_start3A_1316 = arith.constant 0 : i32
      %dma_start3A_1317 = tpu.memref_slice %arg5[%add3A_1261, %dma_start3A_1316] : memref<128x50xi32, #tpu.memory_space<vmem>> -> memref<1x50xi32, #tpu.memory_space<vmem>>
      %dma_start3A_1318 = tpu.memref_squeeze %dma_start3A_1317 : memref<1x50xi32, #tpu.memory_space<vmem>> -> memref<50xi32, #tpu.memory_space<vmem>>
      %dma_start3A_1319 = arith.constant 0 : i32
      %dma_start3A_1320 = arith.constant 0 : i32
      %dma_start3A_1321 = tpu.memref_slice %arg3[%dma_start3A_1319, %dma_start3A_1320] : memref<100000x128xf32, #tpu.memory_space<hbm>> -> memref<100000x128xf32, #tpu.memory_space<hbm>>
      tpu.enqueue_indirect_dma source(%dma_start3A_1321 : memref<100000x128xf32, #tpu.memory_space<hbm>>) target(%dma_start3A_1315 : memref<50x128xf32, #tpu.memory_space<vmem>>) offsets(%dma_start3A_1318 : memref<50xi32, #tpu.memory_space<vmem>>) semaphore(%arg8 : memref<!tpu.dma_semaphore, #tpu.memory_space<semaphore_mem>>)
      %dma_start3A_1322 = arith.constant 4 : i32
      %dma_start3A_1323 = arith.constant 0 : i32
      %dma_start3A_1324 = arith.constant 0 : i32
      %dma_start3A_1325 = tpu.memref_slice %arg6[%dma_start3A_1322, %dma_start3A_1323, %dma_start3A_1324] : memref<8x50x128xf32, #tpu.memory_space<vmem>> -> memref<1x50x128xf32, #tpu.memory_space<vmem>>
      %dma_start3A_1326 = tpu.memref_squeeze %dma_start3A_1325 : memref<1x50x128xf32, #tpu.memory_space<vmem>> -> memref<50x128xf32, #tpu.memory_space<vmem>>
      %dma_start3A_1327 = arith.constant 0 : i32
      %dma_start3A_1328 = tpu.memref_slice %arg5[%add3A_1265, %dma_start3A_1327] : memref<128x50xi32, #tpu.memory_space<vmem>> -> memref<1x50xi32, #tpu.memory_space<vmem>>
      %dma_start3A_1329 = tpu.memref_squeeze %dma_start3A_1328 : memref<1x50xi32, #tpu.memory_space<vmem>> -> memref<50xi32, #tpu.memory_space<vmem>>
      %dma_start3A_1330 = arith.constant 0 : i32
      %dma_start3A_1331 = arith.constant 0 : i32
      %dma_start3A_1332 = tpu.memref_slice %arg3[%dma_start3A_1330, %dma_start3A_1331] : memref<100000x128xf32, #tpu.memory_space<hbm>> -> memref<100000x128xf32, #tpu.memory_space<hbm>>
      tpu.enqueue_indirect_dma source(%dma_start3A_1332 : memref<100000x128xf32, #tpu.memory_space<hbm>>) target(%dma_start3A_1326 : memref<50x128xf32, #tpu.memory_space<vmem>>) offsets(%dma_start3A_1329 : memref<50xi32, #tpu.memory_space<vmem>>) semaphore(%arg8 : memref<!tpu.dma_semaphore, #tpu.memory_space<semaphore_mem>>)
      %dma_start3A_1333 = arith.constant 5 : i32
      %dma_start3A_1334 = arith.constant 0 : i32
      %dma_start3A_1335 = arith.constant 0 : i32
      %dma_start3A_1336 = tpu.memref_slice %arg6[%dma_start3A_1333, %dma_start3A_1334, %dma_start3A_1335] : memref<8x50x128xf32, #tpu.memory_space<vmem>> -> memref<1x50x128xf32, #tpu.memory_space<vmem>>
      %dma_start3A_1337 = tpu.memref_squeeze %dma_start3A_1336 : memref<1x50x128xf32, #tpu.memory_space<vmem>> -> memref<50x128xf32, #tpu.memory_space<vmem>>
      %dma_start3A_1338 = arith.constant 0 : i32
      %dma_start3A_1339 = tpu.memref_slice %arg5[%add3A_1269, %dma_start3A_1338] : memref<128x50xi32, #tpu.memory_space<vmem>> -> memref<1x50xi32, #tpu.memory_space<vmem>>
      %dma_start3A_1340 = tpu.memref_squeeze %dma_start3A_1339 : memref<1x50xi32, #tpu.memory_space<vmem>> -> memref<50xi32, #tpu.memory_space<vmem>>
      %dma_start3A_1341 = arith.constant 0 : i32
      %dma_start3A_1342 = arith.constant 0 : i32
      %dma_start3A_1343 = tpu.memref_slice %arg3[%dma_start3A_1341, %dma_start3A_1342] : memref<100000x128xf32, #tpu.memory_space<hbm>> -> memref<100000x128xf32, #tpu.memory_space<hbm>>
      tpu.enqueue_indirect_dma source(%dma_start3A_1343 : memref<100000x128xf32, #tpu.memory_space<hbm>>) target(%dma_start3A_1337 : memref<50x128xf32, #tpu.memory_space<vmem>>) offsets(%dma_start3A_1340 : memref<50xi32, #tpu.memory_space<vmem>>) semaphore(%arg8 : memref<!tpu.dma_semaphore, #tpu.memory_space<semaphore_mem>>)
      %dma_start3A_1344 = arith.constant 6 : i32
      %dma_start3A_1345 = arith.constant 0 : i32
      %dma_start3A_1346 = arith.constant 0 : i32
      %dma_start3A_1347 = tpu.memref_slice %arg6[%dma_start3A_1344, %dma_start3A_1345, %dma_start3A_1346] : memref<8x50x128xf32, #tpu.memory_space<vmem>> -> memref<1x50x128xf32, #tpu.memory_space<vmem>>
      %dma_start3A_1348 = tpu.memref_squeeze %dma_start3A_1347 : memref<1x50x128xf32, #tpu.memory_space<vmem>> -> memref<50x128xf32, #tpu.memory_space<vmem>>
      %dma_start3A_1349 = arith.constant 0 : i32
      %dma_start3A_1350 = tpu.memref_slice %arg5[%add3A_1273, %dma_start3A_1349] : memref<128x50xi32, #tpu.memory_space<vmem>> -> memref<1x50xi32, #tpu.memory_space<vmem>>
      %dma_start3A_1351 = tpu.memref_squeeze %dma_start3A_1350 : memref<1x50xi32, #tpu.memory_space<vmem>> -> memref<50xi32, #tpu.memory_space<vmem>>
      %dma_start3A_1352 = arith.constant 0 : i32
      %dma_start3A_1353 = arith.constant 0 : i32
      %dma_start3A_1354 = tpu.memref_slice %arg3[%dma_start3A_1352, %dma_start3A_1353] : memref<100000x128xf32, #tpu.memory_space<hbm>> -> memref<100000x128xf32, #tpu.memory_space<hbm>>
      tpu.enqueue_indirect_dma source(%dma_start3A_1354 : memref<100000x128xf32, #tpu.memory_space<hbm>>) target(%dma_start3A_1348 : memref<50x128xf32, #tpu.memory_space<vmem>>) offsets(%dma_start3A_1351 : memref<50xi32, #tpu.memory_space<vmem>>) semaphore(%arg8 : memref<!tpu.dma_semaphore, #tpu.memory_space<semaphore_mem>>)
      %dma_start3A_1355 = arith.constant 7 : i32
      %dma_start3A_1356 = arith.constant 0 : i32
      %dma_start3A_1357 = arith.constant 0 : i32
      %dma_start3A_1358 = tpu.memref_slice %arg6[%dma_start3A_1355, %dma_start3A_1356, %dma_start3A_1357] : memref<8x50x128xf32, #tpu.memory_space<vmem>> -> memref<1x50x128xf32, #tpu.memory_space<vmem>>
      %dma_start3A_1359 = tpu.memref_squeeze %dma_start3A_1358 : memref<1x50x128xf32, #tpu.memory_space<vmem>> -> memref<50x128xf32, #tpu.memory_space<vmem>>
      %dma_start3A_1360 = arith.constant 0 : i32
      %dma_start3A_1361 = tpu.memref_slice %arg5[%add3A_1277, %dma_start3A_1360] : memref<128x50xi32, #tpu.memory_space<vmem>> -> memref<1x50xi32, #tpu.memory_space<vmem>>
      %dma_start3A_1362 = tpu.memref_squeeze %dma_start3A_1361 : memref<1x50xi32, #tpu.memory_space<vmem>> -> memref<50xi32, #tpu.memory_space<vmem>>
      %dma_start3A_1363 = arith.constant 0 : i32
      %dma_start3A_1364 = arith.constant 0 : i32
      %dma_start3A_1365 = tpu.memref_slice %arg3[%dma_start3A_1363, %dma_start3A_1364] : memref<100000x128xf32, #tpu.memory_space<hbm>> -> memref<100000x128xf32, #tpu.memory_space<hbm>>
      tpu.enqueue_indirect_dma source(%dma_start3A_1365 : memref<100000x128xf32, #tpu.memory_space<hbm>>) target(%dma_start3A_1359 : memref<50x128xf32, #tpu.memory_space<vmem>>) offsets(%dma_start3A_1362 : memref<50xi32, #tpu.memory_space<vmem>>) semaphore(%arg8 : memref<!tpu.dma_semaphore, #tpu.memory_space<semaphore_mem>>)
      %mul3A_1366 = arith.constant 8 : i32
      %mul3A_1367 = arith.muli %add3A_1066, %mul3A_1366 : i32
      %add3A_1368 = arith.constant 0 : i32
      %add3A_1369 = arith.addi %mul3A_1367, %add3A_1368 : i32
      %mul3A_1370 = arith.constant 8 : i32
      %mul3A_1371 = arith.muli %add3A_1066, %mul3A_1370 : i32
      %add3A_1372 = arith.constant 1 : i32
      %add3A_1373 = arith.addi %mul3A_1371, %add3A_1372 : i32
      %mul3A_1374 = arith.constant 8 : i32
      %mul3A_1375 = arith.muli %add3A_1066, %mul3A_1374 : i32
      %add3A_1376 = arith.constant 2 : i32
      %add3A_1377 = arith.addi %mul3A_1375, %add3A_1376 : i32
      %mul3A_1378 = arith.constant 8 : i32
      %mul3A_1379 = arith.muli %add3A_1066, %mul3A_1378 : i32
      %add3A_1380 = arith.constant 3 : i32
      %add3A_1381 = arith.addi %mul3A_1379, %add3A_1380 : i32
      %mul3A_1382 = arith.constant 8 : i32
      %mul3A_1383 = arith.muli %add3A_1066, %mul3A_1382 : i32
      %add3A_1384 = arith.constant 4 : i32
      %add3A_1385 = arith.addi %mul3A_1383, %add3A_1384 : i32
      %mul3A_1386 = arith.constant 8 : i32
      %mul3A_1387 = arith.muli %add3A_1066, %mul3A_1386 : i32
      %add3A_1388 = arith.constant 5 : i32
      %add3A_1389 = arith.addi %mul3A_1387, %add3A_1388 : i32
      %mul3A_1390 = arith.constant 8 : i32
      %mul3A_1391 = arith.muli %add3A_1066, %mul3A_1390 : i32
      %add3A_1392 = arith.constant 6 : i32
      %add3A_1393 = arith.addi %mul3A_1391, %add3A_1392 : i32
      %mul3A_1394 = arith.constant 8 : i32
      %mul3A_1395 = arith.muli %add3A_1066, %mul3A_1394 : i32
      %add3A_1396 = arith.constant 7 : i32
      %add3A_1397 = arith.addi %mul3A_1395, %add3A_1396 : i32
      %dma_wait3A_1398 = arith.constant 0 : i32
      %dma_wait3A_1399 = arith.constant 0 : i32
      %dma_wait3A_1400 = arith.constant 0 : i32
      %dma_wait3A_1401 = tpu.memref_slice %arg7[%dma_wait3A_1398, %dma_wait3A_1399, %dma_wait3A_1400] : memref<8x50x128xf32, #tpu.memory_space<vmem>> -> memref<1x50x128xf32, #tpu.memory_space<vmem>>
      %dma_wait3A_1402 = tpu.memref_squeeze %dma_wait3A_1401 : memref<1x50x128xf32, #tpu.memory_space<vmem>> -> memref<50x128xf32, #tpu.memory_space<vmem>>
      %dma_wait3A_1403 = arith.constant 0 : i32
      %dma_wait3A_1404 = tpu.memref_slice %arg5[%add3A_1369, %dma_wait3A_1403] : memref<128x50xi32, #tpu.memory_space<vmem>> -> memref<1x50xi32, #tpu.memory_space<vmem>>
      %dma_wait3A_1405 = tpu.memref_squeeze %dma_wait3A_1404 : memref<1x50xi32, #tpu.memory_space<vmem>> -> memref<50xi32, #tpu.memory_space<vmem>>
      %dma_wait3A_1406 = arith.constant 0 : i32
      %dma_wait3A_1407 = arith.constant 0 : i32
      %dma_wait3A_1408 = tpu.memref_slice %arg3[%dma_wait3A_1406, %dma_wait3A_1407] : memref<100000x128xf32, #tpu.memory_space<hbm>> -> memref<100000x128xf32, #tpu.memory_space<hbm>>
      tpu.wait_indirect_dma semaphore(%arg9 : memref<!tpu.dma_semaphore, #tpu.memory_space<semaphore_mem>>) src(%dma_wait3A_1408 : memref<100000x128xf32, #tpu.memory_space<hbm>>) dst(%dma_wait3A_1402 : memref<50x128xf32, #tpu.memory_space<vmem>>)
      %dma_wait3A_1409 = arith.constant 1 : i32
      %dma_wait3A_1410 = arith.constant 0 : i32
      %dma_wait3A_1411 = arith.constant 0 : i32
      %dma_wait3A_1412 = tpu.memref_slice %arg7[%dma_wait3A_1409, %dma_wait3A_1410, %dma_wait3A_1411] : memref<8x50x128xf32, #tpu.memory_space<vmem>> -> memref<1x50x128xf32, #tpu.memory_space<vmem>>
      %dma_wait3A_1413 = tpu.memref_squeeze %dma_wait3A_1412 : memref<1x50x128xf32, #tpu.memory_space<vmem>> -> memref<50x128xf32, #tpu.memory_space<vmem>>
      %dma_wait3A_1414 = arith.constant 0 : i32
      %dma_wait3A_1415 = tpu.memref_slice %arg5[%add3A_1373, %dma_wait3A_1414] : memref<128x50xi32, #tpu.memory_space<vmem>> -> memref<1x50xi32, #tpu.memory_space<vmem>>
      %dma_wait3A_1416 = tpu.memref_squeeze %dma_wait3A_1415 : memref<1x50xi32, #tpu.memory_space<vmem>> -> memref<50xi32, #tpu.memory_space<vmem>>
      %dma_wait3A_1417 = arith.constant 0 : i32
      %dma_wait3A_1418 = arith.constant 0 : i32
      %dma_wait3A_1419 = tpu.memref_slice %arg3[%dma_wait3A_1417, %dma_wait3A_1418] : memref<100000x128xf32, #tpu.memory_space<hbm>> -> memref<100000x128xf32, #tpu.memory_space<hbm>>
      tpu.wait_indirect_dma semaphore(%arg9 : memref<!tpu.dma_semaphore, #tpu.memory_space<semaphore_mem>>) src(%dma_wait3A_1419 : memref<100000x128xf32, #tpu.memory_space<hbm>>) dst(%dma_wait3A_1413 : memref<50x128xf32, #tpu.memory_space<vmem>>)
      %dma_wait3A_1420 = arith.constant 2 : i32
      %dma_wait3A_1421 = arith.constant 0 : i32
      %dma_wait3A_1422 = arith.constant 0 : i32
      %dma_wait3A_1423 = tpu.memref_slice %arg7[%dma_wait3A_1420, %dma_wait3A_1421, %dma_wait3A_1422] : memref<8x50x128xf32, #tpu.memory_space<vmem>> -> memref<1x50x128xf32, #tpu.memory_space<vmem>>
      %dma_wait3A_1424 = tpu.memref_squeeze %dma_wait3A_1423 : memref<1x50x128xf32, #tpu.memory_space<vmem>> -> memref<50x128xf32, #tpu.memory_space<vmem>>
      %dma_wait3A_1425 = arith.constant 0 : i32
      %dma_wait3A_1426 = tpu.memref_slice %arg5[%add3A_1377, %dma_wait3A_1425] : memref<128x50xi32, #tpu.memory_space<vmem>> -> memref<1x50xi32, #tpu.memory_space<vmem>>
      %dma_wait3A_1427 = tpu.memref_squeeze %dma_wait3A_1426 : memref<1x50xi32, #tpu.memory_space<vmem>> -> memref<50xi32, #tpu.memory_space<vmem>>
      %dma_wait3A_1428 = arith.constant 0 : i32
      %dma_wait3A_1429 = arith.constant 0 : i32
      %dma_wait3A_1430 = tpu.memref_slice %arg3[%dma_wait3A_1428, %dma_wait3A_1429] : memref<100000x128xf32, #tpu.memory_space<hbm>> -> memref<100000x128xf32, #tpu.memory_space<hbm>>
      tpu.wait_indirect_dma semaphore(%arg9 : memref<!tpu.dma_semaphore, #tpu.memory_space<semaphore_mem>>) src(%dma_wait3A_1430 : memref<100000x128xf32, #tpu.memory_space<hbm>>) dst(%dma_wait3A_1424 : memref<50x128xf32, #tpu.memory_space<vmem>>)
      %dma_wait3A_1431 = arith.constant 3 : i32
      %dma_wait3A_1432 = arith.constant 0 : i32
      %dma_wait3A_1433 = arith.constant 0 : i32
      %dma_wait3A_1434 = tpu.memref_slice %arg7[%dma_wait3A_1431, %dma_wait3A_1432, %dma_wait3A_1433] : memref<8x50x128xf32, #tpu.memory_space<vmem>> -> memref<1x50x128xf32, #tpu.memory_space<vmem>>
      %dma_wait3A_1435 = tpu.memref_squeeze %dma_wait3A_1434 : memref<1x50x128xf32, #tpu.memory_space<vmem>> -> memref<50x128xf32, #tpu.memory_space<vmem>>
      %dma_wait3A_1436 = arith.constant 0 : i32
      %dma_wait3A_1437 = tpu.memref_slice %arg5[%add3A_1381, %dma_wait3A_1436] : memref<128x50xi32, #tpu.memory_space<vmem>> -> memref<1x50xi32, #tpu.memory_space<vmem>>
      %dma_wait3A_1438 = tpu.memref_squeeze %dma_wait3A_1437 : memref<1x50xi32, #tpu.memory_space<vmem>> -> memref<50xi32, #tpu.memory_space<vmem>>
      %dma_wait3A_1439 = arith.constant 0 : i32
      %dma_wait3A_1440 = arith.constant 0 : i32
      %dma_wait3A_1441 = tpu.memref_slice %arg3[%dma_wait3A_1439, %dma_wait3A_1440] : memref<100000x128xf32, #tpu.memory_space<hbm>> -> memref<100000x128xf32, #tpu.memory_space<hbm>>
      tpu.wait_indirect_dma semaphore(%arg9 : memref<!tpu.dma_semaphore, #tpu.memory_space<semaphore_mem>>) src(%dma_wait3A_1441 : memref<100000x128xf32, #tpu.memory_space<hbm>>) dst(%dma_wait3A_1435 : memref<50x128xf32, #tpu.memory_space<vmem>>)
      %dma_wait3A_1442 = arith.constant 4 : i32
      %dma_wait3A_1443 = arith.constant 0 : i32
      %dma_wait3A_1444 = arith.constant 0 : i32
      %dma_wait3A_1445 = tpu.memref_slice %arg7[%dma_wait3A_1442, %dma_wait3A_1443, %dma_wait3A_1444] : memref<8x50x128xf32, #tpu.memory_space<vmem>> -> memref<1x50x128xf32, #tpu.memory_space<vmem>>
      %dma_wait3A_1446 = tpu.memref_squeeze %dma_wait3A_1445 : memref<1x50x128xf32, #tpu.memory_space<vmem>> -> memref<50x128xf32, #tpu.memory_space<vmem>>
      %dma_wait3A_1447 = arith.constant 0 : i32
      %dma_wait3A_1448 = tpu.memref_slice %arg5[%add3A_1385, %dma_wait3A_1447] : memref<128x50xi32, #tpu.memory_space<vmem>> -> memref<1x50xi32, #tpu.memory_space<vmem>>
      %dma_wait3A_1449 = tpu.memref_squeeze %dma_wait3A_1448 : memref<1x50xi32, #tpu.memory_space<vmem>> -> memref<50xi32, #tpu.memory_space<vmem>>
      %dma_wait3A_1450 = arith.constant 0 : i32
      %dma_wait3A_1451 = arith.constant 0 : i32
      %dma_wait3A_1452 = tpu.memref_slice %arg3[%dma_wait3A_1450, %dma_wait3A_1451] : memref<100000x128xf32, #tpu.memory_space<hbm>> -> memref<100000x128xf32, #tpu.memory_space<hbm>>
      tpu.wait_indirect_dma semaphore(%arg9 : memref<!tpu.dma_semaphore, #tpu.memory_space<semaphore_mem>>) src(%dma_wait3A_1452 : memref<100000x128xf32, #tpu.memory_space<hbm>>) dst(%dma_wait3A_1446 : memref<50x128xf32, #tpu.memory_space<vmem>>)
      %dma_wait3A_1453 = arith.constant 5 : i32
      %dma_wait3A_1454 = arith.constant 0 : i32
      %dma_wait3A_1455 = arith.constant 0 : i32
      %dma_wait3A_1456 = tpu.memref_slice %arg7[%dma_wait3A_1453, %dma_wait3A_1454, %dma_wait3A_1455] : memref<8x50x128xf32, #tpu.memory_space<vmem>> -> memref<1x50x128xf32, #tpu.memory_space<vmem>>
      %dma_wait3A_1457 = tpu.memref_squeeze %dma_wait3A_1456 : memref<1x50x128xf32, #tpu.memory_space<vmem>> -> memref<50x128xf32, #tpu.memory_space<vmem>>
      %dma_wait3A_1458 = arith.constant 0 : i32
      %dma_wait3A_1459 = tpu.memref_slice %arg5[%add3A_1389, %dma_wait3A_1458] : memref<128x50xi32, #tpu.memory_space<vmem>> -> memref<1x50xi32, #tpu.memory_space<vmem>>
      %dma_wait3A_1460 = tpu.memref_squeeze %dma_wait3A_1459 : memref<1x50xi32, #tpu.memory_space<vmem>> -> memref<50xi32, #tpu.memory_space<vmem>>
      %dma_wait3A_1461 = arith.constant 0 : i32
      %dma_wait3A_1462 = arith.constant 0 : i32
      %dma_wait3A_1463 = tpu.memref_slice %arg3[%dma_wait3A_1461, %dma_wait3A_1462] : memref<100000x128xf32, #tpu.memory_space<hbm>> -> memref<100000x128xf32, #tpu.memory_space<hbm>>
      tpu.wait_indirect_dma semaphore(%arg9 : memref<!tpu.dma_semaphore, #tpu.memory_space<semaphore_mem>>) src(%dma_wait3A_1463 : memref<100000x128xf32, #tpu.memory_space<hbm>>) dst(%dma_wait3A_1457 : memref<50x128xf32, #tpu.memory_space<vmem>>)
      %dma_wait3A_1464 = arith.constant 6 : i32
      %dma_wait3A_1465 = arith.constant 0 : i32
      %dma_wait3A_1466 = arith.constant 0 : i32
      %dma_wait3A_1467 = tpu.memref_slice %arg7[%dma_wait3A_1464, %dma_wait3A_1465, %dma_wait3A_1466] : memref<8x50x128xf32, #tpu.memory_space<vmem>> -> memref<1x50x128xf32, #tpu.memory_space<vmem>>
      %dma_wait3A_1468 = tpu.memref_squeeze %dma_wait3A_1467 : memref<1x50x128xf32, #tpu.memory_space<vmem>> -> memref<50x128xf32, #tpu.memory_space<vmem>>
      %dma_wait3A_1469 = arith.constant 0 : i32
      %dma_wait3A_1470 = tpu.memref_slice %arg5[%add3A_1393, %dma_wait3A_1469] : memref<128x50xi32, #tpu.memory_space<vmem>> -> memref<1x50xi32, #tpu.memory_space<vmem>>
      %dma_wait3A_1471 = tpu.memref_squeeze %dma_wait3A_1470 : memref<1x50xi32, #tpu.memory_space<vmem>> -> memref<50xi32, #tpu.memory_space<vmem>>
      %dma_wait3A_1472 = arith.constant 0 : i32
      %dma_wait3A_1473 = arith.constant 0 : i32
      %dma_wait3A_1474 = tpu.memref_slice %arg3[%dma_wait3A_1472, %dma_wait3A_1473] : memref<100000x128xf32, #tpu.memory_space<hbm>> -> memref<100000x128xf32, #tpu.memory_space<hbm>>
      tpu.wait_indirect_dma semaphore(%arg9 : memref<!tpu.dma_semaphore, #tpu.memory_space<semaphore_mem>>) src(%dma_wait3A_1474 : memref<100000x128xf32, #tpu.memory_space<hbm>>) dst(%dma_wait3A_1468 : memref<50x128xf32, #tpu.memory_space<vmem>>)
      %dma_wait3A_1475 = arith.constant 7 : i32
      %dma_wait3A_1476 = arith.constant 0 : i32
      %dma_wait3A_1477 = arith.constant 0 : i32
      %dma_wait3A_1478 = tpu.memref_slice %arg7[%dma_wait3A_1475, %dma_wait3A_1476, %dma_wait3A_1477] : memref<8x50x128xf32, #tpu.memory_space<vmem>> -> memref<1x50x128xf32, #tpu.memory_space<vmem>>
      %dma_wait3A_1479 = tpu.memref_squeeze %dma_wait3A_1478 : memref<1x50x128xf32, #tpu.memory_space<vmem>> -> memref<50x128xf32, #tpu.memory_space<vmem>>
      %dma_wait3A_1480 = arith.constant 0 : i32
      %dma_wait3A_1481 = tpu.memref_slice %arg5[%add3A_1397, %dma_wait3A_1480] : memref<128x50xi32, #tpu.memory_space<vmem>> -> memref<1x50xi32, #tpu.memory_space<vmem>>
      %dma_wait3A_1482 = tpu.memref_squeeze %dma_wait3A_1481 : memref<1x50xi32, #tpu.memory_space<vmem>> -> memref<50xi32, #tpu.memory_space<vmem>>
      %dma_wait3A_1483 = arith.constant 0 : i32
      %dma_wait3A_1484 = arith.constant 0 : i32
      %dma_wait3A_1485 = tpu.memref_slice %arg3[%dma_wait3A_1483, %dma_wait3A_1484] : memref<100000x128xf32, #tpu.memory_space<hbm>> -> memref<100000x128xf32, #tpu.memory_space<hbm>>
      tpu.wait_indirect_dma semaphore(%arg9 : memref<!tpu.dma_semaphore, #tpu.memory_space<semaphore_mem>>) src(%dma_wait3A_1485 : memref<100000x128xf32, #tpu.memory_space<hbm>>) dst(%dma_wait3A_1479 : memref<50x128xf32, #tpu.memory_space<vmem>>)
      %mul3A_1486 = arith.constant 8 : i32
      %mul3A_1487 = arith.muli %add3A_1066, %mul3A_1486 : i32
      %add3A_1488 = arith.addi %mul3A_2, %mul3A_1487 : i32
      %add3A_1489 = arith.constant 0 : i32
      %add3A_1490 = arith.addi %add3A_1488, %add3A_1489 : i32
      %mul3A_1491 = arith.constant 8 : i32
      %mul3A_1492 = arith.muli %add3A_1066, %mul3A_1491 : i32
      %add3A_1493 = arith.addi %mul3A_2, %mul3A_1492 : i32
      %add3A_1494 = arith.constant 1 : i32
      %add3A_1495 = arith.addi %add3A_1493, %add3A_1494 : i32
      %mul3A_1496 = arith.constant 8 : i32
      %mul3A_1497 = arith.muli %add3A_1066, %mul3A_1496 : i32
      %add3A_1498 = arith.addi %mul3A_2, %mul3A_1497 : i32
      %add3A_1499 = arith.constant 2 : i32
      %add3A_1500 = arith.addi %add3A_1498, %add3A_1499 : i32
      %mul3A_1501 = arith.constant 8 : i32
      %mul3A_1502 = arith.muli %add3A_1066, %mul3A_1501 : i32
      %add3A_1503 = arith.addi %mul3A_2, %mul3A_1502 : i32
      %add3A_1504 = arith.constant 3 : i32
      %add3A_1505 = arith.addi %add3A_1503, %add3A_1504 : i32
      %mul3A_1506 = arith.constant 8 : i32
      %mul3A_1507 = arith.muli %add3A_1066, %mul3A_1506 : i32
      %add3A_1508 = arith.addi %mul3A_2, %mul3A_1507 : i32
      %add3A_1509 = arith.constant 4 : i32
      %add3A_1510 = arith.addi %add3A_1508, %add3A_1509 : i32
      %mul3A_1511 = arith.constant 8 : i32
      %mul3A_1512 = arith.muli %add3A_1066, %mul3A_1511 : i32
      %add3A_1513 = arith.addi %mul3A_2, %mul3A_1512 : i32
      %add3A_1514 = arith.constant 5 : i32
      %add3A_1515 = arith.addi %add3A_1513, %add3A_1514 : i32
      %mul3A_1516 = arith.constant 8 : i32
      %mul3A_1517 = arith.muli %add3A_1066, %mul3A_1516 : i32
      %add3A_1518 = arith.addi %mul3A_2, %mul3A_1517 : i32
      %add3A_1519 = arith.constant 6 : i32
      %add3A_1520 = arith.addi %add3A_1518, %add3A_1519 : i32
      %mul3A_1521 = arith.constant 8 : i32
      %mul3A_1522 = arith.muli %add3A_1066, %mul3A_1521 : i32
      %add3A_1523 = arith.addi %mul3A_2, %mul3A_1522 : i32
      %add3A_1524 = arith.constant 7 : i32
      %add3A_1525 = arith.addi %add3A_1523, %add3A_1524 : i32
      %dma_start3A_1526 = arith.constant 0 : i32
      %dma_start3A_1527 = arith.constant 0 : i32
      %dma_start3A_1528 = arith.constant 0 : i32
      %dma_start3A_1529 = tpu.memref_slice %arg7[%dma_start3A_1526, %dma_start3A_1527, %dma_start3A_1528] : memref<8x50x128xf32, #tpu.memory_space<vmem>> -> memref<1x50x128xf32, #tpu.memory_space<vmem>>
      %dma_start3A_1530 = tpu.memref_squeeze %dma_start3A_1529 : memref<1x50x128xf32, #tpu.memory_space<vmem>> -> memref<50x128xf32, #tpu.memory_space<vmem>>
      %dma_start3A_1531 = arith.constant 0 : i32
      %dma_start3A_1532 = arith.constant 0 : i32
      %dma_start3A_1533 = tpu.memref_slice %arg4[%dma_start3A_1531, %add3A_1490, %dma_start3A_1532] : memref<50x4096x128xf32, #tpu.memory_space<hbm>> -> memref<50x1x128xf32, #tpu.memory_space<hbm>>
      %dma_start3A_1534 = tpu.memref_squeeze %dma_start3A_1533 : memref<50x1x128xf32, #tpu.memory_space<hbm>> -> memref<50x128xf32, #tpu.memory_space<hbm>>
      %dma_start3A_1535 = arith.constant 0 : i32
      %dma_start3A_1536 = arith.constant 0 : i32
      %dma_start3A_1537 = tpu.memref_slice %arg4[%dma_start3A_1535, %add3A_1490, %dma_start3A_1536] : memref<50x4096x128xf32, #tpu.memory_space<hbm>> -> memref<50x1x128xf32, #tpu.memory_space<hbm>>
      %dma_start3A_1538 = tpu.memref_squeeze %dma_start3A_1537 : memref<50x1x128xf32, #tpu.memory_space<hbm>> -> memref<50x128xf32, #tpu.memory_space<hbm>>
      %dma_start3A_1539 = arith.constant 0 : i32
      %dma_start3A_1540 = arith.constant 0 : i32
      %dma_start3A_1541 = tpu.memref_slice %arg7[%dma_start3A_1526, %dma_start3A_1539, %dma_start3A_1540] : memref<8x50x128xf32, #tpu.memory_space<vmem>> -> memref<1x50x128xf32, #tpu.memory_space<vmem>>
      %dma_start3A_1542 = tpu.memref_squeeze %dma_start3A_1541 : memref<1x50x128xf32, #tpu.memory_space<vmem>> -> memref<50x128xf32, #tpu.memory_space<vmem>>
      tpu.enqueue_dma source(%dma_start3A_1542 : memref<50x128xf32, #tpu.memory_space<vmem>>) target(%dma_start3A_1538 : memref<50x128xf32, #tpu.memory_space<hbm>>) target_semaphore(%arg11 : memref<!tpu.dma_semaphore, #tpu.memory_space<semaphore_mem>>)
      %dma_start3A_1543 = arith.constant 1 : i32
      %dma_start3A_1544 = arith.constant 0 : i32
      %dma_start3A_1545 = arith.constant 0 : i32
      %dma_start3A_1546 = tpu.memref_slice %arg7[%dma_start3A_1543, %dma_start3A_1544, %dma_start3A_1545] : memref<8x50x128xf32, #tpu.memory_space<vmem>> -> memref<1x50x128xf32, #tpu.memory_space<vmem>>
      %dma_start3A_1547 = tpu.memref_squeeze %dma_start3A_1546 : memref<1x50x128xf32, #tpu.memory_space<vmem>> -> memref<50x128xf32, #tpu.memory_space<vmem>>
      %dma_start3A_1548 = arith.constant 0 : i32
      %dma_start3A_1549 = arith.constant 0 : i32
      %dma_start3A_1550 = tpu.memref_slice %arg4[%dma_start3A_1548, %add3A_1495, %dma_start3A_1549] : memref<50x4096x128xf32, #tpu.memory_space<hbm>> -> memref<50x1x128xf32, #tpu.memory_space<hbm>>
      %dma_start3A_1551 = tpu.memref_squeeze %dma_start3A_1550 : memref<50x1x128xf32, #tpu.memory_space<hbm>> -> memref<50x128xf32, #tpu.memory_space<hbm>>
      %dma_start3A_1552 = arith.constant 0 : i32
      %dma_start3A_1553 = arith.constant 0 : i32
      %dma_start3A_1554 = tpu.memref_slice %arg4[%dma_start3A_1552, %add3A_1495, %dma_start3A_1553] : memref<50x4096x128xf32, #tpu.memory_space<hbm>> -> memref<50x1x128xf32, #tpu.memory_space<hbm>>
      %dma_start3A_1555 = tpu.memref_squeeze %dma_start3A_1554 : memref<50x1x128xf32, #tpu.memory_space<hbm>> -> memref<50x128xf32, #tpu.memory_space<hbm>>
      %dma_start3A_1556 = arith.constant 0 : i32
      %dma_start3A_1557 = arith.constant 0 : i32
      %dma_start3A_1558 = tpu.memref_slice %arg7[%dma_start3A_1543, %dma_start3A_1556, %dma_start3A_1557] : memref<8x50x128xf32, #tpu.memory_space<vmem>> -> memref<1x50x128xf32, #tpu.memory_space<vmem>>
      %dma_start3A_1559 = tpu.memref_squeeze %dma_start3A_1558 : memref<1x50x128xf32, #tpu.memory_space<vmem>> -> memref<50x128xf32, #tpu.memory_space<vmem>>
      tpu.enqueue_dma source(%dma_start3A_1559 : memref<50x128xf32, #tpu.memory_space<vmem>>) target(%dma_start3A_1555 : memref<50x128xf32, #tpu.memory_space<hbm>>) target_semaphore(%arg11 : memref<!tpu.dma_semaphore, #tpu.memory_space<semaphore_mem>>)
      %dma_start3A_1560 = arith.constant 2 : i32
      %dma_start3A_1561 = arith.constant 0 : i32
      %dma_start3A_1562 = arith.constant 0 : i32
      %dma_start3A_1563 = tpu.memref_slice %arg7[%dma_start3A_1560, %dma_start3A_1561, %dma_start3A_1562] : memref<8x50x128xf32, #tpu.memory_space<vmem>> -> memref<1x50x128xf32, #tpu.memory_space<vmem>>
      %dma_start3A_1564 = tpu.memref_squeeze %dma_start3A_1563 : memref<1x50x128xf32, #tpu.memory_space<vmem>> -> memref<50x128xf32, #tpu.memory_space<vmem>>
      %dma_start3A_1565 = arith.constant 0 : i32
      %dma_start3A_1566 = arith.constant 0 : i32
      %dma_start3A_1567 = tpu.memref_slice %arg4[%dma_start3A_1565, %add3A_1500, %dma_start3A_1566] : memref<50x4096x128xf32, #tpu.memory_space<hbm>> -> memref<50x1x128xf32, #tpu.memory_space<hbm>>
      %dma_start3A_1568 = tpu.memref_squeeze %dma_start3A_1567 : memref<50x1x128xf32, #tpu.memory_space<hbm>> -> memref<50x128xf32, #tpu.memory_space<hbm>>
      %dma_start3A_1569 = arith.constant 0 : i32
      %dma_start3A_1570 = arith.constant 0 : i32
      %dma_start3A_1571 = tpu.memref_slice %arg4[%dma_start3A_1569, %add3A_1500, %dma_start3A_1570] : memref<50x4096x128xf32, #tpu.memory_space<hbm>> -> memref<50x1x128xf32, #tpu.memory_space<hbm>>
      %dma_start3A_1572 = tpu.memref_squeeze %dma_start3A_1571 : memref<50x1x128xf32, #tpu.memory_space<hbm>> -> memref<50x128xf32, #tpu.memory_space<hbm>>
      %dma_start3A_1573 = arith.constant 0 : i32
      %dma_start3A_1574 = arith.constant 0 : i32
      %dma_start3A_1575 = tpu.memref_slice %arg7[%dma_start3A_1560, %dma_start3A_1573, %dma_start3A_1574] : memref<8x50x128xf32, #tpu.memory_space<vmem>> -> memref<1x50x128xf32, #tpu.memory_space<vmem>>
      %dma_start3A_1576 = tpu.memref_squeeze %dma_start3A_1575 : memref<1x50x128xf32, #tpu.memory_space<vmem>> -> memref<50x128xf32, #tpu.memory_space<vmem>>
      tpu.enqueue_dma source(%dma_start3A_1576 : memref<50x128xf32, #tpu.memory_space<vmem>>) target(%dma_start3A_1572 : memref<50x128xf32, #tpu.memory_space<hbm>>) target_semaphore(%arg11 : memref<!tpu.dma_semaphore, #tpu.memory_space<semaphore_mem>>)
      %dma_start3A_1577 = arith.constant 3 : i32
      %dma_start3A_1578 = arith.constant 0 : i32
      %dma_start3A_1579 = arith.constant 0 : i32
      %dma_start3A_1580 = tpu.memref_slice %arg7[%dma_start3A_1577, %dma_start3A_1578, %dma_start3A_1579] : memref<8x50x128xf32, #tpu.memory_space<vmem>> -> memref<1x50x128xf32, #tpu.memory_space<vmem>>
      %dma_start3A_1581 = tpu.memref_squeeze %dma_start3A_1580 : memref<1x50x128xf32, #tpu.memory_space<vmem>> -> memref<50x128xf32, #tpu.memory_space<vmem>>
      %dma_start3A_1582 = arith.constant 0 : i32
      %dma_start3A_1583 = arith.constant 0 : i32
      %dma_start3A_1584 = tpu.memref_slice %arg4[%dma_start3A_1582, %add3A_1505, %dma_start3A_1583] : memref<50x4096x128xf32, #tpu.memory_space<hbm>> -> memref<50x1x128xf32, #tpu.memory_space<hbm>>
      %dma_start3A_1585 = tpu.memref_squeeze %dma_start3A_1584 : memref<50x1x128xf32, #tpu.memory_space<hbm>> -> memref<50x128xf32, #tpu.memory_space<hbm>>
      %dma_start3A_1586 = arith.constant 0 : i32
      %dma_start3A_1587 = arith.constant 0 : i32
      %dma_start3A_1588 = tpu.memref_slice %arg4[%dma_start3A_1586, %add3A_1505, %dma_start3A_1587] : memref<50x4096x128xf32, #tpu.memory_space<hbm>> -> memref<50x1x128xf32, #tpu.memory_space<hbm>>
      %dma_start3A_1589 = tpu.memref_squeeze %dma_start3A_1588 : memref<50x1x128xf32, #tpu.memory_space<hbm>> -> memref<50x128xf32, #tpu.memory_space<hbm>>
      %dma_start3A_1590 = arith.constant 0 : i32
      %dma_start3A_1591 = arith.constant 0 : i32
      %dma_start3A_1592 = tpu.memref_slice %arg7[%dma_start3A_1577, %dma_start3A_1590, %dma_start3A_1591] : memref<8x50x128xf32, #tpu.memory_space<vmem>> -> memref<1x50x128xf32, #tpu.memory_space<vmem>>
      %dma_start3A_1593 = tpu.memref_squeeze %dma_start3A_1592 : memref<1x50x128xf32, #tpu.memory_space<vmem>> -> memref<50x128xf32, #tpu.memory_space<vmem>>
      tpu.enqueue_dma source(%dma_start3A_1593 : memref<50x128xf32, #tpu.memory_space<vmem>>) target(%dma_start3A_1589 : memref<50x128xf32, #tpu.memory_space<hbm>>) target_semaphore(%arg11 : memref<!tpu.dma_semaphore, #tpu.memory_space<semaphore_mem>>)
      %dma_start3A_1594 = arith.constant 4 : i32
      %dma_start3A_1595 = arith.constant 0 : i32
      %dma_start3A_1596 = arith.constant 0 : i32
      %dma_start3A_1597 = tpu.memref_slice %arg7[%dma_start3A_1594, %dma_start3A_1595, %dma_start3A_1596] : memref<8x50x128xf32, #tpu.memory_space<vmem>> -> memref<1x50x128xf32, #tpu.memory_space<vmem>>
      %dma_start3A_1598 = tpu.memref_squeeze %dma_start3A_1597 : memref<1x50x128xf32, #tpu.memory_space<vmem>> -> memref<50x128xf32, #tpu.memory_space<vmem>>
      %dma_start3A_1599 = arith.constant 0 : i32
      %dma_start3A_1600 = arith.constant 0 : i32
      %dma_start3A_1601 = tpu.memref_slice %arg4[%dma_start3A_1599, %add3A_1510, %dma_start3A_1600] : memref<50x4096x128xf32, #tpu.memory_space<hbm>> -> memref<50x1x128xf32, #tpu.memory_space<hbm>>
      %dma_start3A_1602 = tpu.memref_squeeze %dma_start3A_1601 : memref<50x1x128xf32, #tpu.memory_space<hbm>> -> memref<50x128xf32, #tpu.memory_space<hbm>>
      %dma_start3A_1603 = arith.constant 0 : i32
      %dma_start3A_1604 = arith.constant 0 : i32
      %dma_start3A_1605 = tpu.memref_slice %arg4[%dma_start3A_1603, %add3A_1510, %dma_start3A_1604] : memref<50x4096x128xf32, #tpu.memory_space<hbm>> -> memref<50x1x128xf32, #tpu.memory_space<hbm>>
      %dma_start3A_1606 = tpu.memref_squeeze %dma_start3A_1605 : memref<50x1x128xf32, #tpu.memory_space<hbm>> -> memref<50x128xf32, #tpu.memory_space<hbm>>
      %dma_start3A_1607 = arith.constant 0 : i32
      %dma_start3A_1608 = arith.constant 0 : i32
      %dma_start3A_1609 = tpu.memref_slice %arg7[%dma_start3A_1594, %dma_start3A_1607, %dma_start3A_1608] : memref<8x50x128xf32, #tpu.memory_space<vmem>> -> memref<1x50x128xf32, #tpu.memory_space<vmem>>
      %dma_start3A_1610 = tpu.memref_squeeze %dma_start3A_1609 : memref<1x50x128xf32, #tpu.memory_space<vmem>> -> memref<50x128xf32, #tpu.memory_space<vmem>>
      tpu.enqueue_dma source(%dma_start3A_1610 : memref<50x128xf32, #tpu.memory_space<vmem>>) target(%dma_start3A_1606 : memref<50x128xf32, #tpu.memory_space<hbm>>) target_semaphore(%arg11 : memref<!tpu.dma_semaphore, #tpu.memory_space<semaphore_mem>>)
      %dma_start3A_1611 = arith.constant 5 : i32
      %dma_start3A_1612 = arith.constant 0 : i32
      %dma_start3A_1613 = arith.constant 0 : i32
      %dma_start3A_1614 = tpu.memref_slice %arg7[%dma_start3A_1611, %dma_start3A_1612, %dma_start3A_1613] : memref<8x50x128xf32, #tpu.memory_space<vmem>> -> memref<1x50x128xf32, #tpu.memory_space<vmem>>
      %dma_start3A_1615 = tpu.memref_squeeze %dma_start3A_1614 : memref<1x50x128xf32, #tpu.memory_space<vmem>> -> memref<50x128xf32, #tpu.memory_space<vmem>>
      %dma_start3A_1616 = arith.constant 0 : i32
      %dma_start3A_1617 = arith.constant 0 : i32
      %dma_start3A_1618 = tpu.memref_slice %arg4[%dma_start3A_1616, %add3A_1515, %dma_start3A_1617] : memref<50x4096x128xf32, #tpu.memory_space<hbm>> -> memref<50x1x128xf32, #tpu.memory_space<hbm>>
      %dma_start3A_1619 = tpu.memref_squeeze %dma_start3A_1618 : memref<50x1x128xf32, #tpu.memory_space<hbm>> -> memref<50x128xf32, #tpu.memory_space<hbm>>
      %dma_start3A_1620 = arith.constant 0 : i32
      %dma_start3A_1621 = arith.constant 0 : i32
      %dma_start3A_1622 = tpu.memref_slice %arg4[%dma_start3A_1620, %add3A_1515, %dma_start3A_1621] : memref<50x4096x128xf32, #tpu.memory_space<hbm>> -> memref<50x1x128xf32, #tpu.memory_space<hbm>>
      %dma_start3A_1623 = tpu.memref_squeeze %dma_start3A_1622 : memref<50x1x128xf32, #tpu.memory_space<hbm>> -> memref<50x128xf32, #tpu.memory_space<hbm>>
      %dma_start3A_1624 = arith.constant 0 : i32
      %dma_start3A_1625 = arith.constant 0 : i32
      %dma_start3A_1626 = tpu.memref_slice %arg7[%dma_start3A_1611, %dma_start3A_1624, %dma_start3A_1625] : memref<8x50x128xf32, #tpu.memory_space<vmem>> -> memref<1x50x128xf32, #tpu.memory_space<vmem>>
      %dma_start3A_1627 = tpu.memref_squeeze %dma_start3A_1626 : memref<1x50x128xf32, #tpu.memory_space<vmem>> -> memref<50x128xf32, #tpu.memory_space<vmem>>
      tpu.enqueue_dma source(%dma_start3A_1627 : memref<50x128xf32, #tpu.memory_space<vmem>>) target(%dma_start3A_1623 : memref<50x128xf32, #tpu.memory_space<hbm>>) target_semaphore(%arg11 : memref<!tpu.dma_semaphore, #tpu.memory_space<semaphore_mem>>)
      %dma_start3A_1628 = arith.constant 6 : i32
      %dma_start3A_1629 = arith.constant 0 : i32
      %dma_start3A_1630 = arith.constant 0 : i32
      %dma_start3A_1631 = tpu.memref_slice %arg7[%dma_start3A_1628, %dma_start3A_1629, %dma_start3A_1630] : memref<8x50x128xf32, #tpu.memory_space<vmem>> -> memref<1x50x128xf32, #tpu.memory_space<vmem>>
      %dma_start3A_1632 = tpu.memref_squeeze %dma_start3A_1631 : memref<1x50x128xf32, #tpu.memory_space<vmem>> -> memref<50x128xf32, #tpu.memory_space<vmem>>
      %dma_start3A_1633 = arith.constant 0 : i32
      %dma_start3A_1634 = arith.constant 0 : i32
      %dma_start3A_1635 = tpu.memref_slice %arg4[%dma_start3A_1633, %add3A_1520, %dma_start3A_1634] : memref<50x4096x128xf32, #tpu.memory_space<hbm>> -> memref<50x1x128xf32, #tpu.memory_space<hbm>>
      %dma_start3A_1636 = tpu.memref_squeeze %dma_start3A_1635 : memref<50x1x128xf32, #tpu.memory_space<hbm>> -> memref<50x128xf32, #tpu.memory_space<hbm>>
      %dma_start3A_1637 = arith.constant 0 : i32
      %dma_start3A_1638 = arith.constant 0 : i32
      %dma_start3A_1639 = tpu.memref_slice %arg4[%dma_start3A_1637, %add3A_1520, %dma_start3A_1638] : memref<50x4096x128xf32, #tpu.memory_space<hbm>> -> memref<50x1x128xf32, #tpu.memory_space<hbm>>
      %dma_start3A_1640 = tpu.memref_squeeze %dma_start3A_1639 : memref<50x1x128xf32, #tpu.memory_space<hbm>> -> memref<50x128xf32, #tpu.memory_space<hbm>>
      %dma_start3A_1641 = arith.constant 0 : i32
      %dma_start3A_1642 = arith.constant 0 : i32
      %dma_start3A_1643 = tpu.memref_slice %arg7[%dma_start3A_1628, %dma_start3A_1641, %dma_start3A_1642] : memref<8x50x128xf32, #tpu.memory_space<vmem>> -> memref<1x50x128xf32, #tpu.memory_space<vmem>>
      %dma_start3A_1644 = tpu.memref_squeeze %dma_start3A_1643 : memref<1x50x128xf32, #tpu.memory_space<vmem>> -> memref<50x128xf32, #tpu.memory_space<vmem>>
      tpu.enqueue_dma source(%dma_start3A_1644 : memref<50x128xf32, #tpu.memory_space<vmem>>) target(%dma_start3A_1640 : memref<50x128xf32, #tpu.memory_space<hbm>>) target_semaphore(%arg11 : memref<!tpu.dma_semaphore, #tpu.memory_space<semaphore_mem>>)
      %dma_start3A_1645 = arith.constant 7 : i32
      %dma_start3A_1646 = arith.constant 0 : i32
      %dma_start3A_1647 = arith.constant 0 : i32
      %dma_start3A_1648 = tpu.memref_slice %arg7[%dma_start3A_1645, %dma_start3A_1646, %dma_start3A_1647] : memref<8x50x128xf32, #tpu.memory_space<vmem>> -> memref<1x50x128xf32, #tpu.memory_space<vmem>>
      %dma_start3A_1649 = tpu.memref_squeeze %dma_start3A_1648 : memref<1x50x128xf32, #tpu.memory_space<vmem>> -> memref<50x128xf32, #tpu.memory_space<vmem>>
      %dma_start3A_1650 = arith.constant 0 : i32
      %dma_start3A_1651 = arith.constant 0 : i32
      %dma_start3A_1652 = tpu.memref_slice %arg4[%dma_start3A_1650, %add3A_1525, %dma_start3A_1651] : memref<50x4096x128xf32, #tpu.memory_space<hbm>> -> memref<50x1x128xf32, #tpu.memory_space<hbm>>
      %dma_start3A_1653 = tpu.memref_squeeze %dma_start3A_1652 : memref<50x1x128xf32, #tpu.memory_space<hbm>> -> memref<50x128xf32, #tpu.memory_space<hbm>>
      %dma_start3A_1654 = arith.constant 0 : i32
      %dma_start3A_1655 = arith.constant 0 : i32
      %dma_start3A_1656 = tpu.memref_slice %arg4[%dma_start3A_1654, %add3A_1525, %dma_start3A_1655] : memref<50x4096x128xf32, #tpu.memory_space<hbm>> -> memref<50x1x128xf32, #tpu.memory_space<hbm>>
      %dma_start3A_1657 = tpu.memref_squeeze %dma_start3A_1656 : memref<50x1x128xf32, #tpu.memory_space<hbm>> -> memref<50x128xf32, #tpu.memory_space<hbm>>
      %dma_start3A_1658 = arith.constant 0 : i32
      %dma_start3A_1659 = arith.constant 0 : i32
      %dma_start3A_1660 = tpu.memref_slice %arg7[%dma_start3A_1645, %dma_start3A_1658, %dma_start3A_1659] : memref<8x50x128xf32, #tpu.memory_space<vmem>> -> memref<1x50x128xf32, #tpu.memory_space<vmem>>
      %dma_start3A_1661 = tpu.memref_squeeze %dma_start3A_1660 : memref<1x50x128xf32, #tpu.memory_space<vmem>> -> memref<50x128xf32, #tpu.memory_space<vmem>>
      tpu.enqueue_dma source(%dma_start3A_1661 : memref<50x128xf32, #tpu.memory_space<vmem>>) target(%dma_start3A_1657 : memref<50x128xf32, #tpu.memory_space<hbm>>) target_semaphore(%arg11 : memref<!tpu.dma_semaphore, #tpu.memory_space<semaphore_mem>>)
      %mul3A_1662 = arith.constant 8 : i32
      %mul3A_1663 = arith.muli %add3A_1066, %mul3A_1662 : i32
      %add3A_1664 = arith.addi %mul3A_2, %mul3A_1663 : i32
      %add3A_1665 = arith.constant 0 : i32
      %add3A_1666 = arith.addi %add3A_1664, %add3A_1665 : i32
      %mul3A_1667 = arith.constant 8 : i32
      %mul3A_1668 = arith.muli %add3A_1066, %mul3A_1667 : i32
      %add3A_1669 = arith.addi %mul3A_2, %mul3A_1668 : i32
      %add3A_1670 = arith.constant 1 : i32
      %add3A_1671 = arith.addi %add3A_1669, %add3A_1670 : i32
      %mul3A_1672 = arith.constant 8 : i32
      %mul3A_1673 = arith.muli %add3A_1066, %mul3A_1672 : i32
      %add3A_1674 = arith.addi %mul3A_2, %mul3A_1673 : i32
      %add3A_1675 = arith.constant 2 : i32
      %add3A_1676 = arith.addi %add3A_1674, %add3A_1675 : i32
      %mul3A_1677 = arith.constant 8 : i32
      %mul3A_1678 = arith.muli %add3A_1066, %mul3A_1677 : i32
      %add3A_1679 = arith.addi %mul3A_2, %mul3A_1678 : i32
      %add3A_1680 = arith.constant 3 : i32
      %add3A_1681 = arith.addi %add3A_1679, %add3A_1680 : i32
      %mul3A_1682 = arith.constant 8 : i32
      %mul3A_1683 = arith.muli %add3A_1066, %mul3A_1682 : i32
      %add3A_1684 = arith.addi %mul3A_2, %mul3A_1683 : i32
      %add3A_1685 = arith.constant 4 : i32
      %add3A_1686 = arith.addi %add3A_1684, %add3A_1685 : i32
      %mul3A_1687 = arith.constant 8 : i32
      %mul3A_1688 = arith.muli %add3A_1066, %mul3A_1687 : i32
      %add3A_1689 = arith.addi %mul3A_2, %mul3A_1688 : i32
      %add3A_1690 = arith.constant 5 : i32
      %add3A_1691 = arith.addi %add3A_1689, %add3A_1690 : i32
      %mul3A_1692 = arith.constant 8 : i32
      %mul3A_1693 = arith.muli %add3A_1066, %mul3A_1692 : i32
      %add3A_1694 = arith.addi %mul3A_2, %mul3A_1693 : i32
      %add3A_1695 = arith.constant 6 : i32
      %add3A_1696 = arith.addi %add3A_1694, %add3A_1695 : i32
      %mul3A_1697 = arith.constant 8 : i32
      %mul3A_1698 = arith.muli %add3A_1066, %mul3A_1697 : i32
      %add3A_1699 = arith.addi %mul3A_2, %mul3A_1698 : i32
      %add3A_1700 = arith.constant 7 : i32
      %add3A_1701 = arith.addi %add3A_1699, %add3A_1700 : i32
      %dma_wait3A_1702 = arith.constant 0 : i32
      %dma_wait3A_1703 = arith.constant 0 : i32
      %dma_wait3A_1704 = arith.constant 0 : i32
      %dma_wait3A_1705 = tpu.memref_slice %arg7[%dma_wait3A_1702, %dma_wait3A_1703, %dma_wait3A_1704] : memref<8x50x128xf32, #tpu.memory_space<vmem>> -> memref<1x50x128xf32, #tpu.memory_space<vmem>>
      %dma_wait3A_1706 = tpu.memref_squeeze %dma_wait3A_1705 : memref<1x50x128xf32, #tpu.memory_space<vmem>> -> memref<50x128xf32, #tpu.memory_space<vmem>>
      %dma_wait3A_1707 = arith.constant 0 : i32
      %dma_wait3A_1708 = arith.constant 0 : i32
      %dma_wait3A_1709 = tpu.memref_slice %arg4[%dma_wait3A_1707, %add3A_1666, %dma_wait3A_1708] : memref<50x4096x128xf32, #tpu.memory_space<hbm>> -> memref<50x1x128xf32, #tpu.memory_space<hbm>>
      %dma_wait3A_1710 = tpu.memref_squeeze %dma_wait3A_1709 : memref<50x1x128xf32, #tpu.memory_space<hbm>> -> memref<50x128xf32, #tpu.memory_space<hbm>>
      %dma_wait3A_1711 = arith.constant 0 : i32
      %dma_wait3A_1712 = arith.constant 0 : i32
      %dma_wait3A_1713 = tpu.memref_slice %arg4[%dma_wait3A_1711, %add3A_1666, %dma_wait3A_1712] : memref<50x4096x128xf32, #tpu.memory_space<hbm>> -> memref<50x1x128xf32, #tpu.memory_space<hbm>>
      %dma_wait3A_1714 = tpu.memref_squeeze %dma_wait3A_1713 : memref<50x1x128xf32, #tpu.memory_space<hbm>> -> memref<50x128xf32, #tpu.memory_space<hbm>>
      %dma_wait3A_1715 = arith.constant 0 : i32
      %dma_wait3A_1716 = arith.constant 0 : i32
      %dma_wait3A_1717 = tpu.memref_slice %arg7[%dma_wait3A_1702, %dma_wait3A_1715, %dma_wait3A_1716] : memref<8x50x128xf32, #tpu.memory_space<vmem>> -> memref<1x50x128xf32, #tpu.memory_space<vmem>>
      %dma_wait3A_1718 = tpu.memref_squeeze %dma_wait3A_1717 : memref<1x50x128xf32, #tpu.memory_space<vmem>> -> memref<50x128xf32, #tpu.memory_space<vmem>>
      tpu.wait_dma2 semaphore(%arg11 : memref<!tpu.dma_semaphore, #tpu.memory_space<semaphore_mem>>) src(%dma_wait3A_1718 : memref<50x128xf32, #tpu.memory_space<vmem>>) dst(%dma_wait3A_1714 : memref<50x128xf32, #tpu.memory_space<hbm>>)
      %dma_wait3A_1719 = arith.constant 1 : i32
      %dma_wait3A_1720 = arith.constant 0 : i32
      %dma_wait3A_1721 = arith.constant 0 : i32
      %dma_wait3A_1722 = tpu.memref_slice %arg7[%dma_wait3A_1719, %dma_wait3A_1720, %dma_wait3A_1721] : memref<8x50x128xf32, #tpu.memory_space<vmem>> -> memref<1x50x128xf32, #tpu.memory_space<vmem>>
      %dma_wait3A_1723 = tpu.memref_squeeze %dma_wait3A_1722 : memref<1x50x128xf32, #tpu.memory_space<vmem>> -> memref<50x128xf32, #tpu.memory_space<vmem>>
      %dma_wait3A_1724 = arith.constant 0 : i32
      %dma_wait3A_1725 = arith.constant 0 : i32
      %dma_wait3A_1726 = tpu.memref_slice %arg4[%dma_wait3A_1724, %add3A_1671, %dma_wait3A_1725] : memref<50x4096x128xf32, #tpu.memory_space<hbm>> -> memref<50x1x128xf32, #tpu.memory_space<hbm>>
      %dma_wait3A_1727 = tpu.memref_squeeze %dma_wait3A_1726 : memref<50x1x128xf32, #tpu.memory_space<hbm>> -> memref<50x128xf32, #tpu.memory_space<hbm>>
      %dma_wait3A_1728 = arith.constant 0 : i32
      %dma_wait3A_1729 = arith.constant 0 : i32
      %dma_wait3A_1730 = tpu.memref_slice %arg4[%dma_wait3A_1728, %add3A_1671, %dma_wait3A_1729] : memref<50x4096x128xf32, #tpu.memory_space<hbm>> -> memref<50x1x128xf32, #tpu.memory_space<hbm>>
      %dma_wait3A_1731 = tpu.memref_squeeze %dma_wait3A_1730 : memref<50x1x128xf32, #tpu.memory_space<hbm>> -> memref<50x128xf32, #tpu.memory_space<hbm>>
      %dma_wait3A_1732 = arith.constant 0 : i32
      %dma_wait3A_1733 = arith.constant 0 : i32
      %dma_wait3A_1734 = tpu.memref_slice %arg7[%dma_wait3A_1719, %dma_wait3A_1732, %dma_wait3A_1733] : memref<8x50x128xf32, #tpu.memory_space<vmem>> -> memref<1x50x128xf32, #tpu.memory_space<vmem>>
      %dma_wait3A_1735 = tpu.memref_squeeze %dma_wait3A_1734 : memref<1x50x128xf32, #tpu.memory_space<vmem>> -> memref<50x128xf32, #tpu.memory_space<vmem>>
      tpu.wait_dma2 semaphore(%arg11 : memref<!tpu.dma_semaphore, #tpu.memory_space<semaphore_mem>>) src(%dma_wait3A_1735 : memref<50x128xf32, #tpu.memory_space<vmem>>) dst(%dma_wait3A_1731 : memref<50x128xf32, #tpu.memory_space<hbm>>)
      %dma_wait3A_1736 = arith.constant 2 : i32
      %dma_wait3A_1737 = arith.constant 0 : i32
      %dma_wait3A_1738 = arith.constant 0 : i32
      %dma_wait3A_1739 = tpu.memref_slice %arg7[%dma_wait3A_1736, %dma_wait3A_1737, %dma_wait3A_1738] : memref<8x50x128xf32, #tpu.memory_space<vmem>> -> memref<1x50x128xf32, #tpu.memory_space<vmem>>
      %dma_wait3A_1740 = tpu.memref_squeeze %dma_wait3A_1739 : memref<1x50x128xf32, #tpu.memory_space<vmem>> -> memref<50x128xf32, #tpu.memory_space<vmem>>
      %dma_wait3A_1741 = arith.constant 0 : i32
      %dma_wait3A_1742 = arith.constant 0 : i32
      %dma_wait3A_1743 = tpu.memref_slice %arg4[%dma_wait3A_1741, %add3A_1676, %dma_wait3A_1742] : memref<50x4096x128xf32, #tpu.memory_space<hbm>> -> memref<50x1x128xf32, #tpu.memory_space<hbm>>
      %dma_wait3A_1744 = tpu.memref_squeeze %dma_wait3A_1743 : memref<50x1x128xf32, #tpu.memory_space<hbm>> -> memref<50x128xf32, #tpu.memory_space<hbm>>
      %dma_wait3A_1745 = arith.constant 0 : i32
      %dma_wait3A_1746 = arith.constant 0 : i32
      %dma_wait3A_1747 = tpu.memref_slice %arg4[%dma_wait3A_1745, %add3A_1676, %dma_wait3A_1746] : memref<50x4096x128xf32, #tpu.memory_space<hbm>> -> memref<50x1x128xf32, #tpu.memory_space<hbm>>
      %dma_wait3A_1748 = tpu.memref_squeeze %dma_wait3A_1747 : memref<50x1x128xf32, #tpu.memory_space<hbm>> -> memref<50x128xf32, #tpu.memory_space<hbm>>
      %dma_wait3A_1749 = arith.constant 0 : i32
      %dma_wait3A_1750 = arith.constant 0 : i32
      %dma_wait3A_1751 = tpu.memref_slice %arg7[%dma_wait3A_1736, %dma_wait3A_1749, %dma_wait3A_1750] : memref<8x50x128xf32, #tpu.memory_space<vmem>> -> memref<1x50x128xf32, #tpu.memory_space<vmem>>
      %dma_wait3A_1752 = tpu.memref_squeeze %dma_wait3A_1751 : memref<1x50x128xf32, #tpu.memory_space<vmem>> -> memref<50x128xf32, #tpu.memory_space<vmem>>
      tpu.wait_dma2 semaphore(%arg11 : memref<!tpu.dma_semaphore, #tpu.memory_space<semaphore_mem>>) src(%dma_wait3A_1752 : memref<50x128xf32, #tpu.memory_space<vmem>>) dst(%dma_wait3A_1748 : memref<50x128xf32, #tpu.memory_space<hbm>>)
      %dma_wait3A_1753 = arith.constant 3 : i32
      %dma_wait3A_1754 = arith.constant 0 : i32
      %dma_wait3A_1755 = arith.constant 0 : i32
      %dma_wait3A_1756 = tpu.memref_slice %arg7[%dma_wait3A_1753, %dma_wait3A_1754, %dma_wait3A_1755] : memref<8x50x128xf32, #tpu.memory_space<vmem>> -> memref<1x50x128xf32, #tpu.memory_space<vmem>>
      %dma_wait3A_1757 = tpu.memref_squeeze %dma_wait3A_1756 : memref<1x50x128xf32, #tpu.memory_space<vmem>> -> memref<50x128xf32, #tpu.memory_space<vmem>>
      %dma_wait3A_1758 = arith.constant 0 : i32
      %dma_wait3A_1759 = arith.constant 0 : i32
      %dma_wait3A_1760 = tpu.memref_slice %arg4[%dma_wait3A_1758, %add3A_1681, %dma_wait3A_1759] : memref<50x4096x128xf32, #tpu.memory_space<hbm>> -> memref<50x1x128xf32, #tpu.memory_space<hbm>>
      %dma_wait3A_1761 = tpu.memref_squeeze %dma_wait3A_1760 : memref<50x1x128xf32, #tpu.memory_space<hbm>> -> memref<50x128xf32, #tpu.memory_space<hbm>>
      %dma_wait3A_1762 = arith.constant 0 : i32
      %dma_wait3A_1763 = arith.constant 0 : i32
      %dma_wait3A_1764 = tpu.memref_slice %arg4[%dma_wait3A_1762, %add3A_1681, %dma_wait3A_1763] : memref<50x4096x128xf32, #tpu.memory_space<hbm>> -> memref<50x1x128xf32, #tpu.memory_space<hbm>>
      %dma_wait3A_1765 = tpu.memref_squeeze %dma_wait3A_1764 : memref<50x1x128xf32, #tpu.memory_space<hbm>> -> memref<50x128xf32, #tpu.memory_space<hbm>>
      %dma_wait3A_1766 = arith.constant 0 : i32
      %dma_wait3A_1767 = arith.constant 0 : i32
      %dma_wait3A_1768 = tpu.memref_slice %arg7[%dma_wait3A_1753, %dma_wait3A_1766, %dma_wait3A_1767] : memref<8x50x128xf32, #tpu.memory_space<vmem>> -> memref<1x50x128xf32, #tpu.memory_space<vmem>>
      %dma_wait3A_1769 = tpu.memref_squeeze %dma_wait3A_1768 : memref<1x50x128xf32, #tpu.memory_space<vmem>> -> memref<50x128xf32, #tpu.memory_space<vmem>>
      tpu.wait_dma2 semaphore(%arg11 : memref<!tpu.dma_semaphore, #tpu.memory_space<semaphore_mem>>) src(%dma_wait3A_1769 : memref<50x128xf32, #tpu.memory_space<vmem>>) dst(%dma_wait3A_1765 : memref<50x128xf32, #tpu.memory_space<hbm>>)
      %dma_wait3A_1770 = arith.constant 4 : i32
      %dma_wait3A_1771 = arith.constant 0 : i32
      %dma_wait3A_1772 = arith.constant 0 : i32
      %dma_wait3A_1773 = tpu.memref_slice %arg7[%dma_wait3A_1770, %dma_wait3A_1771, %dma_wait3A_1772] : memref<8x50x128xf32, #tpu.memory_space<vmem>> -> memref<1x50x128xf32, #tpu.memory_space<vmem>>
      %dma_wait3A_1774 = tpu.memref_squeeze %dma_wait3A_1773 : memref<1x50x128xf32, #tpu.memory_space<vmem>> -> memref<50x128xf32, #tpu.memory_space<vmem>>
      %dma_wait3A_1775 = arith.constant 0 : i32
      %dma_wait3A_1776 = arith.constant 0 : i32
      %dma_wait3A_1777 = tpu.memref_slice %arg4[%dma_wait3A_1775, %add3A_1686, %dma_wait3A_1776] : memref<50x4096x128xf32, #tpu.memory_space<hbm>> -> memref<50x1x128xf32, #tpu.memory_space<hbm>>
      %dma_wait3A_1778 = tpu.memref_squeeze %dma_wait3A_1777 : memref<50x1x128xf32, #tpu.memory_space<hbm>> -> memref<50x128xf32, #tpu.memory_space<hbm>>
      %dma_wait3A_1779 = arith.constant 0 : i32
      %dma_wait3A_1780 = arith.constant 0 : i32
      %dma_wait3A_1781 = tpu.memref_slice %arg4[%dma_wait3A_1779, %add3A_1686, %dma_wait3A_1780] : memref<50x4096x128xf32, #tpu.memory_space<hbm>> -> memref<50x1x128xf32, #tpu.memory_space<hbm>>
      %dma_wait3A_1782 = tpu.memref_squeeze %dma_wait3A_1781 : memref<50x1x128xf32, #tpu.memory_space<hbm>> -> memref<50x128xf32, #tpu.memory_space<hbm>>
      %dma_wait3A_1783 = arith.constant 0 : i32
      %dma_wait3A_1784 = arith.constant 0 : i32
      %dma_wait3A_1785 = tpu.memref_slice %arg7[%dma_wait3A_1770, %dma_wait3A_1783, %dma_wait3A_1784] : memref<8x50x128xf32, #tpu.memory_space<vmem>> -> memref<1x50x128xf32, #tpu.memory_space<vmem>>
      %dma_wait3A_1786 = tpu.memref_squeeze %dma_wait3A_1785 : memref<1x50x128xf32, #tpu.memory_space<vmem>> -> memref<50x128xf32, #tpu.memory_space<vmem>>
      tpu.wait_dma2 semaphore(%arg11 : memref<!tpu.dma_semaphore, #tpu.memory_space<semaphore_mem>>) src(%dma_wait3A_1786 : memref<50x128xf32, #tpu.memory_space<vmem>>) dst(%dma_wait3A_1782 : memref<50x128xf32, #tpu.memory_space<hbm>>)
      %dma_wait3A_1787 = arith.constant 5 : i32
      %dma_wait3A_1788 = arith.constant 0 : i32
      %dma_wait3A_1789 = arith.constant 0 : i32
      %dma_wait3A_1790 = tpu.memref_slice %arg7[%dma_wait3A_1787, %dma_wait3A_1788, %dma_wait3A_1789] : memref<8x50x128xf32, #tpu.memory_space<vmem>> -> memref<1x50x128xf32, #tpu.memory_space<vmem>>
      %dma_wait3A_1791 = tpu.memref_squeeze %dma_wait3A_1790 : memref<1x50x128xf32, #tpu.memory_space<vmem>> -> memref<50x128xf32, #tpu.memory_space<vmem>>
      %dma_wait3A_1792 = arith.constant 0 : i32
      %dma_wait3A_1793 = arith.constant 0 : i32
      %dma_wait3A_1794 = tpu.memref_slice %arg4[%dma_wait3A_1792, %add3A_1691, %dma_wait3A_1793] : memref<50x4096x128xf32, #tpu.memory_space<hbm>> -> memref<50x1x128xf32, #tpu.memory_space<hbm>>
      %dma_wait3A_1795 = tpu.memref_squeeze %dma_wait3A_1794 : memref<50x1x128xf32, #tpu.memory_space<hbm>> -> memref<50x128xf32, #tpu.memory_space<hbm>>
      %dma_wait3A_1796 = arith.constant 0 : i32
      %dma_wait3A_1797 = arith.constant 0 : i32
      %dma_wait3A_1798 = tpu.memref_slice %arg4[%dma_wait3A_1796, %add3A_1691, %dma_wait3A_1797] : memref<50x4096x128xf32, #tpu.memory_space<hbm>> -> memref<50x1x128xf32, #tpu.memory_space<hbm>>
      %dma_wait3A_1799 = tpu.memref_squeeze %dma_wait3A_1798 : memref<50x1x128xf32, #tpu.memory_space<hbm>> -> memref<50x128xf32, #tpu.memory_space<hbm>>
      %dma_wait3A_1800 = arith.constant 0 : i32
      %dma_wait3A_1801 = arith.constant 0 : i32
      %dma_wait3A_1802 = tpu.memref_slice %arg7[%dma_wait3A_1787, %dma_wait3A_1800, %dma_wait3A_1801] : memref<8x50x128xf32, #tpu.memory_space<vmem>> -> memref<1x50x128xf32, #tpu.memory_space<vmem>>
      %dma_wait3A_1803 = tpu.memref_squeeze %dma_wait3A_1802 : memref<1x50x128xf32, #tpu.memory_space<vmem>> -> memref<50x128xf32, #tpu.memory_space<vmem>>
      tpu.wait_dma2 semaphore(%arg11 : memref<!tpu.dma_semaphore, #tpu.memory_space<semaphore_mem>>) src(%dma_wait3A_1803 : memref<50x128xf32, #tpu.memory_space<vmem>>) dst(%dma_wait3A_1799 : memref<50x128xf32, #tpu.memory_space<hbm>>)
      %dma_wait3A_1804 = arith.constant 6 : i32
      %dma_wait3A_1805 = arith.constant 0 : i32
      %dma_wait3A_1806 = arith.constant 0 : i32
      %dma_wait3A_1807 = tpu.memref_slice %arg7[%dma_wait3A_1804, %dma_wait3A_1805, %dma_wait3A_1806] : memref<8x50x128xf32, #tpu.memory_space<vmem>> -> memref<1x50x128xf32, #tpu.memory_space<vmem>>
      %dma_wait3A_1808 = tpu.memref_squeeze %dma_wait3A_1807 : memref<1x50x128xf32, #tpu.memory_space<vmem>> -> memref<50x128xf32, #tpu.memory_space<vmem>>
      %dma_wait3A_1809 = arith.constant 0 : i32
      %dma_wait3A_1810 = arith.constant 0 : i32
      %dma_wait3A_1811 = tpu.memref_slice %arg4[%dma_wait3A_1809, %add3A_1696, %dma_wait3A_1810] : memref<50x4096x128xf32, #tpu.memory_space<hbm>> -> memref<50x1x128xf32, #tpu.memory_space<hbm>>
      %dma_wait3A_1812 = tpu.memref_squeeze %dma_wait3A_1811 : memref<50x1x128xf32, #tpu.memory_space<hbm>> -> memref<50x128xf32, #tpu.memory_space<hbm>>
      %dma_wait3A_1813 = arith.constant 0 : i32
      %dma_wait3A_1814 = arith.constant 0 : i32
      %dma_wait3A_1815 = tpu.memref_slice %arg4[%dma_wait3A_1813, %add3A_1696, %dma_wait3A_1814] : memref<50x4096x128xf32, #tpu.memory_space<hbm>> -> memref<50x1x128xf32, #tpu.memory_space<hbm>>
      %dma_wait3A_1816 = tpu.memref_squeeze %dma_wait3A_1815 : memref<50x1x128xf32, #tpu.memory_space<hbm>> -> memref<50x128xf32, #tpu.memory_space<hbm>>
      %dma_wait3A_1817 = arith.constant 0 : i32
      %dma_wait3A_1818 = arith.constant 0 : i32
      %dma_wait3A_1819 = tpu.memref_slice %arg7[%dma_wait3A_1804, %dma_wait3A_1817, %dma_wait3A_1818] : memref<8x50x128xf32, #tpu.memory_space<vmem>> -> memref<1x50x128xf32, #tpu.memory_space<vmem>>
      %dma_wait3A_1820 = tpu.memref_squeeze %dma_wait3A_1819 : memref<1x50x128xf32, #tpu.memory_space<vmem>> -> memref<50x128xf32, #tpu.memory_space<vmem>>
      tpu.wait_dma2 semaphore(%arg11 : memref<!tpu.dma_semaphore, #tpu.memory_space<semaphore_mem>>) src(%dma_wait3A_1820 : memref<50x128xf32, #tpu.memory_space<vmem>>) dst(%dma_wait3A_1816 : memref<50x128xf32, #tpu.memory_space<hbm>>)
      %dma_wait3A_1821 = arith.constant 7 : i32
      %dma_wait3A_1822 = arith.constant 0 : i32
      %dma_wait3A_1823 = arith.constant 0 : i32
      %dma_wait3A_1824 = tpu.memref_slice %arg7[%dma_wait3A_1821, %dma_wait3A_1822, %dma_wait3A_1823] : memref<8x50x128xf32, #tpu.memory_space<vmem>> -> memref<1x50x128xf32, #tpu.memory_space<vmem>>
      %dma_wait3A_1825 = tpu.memref_squeeze %dma_wait3A_1824 : memref<1x50x128xf32, #tpu.memory_space<vmem>> -> memref<50x128xf32, #tpu.memory_space<vmem>>
      %dma_wait3A_1826 = arith.constant 0 : i32
      %dma_wait3A_1827 = arith.constant 0 : i32
      %dma_wait3A_1828 = tpu.memref_slice %arg4[%dma_wait3A_1826, %add3A_1701, %dma_wait3A_1827] : memref<50x4096x128xf32, #tpu.memory_space<hbm>> -> memref<50x1x128xf32, #tpu.memory_space<hbm>>
      %dma_wait3A_1829 = tpu.memref_squeeze %dma_wait3A_1828 : memref<50x1x128xf32, #tpu.memory_space<hbm>> -> memref<50x128xf32, #tpu.memory_space<hbm>>
      %dma_wait3A_1830 = arith.constant 0 : i32
      %dma_wait3A_1831 = arith.constant 0 : i32
      %dma_wait3A_1832 = tpu.memref_slice %arg4[%dma_wait3A_1830, %add3A_1701, %dma_wait3A_1831] : memref<50x4096x128xf32, #tpu.memory_space<hbm>> -> memref<50x1x128xf32, #tpu.memory_space<hbm>>
      %dma_wait3A_1833 = tpu.memref_squeeze %dma_wait3A_1832 : memref<50x1x128xf32, #tpu.memory_space<hbm>> -> memref<50x128xf32, #tpu.memory_space<hbm>>
      %dma_wait3A_1834 = arith.constant 0 : i32
      %dma_wait3A_1835 = arith.constant 0 : i32
      %dma_wait3A_1836 = tpu.memref_slice %arg7[%dma_wait3A_1821, %dma_wait3A_1834, %dma_wait3A_1835] : memref<8x50x128xf32, #tpu.memory_space<vmem>> -> memref<1x50x128xf32, #tpu.memory_space<vmem>>
      %dma_wait3A_1837 = tpu.memref_squeeze %dma_wait3A_1836 : memref<1x50x128xf32, #tpu.memory_space<vmem>> -> memref<50x128xf32, #tpu.memory_space<vmem>>
      tpu.wait_dma2 semaphore(%arg11 : memref<!tpu.dma_semaphore, #tpu.memory_space<semaphore_mem>>) src(%dma_wait3A_1837 : memref<50x128xf32, #tpu.memory_space<vmem>>) dst(%dma_wait3A_1833 : memref<50x128xf32, #tpu.memory_space<hbm>>)
      %add3A_1838 = arith.constant 2 : i32
      %add3A_1839 = arith.addi %add3A_1066, %add3A_1838 : i32
      %mul3A_1840 = arith.constant 8 : i32
      %mul3A_1841 = arith.muli %add3A_1839, %mul3A_1840 : i32
      %add3A_1842 = arith.constant 0 : i32
      %add3A_1843 = arith.addi %mul3A_1841, %add3A_1842 : i32
      %mul3A_1844 = arith.constant 8 : i32
      %mul3A_1845 = arith.muli %add3A_1839, %mul3A_1844 : i32
      %add3A_1846 = arith.constant 1 : i32
      %add3A_1847 = arith.addi %mul3A_1845, %add3A_1846 : i32
      %mul3A_1848 = arith.constant 8 : i32
      %mul3A_1849 = arith.muli %add3A_1839, %mul3A_1848 : i32
      %add3A_1850 = arith.constant 2 : i32
      %add3A_1851 = arith.addi %mul3A_1849, %add3A_1850 : i32
      %mul3A_1852 = arith.constant 8 : i32
      %mul3A_1853 = arith.muli %add3A_1839, %mul3A_1852 : i32
      %add3A_1854 = arith.constant 3 : i32
      %add3A_1855 = arith.addi %mul3A_1853, %add3A_1854 : i32
      %mul3A_1856 = arith.constant 8 : i32
      %mul3A_1857 = arith.muli %add3A_1839, %mul3A_1856 : i32
      %add3A_1858 = arith.constant 4 : i32
      %add3A_1859 = arith.addi %mul3A_1857, %add3A_1858 : i32
      %mul3A_1860 = arith.constant 8 : i32
      %mul3A_1861 = arith.muli %add3A_1839, %mul3A_1860 : i32
      %add3A_1862 = arith.constant 5 : i32
      %add3A_1863 = arith.addi %mul3A_1861, %add3A_1862 : i32
      %mul3A_1864 = arith.constant 8 : i32
      %mul3A_1865 = arith.muli %add3A_1839, %mul3A_1864 : i32
      %add3A_1866 = arith.constant 6 : i32
      %add3A_1867 = arith.addi %mul3A_1865, %add3A_1866 : i32
      %mul3A_1868 = arith.constant 8 : i32
      %mul3A_1869 = arith.muli %add3A_1839, %mul3A_1868 : i32
      %add3A_1870 = arith.constant 7 : i32
      %add3A_1871 = arith.addi %mul3A_1869, %add3A_1870 : i32
      %dma_start3A_1872 = arith.constant 0 : i32
      %dma_start3A_1873 = arith.constant 0 : i32
      %dma_start3A_1874 = arith.constant 0 : i32
      %dma_start3A_1875 = tpu.memref_slice %arg7[%dma_start3A_1872, %dma_start3A_1873, %dma_start3A_1874] : memref<8x50x128xf32, #tpu.memory_space<vmem>> -> memref<1x50x128xf32, #tpu.memory_space<vmem>>
      %dma_start3A_1876 = tpu.memref_squeeze %dma_start3A_1875 : memref<1x50x128xf32, #tpu.memory_space<vmem>> -> memref<50x128xf32, #tpu.memory_space<vmem>>
      %dma_start3A_1877 = arith.constant 0 : i32
      %dma_start3A_1878 = tpu.memref_slice %arg5[%add3A_1843, %dma_start3A_1877] : memref<128x50xi32, #tpu.memory_space<vmem>> -> memref<1x50xi32, #tpu.memory_space<vmem>>
      %dma_start3A_1879 = tpu.memref_squeeze %dma_start3A_1878 : memref<1x50xi32, #tpu.memory_space<vmem>> -> memref<50xi32, #tpu.memory_space<vmem>>
      %dma_start3A_1880 = arith.constant 0 : i32
      %dma_start3A_1881 = arith.constant 0 : i32
      %dma_start3A_1882 = tpu.memref_slice %arg3[%dma_start3A_1880, %dma_start3A_1881] : memref<100000x128xf32, #tpu.memory_space<hbm>> -> memref<100000x128xf32, #tpu.memory_space<hbm>>
      tpu.enqueue_indirect_dma source(%dma_start3A_1882 : memref<100000x128xf32, #tpu.memory_space<hbm>>) target(%dma_start3A_1876 : memref<50x128xf32, #tpu.memory_space<vmem>>) offsets(%dma_start3A_1879 : memref<50xi32, #tpu.memory_space<vmem>>) semaphore(%arg9 : memref<!tpu.dma_semaphore, #tpu.memory_space<semaphore_mem>>)
      %dma_start3A_1883 = arith.constant 1 : i32
      %dma_start3A_1884 = arith.constant 0 : i32
      %dma_start3A_1885 = arith.constant 0 : i32
      %dma_start3A_1886 = tpu.memref_slice %arg7[%dma_start3A_1883, %dma_start3A_1884, %dma_start3A_1885] : memref<8x50x128xf32, #tpu.memory_space<vmem>> -> memref<1x50x128xf32, #tpu.memory_space<vmem>>
      %dma_start3A_1887 = tpu.memref_squeeze %dma_start3A_1886 : memref<1x50x128xf32, #tpu.memory_space<vmem>> -> memref<50x128xf32, #tpu.memory_space<vmem>>
      %dma_start3A_1888 = arith.constant 0 : i32
      %dma_start3A_1889 = tpu.memref_slice %arg5[%add3A_1847, %dma_start3A_1888] : memref<128x50xi32, #tpu.memory_space<vmem>> -> memref<1x50xi32, #tpu.memory_space<vmem>>
      %dma_start3A_1890 = tpu.memref_squeeze %dma_start3A_1889 : memref<1x50xi32, #tpu.memory_space<vmem>> -> memref<50xi32, #tpu.memory_space<vmem>>
      %dma_start3A_1891 = arith.constant 0 : i32
      %dma_start3A_1892 = arith.constant 0 : i32
      %dma_start3A_1893 = tpu.memref_slice %arg3[%dma_start3A_1891, %dma_start3A_1892] : memref<100000x128xf32, #tpu.memory_space<hbm>> -> memref<100000x128xf32, #tpu.memory_space<hbm>>
      tpu.enqueue_indirect_dma source(%dma_start3A_1893 : memref<100000x128xf32, #tpu.memory_space<hbm>>) target(%dma_start3A_1887 : memref<50x128xf32, #tpu.memory_space<vmem>>) offsets(%dma_start3A_1890 : memref<50xi32, #tpu.memory_space<vmem>>) semaphore(%arg9 : memref<!tpu.dma_semaphore, #tpu.memory_space<semaphore_mem>>)
      %dma_start3A_1894 = arith.constant 2 : i32
      %dma_start3A_1895 = arith.constant 0 : i32
      %dma_start3A_1896 = arith.constant 0 : i32
      %dma_start3A_1897 = tpu.memref_slice %arg7[%dma_start3A_1894, %dma_start3A_1895, %dma_start3A_1896] : memref<8x50x128xf32, #tpu.memory_space<vmem>> -> memref<1x50x128xf32, #tpu.memory_space<vmem>>
      %dma_start3A_1898 = tpu.memref_squeeze %dma_start3A_1897 : memref<1x50x128xf32, #tpu.memory_space<vmem>> -> memref<50x128xf32, #tpu.memory_space<vmem>>
      %dma_start3A_1899 = arith.constant 0 : i32
      %dma_start3A_1900 = tpu.memref_slice %arg5[%add3A_1851, %dma_start3A_1899] : memref<128x50xi32, #tpu.memory_space<vmem>> -> memref<1x50xi32, #tpu.memory_space<vmem>>
      %dma_start3A_1901 = tpu.memref_squeeze %dma_start3A_1900 : memref<1x50xi32, #tpu.memory_space<vmem>> -> memref<50xi32, #tpu.memory_space<vmem>>
      %dma_start3A_1902 = arith.constant 0 : i32
      %dma_start3A_1903 = arith.constant 0 : i32
      %dma_start3A_1904 = tpu.memref_slice %arg3[%dma_start3A_1902, %dma_start3A_1903] : memref<100000x128xf32, #tpu.memory_space<hbm>> -> memref<100000x128xf32, #tpu.memory_space<hbm>>
      tpu.enqueue_indirect_dma source(%dma_start3A_1904 : memref<100000x128xf32, #tpu.memory_space<hbm>>) target(%dma_start3A_1898 : memref<50x128xf32, #tpu.memory_space<vmem>>) offsets(%dma_start3A_1901 : memref<50xi32, #tpu.memory_space<vmem>>) semaphore(%arg9 : memref<!tpu.dma_semaphore, #tpu.memory_space<semaphore_mem>>)
      %dma_start3A_1905 = arith.constant 3 : i32
      %dma_start3A_1906 = arith.constant 0 : i32
      %dma_start3A_1907 = arith.constant 0 : i32
      %dma_start3A_1908 = tpu.memref_slice %arg7[%dma_start3A_1905, %dma_start3A_1906, %dma_start3A_1907] : memref<8x50x128xf32, #tpu.memory_space<vmem>> -> memref<1x50x128xf32, #tpu.memory_space<vmem>>
      %dma_start3A_1909 = tpu.memref_squeeze %dma_start3A_1908 : memref<1x50x128xf32, #tpu.memory_space<vmem>> -> memref<50x128xf32, #tpu.memory_space<vmem>>
      %dma_start3A_1910 = arith.constant 0 : i32
      %dma_start3A_1911 = tpu.memref_slice %arg5[%add3A_1855, %dma_start3A_1910] : memref<128x50xi32, #tpu.memory_space<vmem>> -> memref<1x50xi32, #tpu.memory_space<vmem>>
      %dma_start3A_1912 = tpu.memref_squeeze %dma_start3A_1911 : memref<1x50xi32, #tpu.memory_space<vmem>> -> memref<50xi32, #tpu.memory_space<vmem>>
      %dma_start3A_1913 = arith.constant 0 : i32
      %dma_start3A_1914 = arith.constant 0 : i32
      %dma_start3A_1915 = tpu.memref_slice %arg3[%dma_start3A_1913, %dma_start3A_1914] : memref<100000x128xf32, #tpu.memory_space<hbm>> -> memref<100000x128xf32, #tpu.memory_space<hbm>>
      tpu.enqueue_indirect_dma source(%dma_start3A_1915 : memref<100000x128xf32, #tpu.memory_space<hbm>>) target(%dma_start3A_1909 : memref<50x128xf32, #tpu.memory_space<vmem>>) offsets(%dma_start3A_1912 : memref<50xi32, #tpu.memory_space<vmem>>) semaphore(%arg9 : memref<!tpu.dma_semaphore, #tpu.memory_space<semaphore_mem>>)
      %dma_start3A_1916 = arith.constant 4 : i32
      %dma_start3A_1917 = arith.constant 0 : i32
      %dma_start3A_1918 = arith.constant 0 : i32
      %dma_start3A_1919 = tpu.memref_slice %arg7[%dma_start3A_1916, %dma_start3A_1917, %dma_start3A_1918] : memref<8x50x128xf32, #tpu.memory_space<vmem>> -> memref<1x50x128xf32, #tpu.memory_space<vmem>>
      %dma_start3A_1920 = tpu.memref_squeeze %dma_start3A_1919 : memref<1x50x128xf32, #tpu.memory_space<vmem>> -> memref<50x128xf32, #tpu.memory_space<vmem>>
      %dma_start3A_1921 = arith.constant 0 : i32
      %dma_start3A_1922 = tpu.memref_slice %arg5[%add3A_1859, %dma_start3A_1921] : memref<128x50xi32, #tpu.memory_space<vmem>> -> memref<1x50xi32, #tpu.memory_space<vmem>>
      %dma_start3A_1923 = tpu.memref_squeeze %dma_start3A_1922 : memref<1x50xi32, #tpu.memory_space<vmem>> -> memref<50xi32, #tpu.memory_space<vmem>>
      %dma_start3A_1924 = arith.constant 0 : i32
      %dma_start3A_1925 = arith.constant 0 : i32
      %dma_start3A_1926 = tpu.memref_slice %arg3[%dma_start3A_1924, %dma_start3A_1925] : memref<100000x128xf32, #tpu.memory_space<hbm>> -> memref<100000x128xf32, #tpu.memory_space<hbm>>
      tpu.enqueue_indirect_dma source(%dma_start3A_1926 : memref<100000x128xf32, #tpu.memory_space<hbm>>) target(%dma_start3A_1920 : memref<50x128xf32, #tpu.memory_space<vmem>>) offsets(%dma_start3A_1923 : memref<50xi32, #tpu.memory_space<vmem>>) semaphore(%arg9 : memref<!tpu.dma_semaphore, #tpu.memory_space<semaphore_mem>>)
      %dma_start3A_1927 = arith.constant 5 : i32
      %dma_start3A_1928 = arith.constant 0 : i32
      %dma_start3A_1929 = arith.constant 0 : i32
      %dma_start3A_1930 = tpu.memref_slice %arg7[%dma_start3A_1927, %dma_start3A_1928, %dma_start3A_1929] : memref<8x50x128xf32, #tpu.memory_space<vmem>> -> memref<1x50x128xf32, #tpu.memory_space<vmem>>
      %dma_start3A_1931 = tpu.memref_squeeze %dma_start3A_1930 : memref<1x50x128xf32, #tpu.memory_space<vmem>> -> memref<50x128xf32, #tpu.memory_space<vmem>>
      %dma_start3A_1932 = arith.constant 0 : i32
      %dma_start3A_1933 = tpu.memref_slice %arg5[%add3A_1863, %dma_start3A_1932] : memref<128x50xi32, #tpu.memory_space<vmem>> -> memref<1x50xi32, #tpu.memory_space<vmem>>
      %dma_start3A_1934 = tpu.memref_squeeze %dma_start3A_1933 : memref<1x50xi32, #tpu.memory_space<vmem>> -> memref<50xi32, #tpu.memory_space<vmem>>
      %dma_start3A_1935 = arith.constant 0 : i32
      %dma_start3A_1936 = arith.constant 0 : i32
      %dma_start3A_1937 = tpu.memref_slice %arg3[%dma_start3A_1935, %dma_start3A_1936] : memref<100000x128xf32, #tpu.memory_space<hbm>> -> memref<100000x128xf32, #tpu.memory_space<hbm>>
      tpu.enqueue_indirect_dma source(%dma_start3A_1937 : memref<100000x128xf32, #tpu.memory_space<hbm>>) target(%dma_start3A_1931 : memref<50x128xf32, #tpu.memory_space<vmem>>) offsets(%dma_start3A_1934 : memref<50xi32, #tpu.memory_space<vmem>>) semaphore(%arg9 : memref<!tpu.dma_semaphore, #tpu.memory_space<semaphore_mem>>)
      %dma_start3A_1938 = arith.constant 6 : i32
      %dma_start3A_1939 = arith.constant 0 : i32
      %dma_start3A_1940 = arith.constant 0 : i32
      %dma_start3A_1941 = tpu.memref_slice %arg7[%dma_start3A_1938, %dma_start3A_1939, %dma_start3A_1940] : memref<8x50x128xf32, #tpu.memory_space<vmem>> -> memref<1x50x128xf32, #tpu.memory_space<vmem>>
      %dma_start3A_1942 = tpu.memref_squeeze %dma_start3A_1941 : memref<1x50x128xf32, #tpu.memory_space<vmem>> -> memref<50x128xf32, #tpu.memory_space<vmem>>
      %dma_start3A_1943 = arith.constant 0 : i32
      %dma_start3A_1944 = tpu.memref_slice %arg5[%add3A_1867, %dma_start3A_1943] : memref<128x50xi32, #tpu.memory_space<vmem>> -> memref<1x50xi32, #tpu.memory_space<vmem>>
      %dma_start3A_1945 = tpu.memref_squeeze %dma_start3A_1944 : memref<1x50xi32, #tpu.memory_space<vmem>> -> memref<50xi32, #tpu.memory_space<vmem>>
      %dma_start3A_1946 = arith.constant 0 : i32
      %dma_start3A_1947 = arith.constant 0 : i32
      %dma_start3A_1948 = tpu.memref_slice %arg3[%dma_start3A_1946, %dma_start3A_1947] : memref<100000x128xf32, #tpu.memory_space<hbm>> -> memref<100000x128xf32, #tpu.memory_space<hbm>>
      tpu.enqueue_indirect_dma source(%dma_start3A_1948 : memref<100000x128xf32, #tpu.memory_space<hbm>>) target(%dma_start3A_1942 : memref<50x128xf32, #tpu.memory_space<vmem>>) offsets(%dma_start3A_1945 : memref<50xi32, #tpu.memory_space<vmem>>) semaphore(%arg9 : memref<!tpu.dma_semaphore, #tpu.memory_space<semaphore_mem>>)
      %dma_start3A_1949 = arith.constant 7 : i32
      %dma_start3A_1950 = arith.constant 0 : i32
      %dma_start3A_1951 = arith.constant 0 : i32
      %dma_start3A_1952 = tpu.memref_slice %arg7[%dma_start3A_1949, %dma_start3A_1950, %dma_start3A_1951] : memref<8x50x128xf32, #tpu.memory_space<vmem>> -> memref<1x50x128xf32, #tpu.memory_space<vmem>>
      %dma_start3A_1953 = tpu.memref_squeeze %dma_start3A_1952 : memref<1x50x128xf32, #tpu.memory_space<vmem>> -> memref<50x128xf32, #tpu.memory_space<vmem>>
      %dma_start3A_1954 = arith.constant 0 : i32
      %dma_start3A_1955 = tpu.memref_slice %arg5[%add3A_1871, %dma_start3A_1954] : memref<128x50xi32, #tpu.memory_space<vmem>> -> memref<1x50xi32, #tpu.memory_space<vmem>>
      %dma_start3A_1956 = tpu.memref_squeeze %dma_start3A_1955 : memref<1x50xi32, #tpu.memory_space<vmem>> -> memref<50xi32, #tpu.memory_space<vmem>>
      %dma_start3A_1957 = arith.constant 0 : i32
      %dma_start3A_1958 = arith.constant 0 : i32
      %dma_start3A_1959 = tpu.memref_slice %arg3[%dma_start3A_1957, %dma_start3A_1958] : memref<100000x128xf32, #tpu.memory_space<hbm>> -> memref<100000x128xf32, #tpu.memory_space<hbm>>
      tpu.enqueue_indirect_dma source(%dma_start3A_1959 : memref<100000x128xf32, #tpu.memory_space<hbm>>) target(%dma_start3A_1953 : memref<50x128xf32, #tpu.memory_space<vmem>>) offsets(%dma_start3A_1956 : memref<50xi32, #tpu.memory_space<vmem>>) semaphore(%arg9 : memref<!tpu.dma_semaphore, #tpu.memory_space<semaphore_mem>>)
      %add3A_1960 = arith.constant 1 : i32
      %add3A_1961 = arith.addi %add3A_1066, %add3A_1960 : i32
      %mul3A_1962 = arith.constant 8 : i32
      %mul3A_1963 = arith.muli %add3A_1961, %mul3A_1962 : i32
      %add3A_1964 = arith.constant 0 : i32
      %add3A_1965 = arith.addi %mul3A_1963, %add3A_1964 : i32
      %mul3A_1966 = arith.constant 8 : i32
      %mul3A_1967 = arith.muli %add3A_1961, %mul3A_1966 : i32
      %add3A_1968 = arith.constant 1 : i32
      %add3A_1969 = arith.addi %mul3A_1967, %add3A_1968 : i32
      %mul3A_1970 = arith.constant 8 : i32
      %mul3A_1971 = arith.muli %add3A_1961, %mul3A_1970 : i32
      %add3A_1972 = arith.constant 2 : i32
      %add3A_1973 = arith.addi %mul3A_1971, %add3A_1972 : i32
      %mul3A_1974 = arith.constant 8 : i32
      %mul3A_1975 = arith.muli %add3A_1961, %mul3A_1974 : i32
      %add3A_1976 = arith.constant 3 : i32
      %add3A_1977 = arith.addi %mul3A_1975, %add3A_1976 : i32
      %mul3A_1978 = arith.constant 8 : i32
      %mul3A_1979 = arith.muli %add3A_1961, %mul3A_1978 : i32
      %add3A_1980 = arith.constant 4 : i32
      %add3A_1981 = arith.addi %mul3A_1979, %add3A_1980 : i32
      %mul3A_1982 = arith.constant 8 : i32
      %mul3A_1983 = arith.muli %add3A_1961, %mul3A_1982 : i32
      %add3A_1984 = arith.constant 5 : i32
      %add3A_1985 = arith.addi %mul3A_1983, %add3A_1984 : i32
      %mul3A_1986 = arith.constant 8 : i32
      %mul3A_1987 = arith.muli %add3A_1961, %mul3A_1986 : i32
      %add3A_1988 = arith.constant 6 : i32
      %add3A_1989 = arith.addi %mul3A_1987, %add3A_1988 : i32
      %mul3A_1990 = arith.constant 8 : i32
      %mul3A_1991 = arith.muli %add3A_1961, %mul3A_1990 : i32
      %add3A_1992 = arith.constant 7 : i32
      %add3A_1993 = arith.addi %mul3A_1991, %add3A_1992 : i32
      %dma_wait3A_1994 = arith.constant 0 : i32
      %dma_wait3A_1995 = arith.constant 0 : i32
      %dma_wait3A_1996 = arith.constant 0 : i32
      %dma_wait3A_1997 = tpu.memref_slice %arg6[%dma_wait3A_1994, %dma_wait3A_1995, %dma_wait3A_1996] : memref<8x50x128xf32, #tpu.memory_space<vmem>> -> memref<1x50x128xf32, #tpu.memory_space<vmem>>
      %dma_wait3A_1998 = tpu.memref_squeeze %dma_wait3A_1997 : memref<1x50x128xf32, #tpu.memory_space<vmem>> -> memref<50x128xf32, #tpu.memory_space<vmem>>
      %dma_wait3A_1999 = arith.constant 0 : i32
      %dma_wait3A_2000 = tpu.memref_slice %arg5[%add3A_1965, %dma_wait3A_1999] : memref<128x50xi32, #tpu.memory_space<vmem>> -> memref<1x50xi32, #tpu.memory_space<vmem>>
      %dma_wait3A_2001 = tpu.memref_squeeze %dma_wait3A_2000 : memref<1x50xi32, #tpu.memory_space<vmem>> -> memref<50xi32, #tpu.memory_space<vmem>>
      %dma_wait3A_2002 = arith.constant 0 : i32
      %dma_wait3A_2003 = arith.constant 0 : i32
      %dma_wait3A_2004 = tpu.memref_slice %arg3[%dma_wait3A_2002, %dma_wait3A_2003] : memref<100000x128xf32, #tpu.memory_space<hbm>> -> memref<100000x128xf32, #tpu.memory_space<hbm>>
      tpu.wait_indirect_dma semaphore(%arg8 : memref<!tpu.dma_semaphore, #tpu.memory_space<semaphore_mem>>) src(%dma_wait3A_2004 : memref<100000x128xf32, #tpu.memory_space<hbm>>) dst(%dma_wait3A_1998 : memref<50x128xf32, #tpu.memory_space<vmem>>)
      %dma_wait3A_2005 = arith.constant 1 : i32
      %dma_wait3A_2006 = arith.constant 0 : i32
      %dma_wait3A_2007 = arith.constant 0 : i32
      %dma_wait3A_2008 = tpu.memref_slice %arg6[%dma_wait3A_2005, %dma_wait3A_2006, %dma_wait3A_2007] : memref<8x50x128xf32, #tpu.memory_space<vmem>> -> memref<1x50x128xf32, #tpu.memory_space<vmem>>
      %dma_wait3A_2009 = tpu.memref_squeeze %dma_wait3A_2008 : memref<1x50x128xf32, #tpu.memory_space<vmem>> -> memref<50x128xf32, #tpu.memory_space<vmem>>
      %dma_wait3A_2010 = arith.constant 0 : i32
      %dma_wait3A_2011 = tpu.memref_slice %arg5[%add3A_1969, %dma_wait3A_2010] : memref<128x50xi32, #tpu.memory_space<vmem>> -> memref<1x50xi32, #tpu.memory_space<vmem>>
      %dma_wait3A_2012 = tpu.memref_squeeze %dma_wait3A_2011 : memref<1x50xi32, #tpu.memory_space<vmem>> -> memref<50xi32, #tpu.memory_space<vmem>>
      %dma_wait3A_2013 = arith.constant 0 : i32
      %dma_wait3A_2014 = arith.constant 0 : i32
      %dma_wait3A_2015 = tpu.memref_slice %arg3[%dma_wait3A_2013, %dma_wait3A_2014] : memref<100000x128xf32, #tpu.memory_space<hbm>> -> memref<100000x128xf32, #tpu.memory_space<hbm>>
      tpu.wait_indirect_dma semaphore(%arg8 : memref<!tpu.dma_semaphore, #tpu.memory_space<semaphore_mem>>) src(%dma_wait3A_2015 : memref<100000x128xf32, #tpu.memory_space<hbm>>) dst(%dma_wait3A_2009 : memref<50x128xf32, #tpu.memory_space<vmem>>)
      %dma_wait3A_2016 = arith.constant 2 : i32
      %dma_wait3A_2017 = arith.constant 0 : i32
      %dma_wait3A_2018 = arith.constant 0 : i32
      %dma_wait3A_2019 = tpu.memref_slice %arg6[%dma_wait3A_2016, %dma_wait3A_2017, %dma_wait3A_2018] : memref<8x50x128xf32, #tpu.memory_space<vmem>> -> memref<1x50x128xf32, #tpu.memory_space<vmem>>
      %dma_wait3A_2020 = tpu.memref_squeeze %dma_wait3A_2019 : memref<1x50x128xf32, #tpu.memory_space<vmem>> -> memref<50x128xf32, #tpu.memory_space<vmem>>
      %dma_wait3A_2021 = arith.constant 0 : i32
      %dma_wait3A_2022 = tpu.memref_slice %arg5[%add3A_1973, %dma_wait3A_2021] : memref<128x50xi32, #tpu.memory_space<vmem>> -> memref<1x50xi32, #tpu.memory_space<vmem>>
      %dma_wait3A_2023 = tpu.memref_squeeze %dma_wait3A_2022 : memref<1x50xi32, #tpu.memory_space<vmem>> -> memref<50xi32, #tpu.memory_space<vmem>>
      %dma_wait3A_2024 = arith.constant 0 : i32
      %dma_wait3A_2025 = arith.constant 0 : i32
      %dma_wait3A_2026 = tpu.memref_slice %arg3[%dma_wait3A_2024, %dma_wait3A_2025] : memref<100000x128xf32, #tpu.memory_space<hbm>> -> memref<100000x128xf32, #tpu.memory_space<hbm>>
      tpu.wait_indirect_dma semaphore(%arg8 : memref<!tpu.dma_semaphore, #tpu.memory_space<semaphore_mem>>) src(%dma_wait3A_2026 : memref<100000x128xf32, #tpu.memory_space<hbm>>) dst(%dma_wait3A_2020 : memref<50x128xf32, #tpu.memory_space<vmem>>)
      %dma_wait3A_2027 = arith.constant 3 : i32
      %dma_wait3A_2028 = arith.constant 0 : i32
      %dma_wait3A_2029 = arith.constant 0 : i32
      %dma_wait3A_2030 = tpu.memref_slice %arg6[%dma_wait3A_2027, %dma_wait3A_2028, %dma_wait3A_2029] : memref<8x50x128xf32, #tpu.memory_space<vmem>> -> memref<1x50x128xf32, #tpu.memory_space<vmem>>
      %dma_wait3A_2031 = tpu.memref_squeeze %dma_wait3A_2030 : memref<1x50x128xf32, #tpu.memory_space<vmem>> -> memref<50x128xf32, #tpu.memory_space<vmem>>
      %dma_wait3A_2032 = arith.constant 0 : i32
      %dma_wait3A_2033 = tpu.memref_slice %arg5[%add3A_1977, %dma_wait3A_2032] : memref<128x50xi32, #tpu.memory_space<vmem>> -> memref<1x50xi32, #tpu.memory_space<vmem>>
      %dma_wait3A_2034 = tpu.memref_squeeze %dma_wait3A_2033 : memref<1x50xi32, #tpu.memory_space<vmem>> -> memref<50xi32, #tpu.memory_space<vmem>>
      %dma_wait3A_2035 = arith.constant 0 : i32
      %dma_wait3A_2036 = arith.constant 0 : i32
      %dma_wait3A_2037 = tpu.memref_slice %arg3[%dma_wait3A_2035, %dma_wait3A_2036] : memref<100000x128xf32, #tpu.memory_space<hbm>> -> memref<100000x128xf32, #tpu.memory_space<hbm>>
      tpu.wait_indirect_dma semaphore(%arg8 : memref<!tpu.dma_semaphore, #tpu.memory_space<semaphore_mem>>) src(%dma_wait3A_2037 : memref<100000x128xf32, #tpu.memory_space<hbm>>) dst(%dma_wait3A_2031 : memref<50x128xf32, #tpu.memory_space<vmem>>)
      %dma_wait3A_2038 = arith.constant 4 : i32
      %dma_wait3A_2039 = arith.constant 0 : i32
      %dma_wait3A_2040 = arith.constant 0 : i32
      %dma_wait3A_2041 = tpu.memref_slice %arg6[%dma_wait3A_2038, %dma_wait3A_2039, %dma_wait3A_2040] : memref<8x50x128xf32, #tpu.memory_space<vmem>> -> memref<1x50x128xf32, #tpu.memory_space<vmem>>
      %dma_wait3A_2042 = tpu.memref_squeeze %dma_wait3A_2041 : memref<1x50x128xf32, #tpu.memory_space<vmem>> -> memref<50x128xf32, #tpu.memory_space<vmem>>
      %dma_wait3A_2043 = arith.constant 0 : i32
      %dma_wait3A_2044 = tpu.memref_slice %arg5[%add3A_1981, %dma_wait3A_2043] : memref<128x50xi32, #tpu.memory_space<vmem>> -> memref<1x50xi32, #tpu.memory_space<vmem>>
      %dma_wait3A_2045 = tpu.memref_squeeze %dma_wait3A_2044 : memref<1x50xi32, #tpu.memory_space<vmem>> -> memref<50xi32, #tpu.memory_space<vmem>>
      %dma_wait3A_2046 = arith.constant 0 : i32
      %dma_wait3A_2047 = arith.constant 0 : i32
      %dma_wait3A_2048 = tpu.memref_slice %arg3[%dma_wait3A_2046, %dma_wait3A_2047] : memref<100000x128xf32, #tpu.memory_space<hbm>> -> memref<100000x128xf32, #tpu.memory_space<hbm>>
      tpu.wait_indirect_dma semaphore(%arg8 : memref<!tpu.dma_semaphore, #tpu.memory_space<semaphore_mem>>) src(%dma_wait3A_2048 : memref<100000x128xf32, #tpu.memory_space<hbm>>) dst(%dma_wait3A_2042 : memref<50x128xf32, #tpu.memory_space<vmem>>)
      %dma_wait3A_2049 = arith.constant 5 : i32
      %dma_wait3A_2050 = arith.constant 0 : i32
      %dma_wait3A_2051 = arith.constant 0 : i32
      %dma_wait3A_2052 = tpu.memref_slice %arg6[%dma_wait3A_2049, %dma_wait3A_2050, %dma_wait3A_2051] : memref<8x50x128xf32, #tpu.memory_space<vmem>> -> memref<1x50x128xf32, #tpu.memory_space<vmem>>
      %dma_wait3A_2053 = tpu.memref_squeeze %dma_wait3A_2052 : memref<1x50x128xf32, #tpu.memory_space<vmem>> -> memref<50x128xf32, #tpu.memory_space<vmem>>
      %dma_wait3A_2054 = arith.constant 0 : i32
      %dma_wait3A_2055 = tpu.memref_slice %arg5[%add3A_1985, %dma_wait3A_2054] : memref<128x50xi32, #tpu.memory_space<vmem>> -> memref<1x50xi32, #tpu.memory_space<vmem>>
      %dma_wait3A_2056 = tpu.memref_squeeze %dma_wait3A_2055 : memref<1x50xi32, #tpu.memory_space<vmem>> -> memref<50xi32, #tpu.memory_space<vmem>>
      %dma_wait3A_2057 = arith.constant 0 : i32
      %dma_wait3A_2058 = arith.constant 0 : i32
      %dma_wait3A_2059 = tpu.memref_slice %arg3[%dma_wait3A_2057, %dma_wait3A_2058] : memref<100000x128xf32, #tpu.memory_space<hbm>> -> memref<100000x128xf32, #tpu.memory_space<hbm>>
      tpu.wait_indirect_dma semaphore(%arg8 : memref<!tpu.dma_semaphore, #tpu.memory_space<semaphore_mem>>) src(%dma_wait3A_2059 : memref<100000x128xf32, #tpu.memory_space<hbm>>) dst(%dma_wait3A_2053 : memref<50x128xf32, #tpu.memory_space<vmem>>)
      %dma_wait3A_2060 = arith.constant 6 : i32
      %dma_wait3A_2061 = arith.constant 0 : i32
      %dma_wait3A_2062 = arith.constant 0 : i32
      %dma_wait3A_2063 = tpu.memref_slice %arg6[%dma_wait3A_2060, %dma_wait3A_2061, %dma_wait3A_2062] : memref<8x50x128xf32, #tpu.memory_space<vmem>> -> memref<1x50x128xf32, #tpu.memory_space<vmem>>
      %dma_wait3A_2064 = tpu.memref_squeeze %dma_wait3A_2063 : memref<1x50x128xf32, #tpu.memory_space<vmem>> -> memref<50x128xf32, #tpu.memory_space<vmem>>
      %dma_wait3A_2065 = arith.constant 0 : i32
      %dma_wait3A_2066 = tpu.memref_slice %arg5[%add3A_1989, %dma_wait3A_2065] : memref<128x50xi32, #tpu.memory_space<vmem>> -> memref<1x50xi32, #tpu.memory_space<vmem>>
      %dma_wait3A_2067 = tpu.memref_squeeze %dma_wait3A_2066 : memref<1x50xi32, #tpu.memory_space<vmem>> -> memref<50xi32, #tpu.memory_space<vmem>>
      %dma_wait3A_2068 = arith.constant 0 : i32
      %dma_wait3A_2069 = arith.constant 0 : i32
      %dma_wait3A_2070 = tpu.memref_slice %arg3[%dma_wait3A_2068, %dma_wait3A_2069] : memref<100000x128xf32, #tpu.memory_space<hbm>> -> memref<100000x128xf32, #tpu.memory_space<hbm>>
      tpu.wait_indirect_dma semaphore(%arg8 : memref<!tpu.dma_semaphore, #tpu.memory_space<semaphore_mem>>) src(%dma_wait3A_2070 : memref<100000x128xf32, #tpu.memory_space<hbm>>) dst(%dma_wait3A_2064 : memref<50x128xf32, #tpu.memory_space<vmem>>)
      %dma_wait3A_2071 = arith.constant 7 : i32
      %dma_wait3A_2072 = arith.constant 0 : i32
      %dma_wait3A_2073 = arith.constant 0 : i32
      %dma_wait3A_2074 = tpu.memref_slice %arg6[%dma_wait3A_2071, %dma_wait3A_2072, %dma_wait3A_2073] : memref<8x50x128xf32, #tpu.memory_space<vmem>> -> memref<1x50x128xf32, #tpu.memory_space<vmem>>
      %dma_wait3A_2075 = tpu.memref_squeeze %dma_wait3A_2074 : memref<1x50x128xf32, #tpu.memory_space<vmem>> -> memref<50x128xf32, #tpu.memory_space<vmem>>
      %dma_wait3A_2076 = arith.constant 0 : i32
      %dma_wait3A_2077 = tpu.memref_slice %arg5[%add3A_1993, %dma_wait3A_2076] : memref<128x50xi32, #tpu.memory_space<vmem>> -> memref<1x50xi32, #tpu.memory_space<vmem>>
      %dma_wait3A_2078 = tpu.memref_squeeze %dma_wait3A_2077 : memref<1x50xi32, #tpu.memory_space<vmem>> -> memref<50xi32, #tpu.memory_space<vmem>>
      %dma_wait3A_2079 = arith.constant 0 : i32
      %dma_wait3A_2080 = arith.constant 0 : i32
      %dma_wait3A_2081 = tpu.memref_slice %arg3[%dma_wait3A_2079, %dma_wait3A_2080] : memref<100000x128xf32, #tpu.memory_space<hbm>> -> memref<100000x128xf32, #tpu.memory_space<hbm>>
      tpu.wait_indirect_dma semaphore(%arg8 : memref<!tpu.dma_semaphore, #tpu.memory_space<semaphore_mem>>) src(%dma_wait3A_2081 : memref<100000x128xf32, #tpu.memory_space<hbm>>) dst(%dma_wait3A_2075 : memref<50x128xf32, #tpu.memory_space<vmem>>)
      %add3A_2082 = arith.constant 1 : i32
      %add3A_2083 = arith.addi %add3A_1066, %add3A_2082 : i32
      %mul3A_2084 = arith.constant 8 : i32
      %mul3A_2085 = arith.muli %add3A_2083, %mul3A_2084 : i32
      %add3A_2086 = arith.addi %mul3A_2, %mul3A_2085 : i32
      %add3A_2087 = arith.constant 0 : i32
      %add3A_2088 = arith.addi %add3A_2086, %add3A_2087 : i32
      %mul3A_2089 = arith.constant 8 : i32
      %mul3A_2090 = arith.muli %add3A_2083, %mul3A_2089 : i32
      %add3A_2091 = arith.addi %mul3A_2, %mul3A_2090 : i32
      %add3A_2092 = arith.constant 1 : i32
      %add3A_2093 = arith.addi %add3A_2091, %add3A_2092 : i32
      %mul3A_2094 = arith.constant 8 : i32
      %mul3A_2095 = arith.muli %add3A_2083, %mul3A_2094 : i32
      %add3A_2096 = arith.addi %mul3A_2, %mul3A_2095 : i32
      %add3A_2097 = arith.constant 2 : i32
      %add3A_2098 = arith.addi %add3A_2096, %add3A_2097 : i32
      %mul3A_2099 = arith.constant 8 : i32
      %mul3A_2100 = arith.muli %add3A_2083, %mul3A_2099 : i32
      %add3A_2101 = arith.addi %mul3A_2, %mul3A_2100 : i32
      %add3A_2102 = arith.constant 3 : i32
      %add3A_2103 = arith.addi %add3A_2101, %add3A_2102 : i32
      %mul3A_2104 = arith.constant 8 : i32
      %mul3A_2105 = arith.muli %add3A_2083, %mul3A_2104 : i32
      %add3A_2106 = arith.addi %mul3A_2, %mul3A_2105 : i32
      %add3A_2107 = arith.constant 4 : i32
      %add3A_2108 = arith.addi %add3A_2106, %add3A_2107 : i32
      %mul3A_2109 = arith.constant 8 : i32
      %mul3A_2110 = arith.muli %add3A_2083, %mul3A_2109 : i32
      %add3A_2111 = arith.addi %mul3A_2, %mul3A_2110 : i32
      %add3A_2112 = arith.constant 5 : i32
      %add3A_2113 = arith.addi %add3A_2111, %add3A_2112 : i32
      %mul3A_2114 = arith.constant 8 : i32
      %mul3A_2115 = arith.muli %add3A_2083, %mul3A_2114 : i32
      %add3A_2116 = arith.addi %mul3A_2, %mul3A_2115 : i32
      %add3A_2117 = arith.constant 6 : i32
      %add3A_2118 = arith.addi %add3A_2116, %add3A_2117 : i32
      %mul3A_2119 = arith.constant 8 : i32
      %mul3A_2120 = arith.muli %add3A_2083, %mul3A_2119 : i32
      %add3A_2121 = arith.addi %mul3A_2, %mul3A_2120 : i32
      %add3A_2122 = arith.constant 7 : i32
      %add3A_2123 = arith.addi %add3A_2121, %add3A_2122 : i32
      %dma_start3A_2124 = arith.constant 0 : i32
      %dma_start3A_2125 = arith.constant 0 : i32
      %dma_start3A_2126 = arith.constant 0 : i32
      %dma_start3A_2127 = tpu.memref_slice %arg6[%dma_start3A_2124, %dma_start3A_2125, %dma_start3A_2126] : memref<8x50x128xf32, #tpu.memory_space<vmem>> -> memref<1x50x128xf32, #tpu.memory_space<vmem>>
      %dma_start3A_2128 = tpu.memref_squeeze %dma_start3A_2127 : memref<1x50x128xf32, #tpu.memory_space<vmem>> -> memref<50x128xf32, #tpu.memory_space<vmem>>
      %dma_start3A_2129 = arith.constant 0 : i32
      %dma_start3A_2130 = arith.constant 0 : i32
      %dma_start3A_2131 = tpu.memref_slice %arg4[%dma_start3A_2129, %add3A_2088, %dma_start3A_2130] : memref<50x4096x128xf32, #tpu.memory_space<hbm>> -> memref<50x1x128xf32, #tpu.memory_space<hbm>>
      %dma_start3A_2132 = tpu.memref_squeeze %dma_start3A_2131 : memref<50x1x128xf32, #tpu.memory_space<hbm>> -> memref<50x128xf32, #tpu.memory_space<hbm>>
      %dma_start3A_2133 = arith.constant 0 : i32
      %dma_start3A_2134 = arith.constant 0 : i32
      %dma_start3A_2135 = tpu.memref_slice %arg4[%dma_start3A_2133, %add3A_2088, %dma_start3A_2134] : memref<50x4096x128xf32, #tpu.memory_space<hbm>> -> memref<50x1x128xf32, #tpu.memory_space<hbm>>
      %dma_start3A_2136 = tpu.memref_squeeze %dma_start3A_2135 : memref<50x1x128xf32, #tpu.memory_space<hbm>> -> memref<50x128xf32, #tpu.memory_space<hbm>>
      %dma_start3A_2137 = arith.constant 0 : i32
      %dma_start3A_2138 = arith.constant 0 : i32
      %dma_start3A_2139 = tpu.memref_slice %arg6[%dma_start3A_2124, %dma_start3A_2137, %dma_start3A_2138] : memref<8x50x128xf32, #tpu.memory_space<vmem>> -> memref<1x50x128xf32, #tpu.memory_space<vmem>>
      %dma_start3A_2140 = tpu.memref_squeeze %dma_start3A_2139 : memref<1x50x128xf32, #tpu.memory_space<vmem>> -> memref<50x128xf32, #tpu.memory_space<vmem>>
      tpu.enqueue_dma source(%dma_start3A_2140 : memref<50x128xf32, #tpu.memory_space<vmem>>) target(%dma_start3A_2136 : memref<50x128xf32, #tpu.memory_space<hbm>>) target_semaphore(%arg10 : memref<!tpu.dma_semaphore, #tpu.memory_space<semaphore_mem>>)
      %dma_start3A_2141 = arith.constant 1 : i32
      %dma_start3A_2142 = arith.constant 0 : i32
      %dma_start3A_2143 = arith.constant 0 : i32
      %dma_start3A_2144 = tpu.memref_slice %arg6[%dma_start3A_2141, %dma_start3A_2142, %dma_start3A_2143] : memref<8x50x128xf32, #tpu.memory_space<vmem>> -> memref<1x50x128xf32, #tpu.memory_space<vmem>>
      %dma_start3A_2145 = tpu.memref_squeeze %dma_start3A_2144 : memref<1x50x128xf32, #tpu.memory_space<vmem>> -> memref<50x128xf32, #tpu.memory_space<vmem>>
      %dma_start3A_2146 = arith.constant 0 : i32
      %dma_start3A_2147 = arith.constant 0 : i32
      %dma_start3A_2148 = tpu.memref_slice %arg4[%dma_start3A_2146, %add3A_2093, %dma_start3A_2147] : memref<50x4096x128xf32, #tpu.memory_space<hbm>> -> memref<50x1x128xf32, #tpu.memory_space<hbm>>
      %dma_start3A_2149 = tpu.memref_squeeze %dma_start3A_2148 : memref<50x1x128xf32, #tpu.memory_space<hbm>> -> memref<50x128xf32, #tpu.memory_space<hbm>>
      %dma_start3A_2150 = arith.constant 0 : i32
      %dma_start3A_2151 = arith.constant 0 : i32
      %dma_start3A_2152 = tpu.memref_slice %arg4[%dma_start3A_2150, %add3A_2093, %dma_start3A_2151] : memref<50x4096x128xf32, #tpu.memory_space<hbm>> -> memref<50x1x128xf32, #tpu.memory_space<hbm>>
      %dma_start3A_2153 = tpu.memref_squeeze %dma_start3A_2152 : memref<50x1x128xf32, #tpu.memory_space<hbm>> -> memref<50x128xf32, #tpu.memory_space<hbm>>
      %dma_start3A_2154 = arith.constant 0 : i32
      %dma_start3A_2155 = arith.constant 0 : i32
      %dma_start3A_2156 = tpu.memref_slice %arg6[%dma_start3A_2141, %dma_start3A_2154, %dma_start3A_2155] : memref<8x50x128xf32, #tpu.memory_space<vmem>> -> memref<1x50x128xf32, #tpu.memory_space<vmem>>
      %dma_start3A_2157 = tpu.memref_squeeze %dma_start3A_2156 : memref<1x50x128xf32, #tpu.memory_space<vmem>> -> memref<50x128xf32, #tpu.memory_space<vmem>>
      tpu.enqueue_dma source(%dma_start3A_2157 : memref<50x128xf32, #tpu.memory_space<vmem>>) target(%dma_start3A_2153 : memref<50x128xf32, #tpu.memory_space<hbm>>) target_semaphore(%arg10 : memref<!tpu.dma_semaphore, #tpu.memory_space<semaphore_mem>>)
      %dma_start3A_2158 = arith.constant 2 : i32
      %dma_start3A_2159 = arith.constant 0 : i32
      %dma_start3A_2160 = arith.constant 0 : i32
      %dma_start3A_2161 = tpu.memref_slice %arg6[%dma_start3A_2158, %dma_start3A_2159, %dma_start3A_2160] : memref<8x50x128xf32, #tpu.memory_space<vmem>> -> memref<1x50x128xf32, #tpu.memory_space<vmem>>
      %dma_start3A_2162 = tpu.memref_squeeze %dma_start3A_2161 : memref<1x50x128xf32, #tpu.memory_space<vmem>> -> memref<50x128xf32, #tpu.memory_space<vmem>>
      %dma_start3A_2163 = arith.constant 0 : i32
      %dma_start3A_2164 = arith.constant 0 : i32
      %dma_start3A_2165 = tpu.memref_slice %arg4[%dma_start3A_2163, %add3A_2098, %dma_start3A_2164] : memref<50x4096x128xf32, #tpu.memory_space<hbm>> -> memref<50x1x128xf32, #tpu.memory_space<hbm>>
      %dma_start3A_2166 = tpu.memref_squeeze %dma_start3A_2165 : memref<50x1x128xf32, #tpu.memory_space<hbm>> -> memref<50x128xf32, #tpu.memory_space<hbm>>
      %dma_start3A_2167 = arith.constant 0 : i32
      %dma_start3A_2168 = arith.constant 0 : i32
      %dma_start3A_2169 = tpu.memref_slice %arg4[%dma_start3A_2167, %add3A_2098, %dma_start3A_2168] : memref<50x4096x128xf32, #tpu.memory_space<hbm>> -> memref<50x1x128xf32, #tpu.memory_space<hbm>>
      %dma_start3A_2170 = tpu.memref_squeeze %dma_start3A_2169 : memref<50x1x128xf32, #tpu.memory_space<hbm>> -> memref<50x128xf32, #tpu.memory_space<hbm>>
      %dma_start3A_2171 = arith.constant 0 : i32
      %dma_start3A_2172 = arith.constant 0 : i32
      %dma_start3A_2173 = tpu.memref_slice %arg6[%dma_start3A_2158, %dma_start3A_2171, %dma_start3A_2172] : memref<8x50x128xf32, #tpu.memory_space<vmem>> -> memref<1x50x128xf32, #tpu.memory_space<vmem>>
      %dma_start3A_2174 = tpu.memref_squeeze %dma_start3A_2173 : memref<1x50x128xf32, #tpu.memory_space<vmem>> -> memref<50x128xf32, #tpu.memory_space<vmem>>
      tpu.enqueue_dma source(%dma_start3A_2174 : memref<50x128xf32, #tpu.memory_space<vmem>>) target(%dma_start3A_2170 : memref<50x128xf32, #tpu.memory_space<hbm>>) target_semaphore(%arg10 : memref<!tpu.dma_semaphore, #tpu.memory_space<semaphore_mem>>)
      %dma_start3A_2175 = arith.constant 3 : i32
      %dma_start3A_2176 = arith.constant 0 : i32
      %dma_start3A_2177 = arith.constant 0 : i32
      %dma_start3A_2178 = tpu.memref_slice %arg6[%dma_start3A_2175, %dma_start3A_2176, %dma_start3A_2177] : memref<8x50x128xf32, #tpu.memory_space<vmem>> -> memref<1x50x128xf32, #tpu.memory_space<vmem>>
      %dma_start3A_2179 = tpu.memref_squeeze %dma_start3A_2178 : memref<1x50x128xf32, #tpu.memory_space<vmem>> -> memref<50x128xf32, #tpu.memory_space<vmem>>
      %dma_start3A_2180 = arith.constant 0 : i32
      %dma_start3A_2181 = arith.constant 0 : i32
      %dma_start3A_2182 = tpu.memref_slice %arg4[%dma_start3A_2180, %add3A_2103, %dma_start3A_2181] : memref<50x4096x128xf32, #tpu.memory_space<hbm>> -> memref<50x1x128xf32, #tpu.memory_space<hbm>>
      %dma_start3A_2183 = tpu.memref_squeeze %dma_start3A_2182 : memref<50x1x128xf32, #tpu.memory_space<hbm>> -> memref<50x128xf32, #tpu.memory_space<hbm>>
      %dma_start3A_2184 = arith.constant 0 : i32
      %dma_start3A_2185 = arith.constant 0 : i32
      %dma_start3A_2186 = tpu.memref_slice %arg4[%dma_start3A_2184, %add3A_2103, %dma_start3A_2185] : memref<50x4096x128xf32, #tpu.memory_space<hbm>> -> memref<50x1x128xf32, #tpu.memory_space<hbm>>
      %dma_start3A_2187 = tpu.memref_squeeze %dma_start3A_2186 : memref<50x1x128xf32, #tpu.memory_space<hbm>> -> memref<50x128xf32, #tpu.memory_space<hbm>>
      %dma_start3A_2188 = arith.constant 0 : i32
      %dma_start3A_2189 = arith.constant 0 : i32
      %dma_start3A_2190 = tpu.memref_slice %arg6[%dma_start3A_2175, %dma_start3A_2188, %dma_start3A_2189] : memref<8x50x128xf32, #tpu.memory_space<vmem>> -> memref<1x50x128xf32, #tpu.memory_space<vmem>>
      %dma_start3A_2191 = tpu.memref_squeeze %dma_start3A_2190 : memref<1x50x128xf32, #tpu.memory_space<vmem>> -> memref<50x128xf32, #tpu.memory_space<vmem>>
      tpu.enqueue_dma source(%dma_start3A_2191 : memref<50x128xf32, #tpu.memory_space<vmem>>) target(%dma_start3A_2187 : memref<50x128xf32, #tpu.memory_space<hbm>>) target_semaphore(%arg10 : memref<!tpu.dma_semaphore, #tpu.memory_space<semaphore_mem>>)
      %dma_start3A_2192 = arith.constant 4 : i32
      %dma_start3A_2193 = arith.constant 0 : i32
      %dma_start3A_2194 = arith.constant 0 : i32
      %dma_start3A_2195 = tpu.memref_slice %arg6[%dma_start3A_2192, %dma_start3A_2193, %dma_start3A_2194] : memref<8x50x128xf32, #tpu.memory_space<vmem>> -> memref<1x50x128xf32, #tpu.memory_space<vmem>>
      %dma_start3A_2196 = tpu.memref_squeeze %dma_start3A_2195 : memref<1x50x128xf32, #tpu.memory_space<vmem>> -> memref<50x128xf32, #tpu.memory_space<vmem>>
      %dma_start3A_2197 = arith.constant 0 : i32
      %dma_start3A_2198 = arith.constant 0 : i32
      %dma_start3A_2199 = tpu.memref_slice %arg4[%dma_start3A_2197, %add3A_2108, %dma_start3A_2198] : memref<50x4096x128xf32, #tpu.memory_space<hbm>> -> memref<50x1x128xf32, #tpu.memory_space<hbm>>
      %dma_start3A_2200 = tpu.memref_squeeze %dma_start3A_2199 : memref<50x1x128xf32, #tpu.memory_space<hbm>> -> memref<50x128xf32, #tpu.memory_space<hbm>>
      %dma_start3A_2201 = arith.constant 0 : i32
      %dma_start3A_2202 = arith.constant 0 : i32
      %dma_start3A_2203 = tpu.memref_slice %arg4[%dma_start3A_2201, %add3A_2108, %dma_start3A_2202] : memref<50x4096x128xf32, #tpu.memory_space<hbm>> -> memref<50x1x128xf32, #tpu.memory_space<hbm>>
      %dma_start3A_2204 = tpu.memref_squeeze %dma_start3A_2203 : memref<50x1x128xf32, #tpu.memory_space<hbm>> -> memref<50x128xf32, #tpu.memory_space<hbm>>
      %dma_start3A_2205 = arith.constant 0 : i32
      %dma_start3A_2206 = arith.constant 0 : i32
      %dma_start3A_2207 = tpu.memref_slice %arg6[%dma_start3A_2192, %dma_start3A_2205, %dma_start3A_2206] : memref<8x50x128xf32, #tpu.memory_space<vmem>> -> memref<1x50x128xf32, #tpu.memory_space<vmem>>
      %dma_start3A_2208 = tpu.memref_squeeze %dma_start3A_2207 : memref<1x50x128xf32, #tpu.memory_space<vmem>> -> memref<50x128xf32, #tpu.memory_space<vmem>>
      tpu.enqueue_dma source(%dma_start3A_2208 : memref<50x128xf32, #tpu.memory_space<vmem>>) target(%dma_start3A_2204 : memref<50x128xf32, #tpu.memory_space<hbm>>) target_semaphore(%arg10 : memref<!tpu.dma_semaphore, #tpu.memory_space<semaphore_mem>>)
      %dma_start3A_2209 = arith.constant 5 : i32
      %dma_start3A_2210 = arith.constant 0 : i32
      %dma_start3A_2211 = arith.constant 0 : i32
      %dma_start3A_2212 = tpu.memref_slice %arg6[%dma_start3A_2209, %dma_start3A_2210, %dma_start3A_2211] : memref<8x50x128xf32, #tpu.memory_space<vmem>> -> memref<1x50x128xf32, #tpu.memory_space<vmem>>
      %dma_start3A_2213 = tpu.memref_squeeze %dma_start3A_2212 : memref<1x50x128xf32, #tpu.memory_space<vmem>> -> memref<50x128xf32, #tpu.memory_space<vmem>>
      %dma_start3A_2214 = arith.constant 0 : i32
      %dma_start3A_2215 = arith.constant 0 : i32
      %dma_start3A_2216 = tpu.memref_slice %arg4[%dma_start3A_2214, %add3A_2113, %dma_start3A_2215] : memref<50x4096x128xf32, #tpu.memory_space<hbm>> -> memref<50x1x128xf32, #tpu.memory_space<hbm>>
      %dma_start3A_2217 = tpu.memref_squeeze %dma_start3A_2216 : memref<50x1x128xf32, #tpu.memory_space<hbm>> -> memref<50x128xf32, #tpu.memory_space<hbm>>
      %dma_start3A_2218 = arith.constant 0 : i32
      %dma_start3A_2219 = arith.constant 0 : i32
      %dma_start3A_2220 = tpu.memref_slice %arg4[%dma_start3A_2218, %add3A_2113, %dma_start3A_2219] : memref<50x4096x128xf32, #tpu.memory_space<hbm>> -> memref<50x1x128xf32, #tpu.memory_space<hbm>>
      %dma_start3A_2221 = tpu.memref_squeeze %dma_start3A_2220 : memref<50x1x128xf32, #tpu.memory_space<hbm>> -> memref<50x128xf32, #tpu.memory_space<hbm>>
      %dma_start3A_2222 = arith.constant 0 : i32
      %dma_start3A_2223 = arith.constant 0 : i32
      %dma_start3A_2224 = tpu.memref_slice %arg6[%dma_start3A_2209, %dma_start3A_2222, %dma_start3A_2223] : memref<8x50x128xf32, #tpu.memory_space<vmem>> -> memref<1x50x128xf32, #tpu.memory_space<vmem>>
      %dma_start3A_2225 = tpu.memref_squeeze %dma_start3A_2224 : memref<1x50x128xf32, #tpu.memory_space<vmem>> -> memref<50x128xf32, #tpu.memory_space<vmem>>
      tpu.enqueue_dma source(%dma_start3A_2225 : memref<50x128xf32, #tpu.memory_space<vmem>>) target(%dma_start3A_2221 : memref<50x128xf32, #tpu.memory_space<hbm>>) target_semaphore(%arg10 : memref<!tpu.dma_semaphore, #tpu.memory_space<semaphore_mem>>)
      %dma_start3A_2226 = arith.constant 6 : i32
      %dma_start3A_2227 = arith.constant 0 : i32
      %dma_start3A_2228 = arith.constant 0 : i32
      %dma_start3A_2229 = tpu.memref_slice %arg6[%dma_start3A_2226, %dma_start3A_2227, %dma_start3A_2228] : memref<8x50x128xf32, #tpu.memory_space<vmem>> -> memref<1x50x128xf32, #tpu.memory_space<vmem>>
      %dma_start3A_2230 = tpu.memref_squeeze %dma_start3A_2229 : memref<1x50x128xf32, #tpu.memory_space<vmem>> -> memref<50x128xf32, #tpu.memory_space<vmem>>
      %dma_start3A_2231 = arith.constant 0 : i32
      %dma_start3A_2232 = arith.constant 0 : i32
      %dma_start3A_2233 = tpu.memref_slice %arg4[%dma_start3A_2231, %add3A_2118, %dma_start3A_2232] : memref<50x4096x128xf32, #tpu.memory_space<hbm>> -> memref<50x1x128xf32, #tpu.memory_space<hbm>>
      %dma_start3A_2234 = tpu.memref_squeeze %dma_start3A_2233 : memref<50x1x128xf32, #tpu.memory_space<hbm>> -> memref<50x128xf32, #tpu.memory_space<hbm>>
      %dma_start3A_2235 = arith.constant 0 : i32
      %dma_start3A_2236 = arith.constant 0 : i32
      %dma_start3A_2237 = tpu.memref_slice %arg4[%dma_start3A_2235, %add3A_2118, %dma_start3A_2236] : memref<50x4096x128xf32, #tpu.memory_space<hbm>> -> memref<50x1x128xf32, #tpu.memory_space<hbm>>
      %dma_start3A_2238 = tpu.memref_squeeze %dma_start3A_2237 : memref<50x1x128xf32, #tpu.memory_space<hbm>> -> memref<50x128xf32, #tpu.memory_space<hbm>>
      %dma_start3A_2239 = arith.constant 0 : i32
      %dma_start3A_2240 = arith.constant 0 : i32
      %dma_start3A_2241 = tpu.memref_slice %arg6[%dma_start3A_2226, %dma_start3A_2239, %dma_start3A_2240] : memref<8x50x128xf32, #tpu.memory_space<vmem>> -> memref<1x50x128xf32, #tpu.memory_space<vmem>>
      %dma_start3A_2242 = tpu.memref_squeeze %dma_start3A_2241 : memref<1x50x128xf32, #tpu.memory_space<vmem>> -> memref<50x128xf32, #tpu.memory_space<vmem>>
      tpu.enqueue_dma source(%dma_start3A_2242 : memref<50x128xf32, #tpu.memory_space<vmem>>) target(%dma_start3A_2238 : memref<50x128xf32, #tpu.memory_space<hbm>>) target_semaphore(%arg10 : memref<!tpu.dma_semaphore, #tpu.memory_space<semaphore_mem>>)
      %dma_start3A_2243 = arith.constant 7 : i32
      %dma_start3A_2244 = arith.constant 0 : i32
      %dma_start3A_2245 = arith.constant 0 : i32
      %dma_start3A_2246 = tpu.memref_slice %arg6[%dma_start3A_2243, %dma_start3A_2244, %dma_start3A_2245] : memref<8x50x128xf32, #tpu.memory_space<vmem>> -> memref<1x50x128xf32, #tpu.memory_space<vmem>>
      %dma_start3A_2247 = tpu.memref_squeeze %dma_start3A_2246 : memref<1x50x128xf32, #tpu.memory_space<vmem>> -> memref<50x128xf32, #tpu.memory_space<vmem>>
      %dma_start3A_2248 = arith.constant 0 : i32
      %dma_start3A_2249 = arith.constant 0 : i32
      %dma_start3A_2250 = tpu.memref_slice %arg4[%dma_start3A_2248, %add3A_2123, %dma_start3A_2249] : memref<50x4096x128xf32, #tpu.memory_space<hbm>> -> memref<50x1x128xf32, #tpu.memory_space<hbm>>
      %dma_start3A_2251 = tpu.memref_squeeze %dma_start3A_2250 : memref<50x1x128xf32, #tpu.memory_space<hbm>> -> memref<50x128xf32, #tpu.memory_space<hbm>>
      %dma_start3A_2252 = arith.constant 0 : i32
      %dma_start3A_2253 = arith.constant 0 : i32
      %dma_start3A_2254 = tpu.memref_slice %arg4[%dma_start3A_2252, %add3A_2123, %dma_start3A_2253] : memref<50x4096x128xf32, #tpu.memory_space<hbm>> -> memref<50x1x128xf32, #tpu.memory_space<hbm>>
      %dma_start3A_2255 = tpu.memref_squeeze %dma_start3A_2254 : memref<50x1x128xf32, #tpu.memory_space<hbm>> -> memref<50x128xf32, #tpu.memory_space<hbm>>
      %dma_start3A_2256 = arith.constant 0 : i32
      %dma_start3A_2257 = arith.constant 0 : i32
      %dma_start3A_2258 = tpu.memref_slice %arg6[%dma_start3A_2243, %dma_start3A_2256, %dma_start3A_2257] : memref<8x50x128xf32, #tpu.memory_space<vmem>> -> memref<1x50x128xf32, #tpu.memory_space<vmem>>
      %dma_start3A_2259 = tpu.memref_squeeze %dma_start3A_2258 : memref<1x50x128xf32, #tpu.memory_space<vmem>> -> memref<50x128xf32, #tpu.memory_space<vmem>>
      tpu.enqueue_dma source(%dma_start3A_2259 : memref<50x128xf32, #tpu.memory_space<vmem>>) target(%dma_start3A_2255 : memref<50x128xf32, #tpu.memory_space<hbm>>) target_semaphore(%arg10 : memref<!tpu.dma_semaphore, #tpu.memory_space<semaphore_mem>>)
    }
    %scan3A_461 = arith.constant 7 : i32
    %dma_wait3A_462 = arith.constant 120 : i32
    %dma_wait3A_463 = arith.constant 0 : i32
    %dma_wait3A_464 = arith.constant 0 : i32
    %dma_wait3A_465 = arith.constant 0 : i32
    %dma_wait3A_466 = tpu.memref_slice %arg7[%dma_wait3A_463, %dma_wait3A_464, %dma_wait3A_465] : memref<8x50x128xf32, #tpu.memory_space<vmem>> -> memref<1x50x128xf32, #tpu.memory_space<vmem>>
    %dma_wait3A_467 = tpu.memref_squeeze %dma_wait3A_466 : memref<1x50x128xf32, #tpu.memory_space<vmem>> -> memref<50x128xf32, #tpu.memory_space<vmem>>
    %dma_wait3A_468 = arith.constant 0 : i32
    %dma_wait3A_469 = tpu.memref_slice %arg5[%dma_wait3A_462, %dma_wait3A_468] : memref<128x50xi32, #tpu.memory_space<vmem>> -> memref<1x50xi32, #tpu.memory_space<vmem>>
    %dma_wait3A_470 = tpu.memref_squeeze %dma_wait3A_469 : memref<1x50xi32, #tpu.memory_space<vmem>> -> memref<50xi32, #tpu.memory_space<vmem>>
    %dma_wait3A_471 = arith.constant 0 : i32
    %dma_wait3A_472 = arith.constant 0 : i32
    %dma_wait3A_473 = tpu.memref_slice %arg3[%dma_wait3A_471, %dma_wait3A_472] : memref<100000x128xf32, #tpu.memory_space<hbm>> -> memref<100000x128xf32, #tpu.memory_space<hbm>>
    tpu.wait_indirect_dma semaphore(%arg9 : memref<!tpu.dma_semaphore, #tpu.memory_space<semaphore_mem>>) src(%dma_wait3A_473 : memref<100000x128xf32, #tpu.memory_space<hbm>>) dst(%dma_wait3A_467 : memref<50x128xf32, #tpu.memory_space<vmem>>)
    %dma_wait3A_474 = arith.constant 121 : i32
    %dma_wait3A_475 = arith.constant 1 : i32
    %dma_wait3A_476 = arith.constant 0 : i32
    %dma_wait3A_477 = arith.constant 0 : i32
    %dma_wait3A_478 = tpu.memref_slice %arg7[%dma_wait3A_475, %dma_wait3A_476, %dma_wait3A_477] : memref<8x50x128xf32, #tpu.memory_space<vmem>> -> memref<1x50x128xf32, #tpu.memory_space<vmem>>
    %dma_wait3A_479 = tpu.memref_squeeze %dma_wait3A_478 : memref<1x50x128xf32, #tpu.memory_space<vmem>> -> memref<50x128xf32, #tpu.memory_space<vmem>>
    %dma_wait3A_480 = arith.constant 0 : i32
    %dma_wait3A_481 = tpu.memref_slice %arg5[%dma_wait3A_474, %dma_wait3A_480] : memref<128x50xi32, #tpu.memory_space<vmem>> -> memref<1x50xi32, #tpu.memory_space<vmem>>
    %dma_wait3A_482 = tpu.memref_squeeze %dma_wait3A_481 : memref<1x50xi32, #tpu.memory_space<vmem>> -> memref<50xi32, #tpu.memory_space<vmem>>
    %dma_wait3A_483 = arith.constant 0 : i32
    %dma_wait3A_484 = arith.constant 0 : i32
    %dma_wait3A_485 = tpu.memref_slice %arg3[%dma_wait3A_483, %dma_wait3A_484] : memref<100000x128xf32, #tpu.memory_space<hbm>> -> memref<100000x128xf32, #tpu.memory_space<hbm>>
    tpu.wait_indirect_dma semaphore(%arg9 : memref<!tpu.dma_semaphore, #tpu.memory_space<semaphore_mem>>) src(%dma_wait3A_485 : memref<100000x128xf32, #tpu.memory_space<hbm>>) dst(%dma_wait3A_479 : memref<50x128xf32, #tpu.memory_space<vmem>>)
    %dma_wait3A_486 = arith.constant 122 : i32
    %dma_wait3A_487 = arith.constant 2 : i32
    %dma_wait3A_488 = arith.constant 0 : i32
    %dma_wait3A_489 = arith.constant 0 : i32
    %dma_wait3A_490 = tpu.memref_slice %arg7[%dma_wait3A_487, %dma_wait3A_488, %dma_wait3A_489] : memref<8x50x128xf32, #tpu.memory_space<vmem>> -> memref<1x50x128xf32, #tpu.memory_space<vmem>>
    %dma_wait3A_491 = tpu.memref_squeeze %dma_wait3A_490 : memref<1x50x128xf32, #tpu.memory_space<vmem>> -> memref<50x128xf32, #tpu.memory_space<vmem>>
    %dma_wait3A_492 = arith.constant 0 : i32
    %dma_wait3A_493 = tpu.memref_slice %arg5[%dma_wait3A_486, %dma_wait3A_492] : memref<128x50xi32, #tpu.memory_space<vmem>> -> memref<1x50xi32, #tpu.memory_space<vmem>>
    %dma_wait3A_494 = tpu.memref_squeeze %dma_wait3A_493 : memref<1x50xi32, #tpu.memory_space<vmem>> -> memref<50xi32, #tpu.memory_space<vmem>>
    %dma_wait3A_495 = arith.constant 0 : i32
    %dma_wait3A_496 = arith.constant 0 : i32
    %dma_wait3A_497 = tpu.memref_slice %arg3[%dma_wait3A_495, %dma_wait3A_496] : memref<100000x128xf32, #tpu.memory_space<hbm>> -> memref<100000x128xf32, #tpu.memory_space<hbm>>
    tpu.wait_indirect_dma semaphore(%arg9 : memref<!tpu.dma_semaphore, #tpu.memory_space<semaphore_mem>>) src(%dma_wait3A_497 : memref<100000x128xf32, #tpu.memory_space<hbm>>) dst(%dma_wait3A_491 : memref<50x128xf32, #tpu.memory_space<vmem>>)
    %dma_wait3A_498 = arith.constant 123 : i32
    %dma_wait3A_499 = arith.constant 3 : i32
    %dma_wait3A_500 = arith.constant 0 : i32
    %dma_wait3A_501 = arith.constant 0 : i32
    %dma_wait3A_502 = tpu.memref_slice %arg7[%dma_wait3A_499, %dma_wait3A_500, %dma_wait3A_501] : memref<8x50x128xf32, #tpu.memory_space<vmem>> -> memref<1x50x128xf32, #tpu.memory_space<vmem>>
    %dma_wait3A_503 = tpu.memref_squeeze %dma_wait3A_502 : memref<1x50x128xf32, #tpu.memory_space<vmem>> -> memref<50x128xf32, #tpu.memory_space<vmem>>
    %dma_wait3A_504 = arith.constant 0 : i32
    %dma_wait3A_505 = tpu.memref_slice %arg5[%dma_wait3A_498, %dma_wait3A_504] : memref<128x50xi32, #tpu.memory_space<vmem>> -> memref<1x50xi32, #tpu.memory_space<vmem>>
    %dma_wait3A_506 = tpu.memref_squeeze %dma_wait3A_505 : memref<1x50xi32, #tpu.memory_space<vmem>> -> memref<50xi32, #tpu.memory_space<vmem>>
    %dma_wait3A_507 = arith.constant 0 : i32
    %dma_wait3A_508 = arith.constant 0 : i32
    %dma_wait3A_509 = tpu.memref_slice %arg3[%dma_wait3A_507, %dma_wait3A_508] : memref<100000x128xf32, #tpu.memory_space<hbm>> -> memref<100000x128xf32, #tpu.memory_space<hbm>>
    tpu.wait_indirect_dma semaphore(%arg9 : memref<!tpu.dma_semaphore, #tpu.memory_space<semaphore_mem>>) src(%dma_wait3A_509 : memref<100000x128xf32, #tpu.memory_space<hbm>>) dst(%dma_wait3A_503 : memref<50x128xf32, #tpu.memory_space<vmem>>)
    %dma_wait3A_510 = arith.constant 124 : i32
    %dma_wait3A_511 = arith.constant 4 : i32
    %dma_wait3A_512 = arith.constant 0 : i32
    %dma_wait3A_513 = arith.constant 0 : i32
    %dma_wait3A_514 = tpu.memref_slice %arg7[%dma_wait3A_511, %dma_wait3A_512, %dma_wait3A_513] : memref<8x50x128xf32, #tpu.memory_space<vmem>> -> memref<1x50x128xf32, #tpu.memory_space<vmem>>
    %dma_wait3A_515 = tpu.memref_squeeze %dma_wait3A_514 : memref<1x50x128xf32, #tpu.memory_space<vmem>> -> memref<50x128xf32, #tpu.memory_space<vmem>>
    %dma_wait3A_516 = arith.constant 0 : i32
    %dma_wait3A_517 = tpu.memref_slice %arg5[%dma_wait3A_510, %dma_wait3A_516] : memref<128x50xi32, #tpu.memory_space<vmem>> -> memref<1x50xi32, #tpu.memory_space<vmem>>
    %dma_wait3A_518 = tpu.memref_squeeze %dma_wait3A_517 : memref<1x50xi32, #tpu.memory_space<vmem>> -> memref<50xi32, #tpu.memory_space<vmem>>
    %dma_wait3A_519 = arith.constant 0 : i32
    %dma_wait3A_520 = arith.constant 0 : i32
    %dma_wait3A_521 = tpu.memref_slice %arg3[%dma_wait3A_519, %dma_wait3A_520] : memref<100000x128xf32, #tpu.memory_space<hbm>> -> memref<100000x128xf32, #tpu.memory_space<hbm>>
    tpu.wait_indirect_dma semaphore(%arg9 : memref<!tpu.dma_semaphore, #tpu.memory_space<semaphore_mem>>) src(%dma_wait3A_521 : memref<100000x128xf32, #tpu.memory_space<hbm>>) dst(%dma_wait3A_515 : memref<50x128xf32, #tpu.memory_space<vmem>>)
    %dma_wait3A_522 = arith.constant 125 : i32
    %dma_wait3A_523 = arith.constant 5 : i32
    %dma_wait3A_524 = arith.constant 0 : i32
    %dma_wait3A_525 = arith.constant 0 : i32
    %dma_wait3A_526 = tpu.memref_slice %arg7[%dma_wait3A_523, %dma_wait3A_524, %dma_wait3A_525] : memref<8x50x128xf32, #tpu.memory_space<vmem>> -> memref<1x50x128xf32, #tpu.memory_space<vmem>>
    %dma_wait3A_527 = tpu.memref_squeeze %dma_wait3A_526 : memref<1x50x128xf32, #tpu.memory_space<vmem>> -> memref<50x128xf32, #tpu.memory_space<vmem>>
    %dma_wait3A_528 = arith.constant 0 : i32
    %dma_wait3A_529 = tpu.memref_slice %arg5[%dma_wait3A_522, %dma_wait3A_528] : memref<128x50xi32, #tpu.memory_space<vmem>> -> memref<1x50xi32, #tpu.memory_space<vmem>>
    %dma_wait3A_530 = tpu.memref_squeeze %dma_wait3A_529 : memref<1x50xi32, #tpu.memory_space<vmem>> -> memref<50xi32, #tpu.memory_space<vmem>>
    %dma_wait3A_531 = arith.constant 0 : i32
    %dma_wait3A_532 = arith.constant 0 : i32
    %dma_wait3A_533 = tpu.memref_slice %arg3[%dma_wait3A_531, %dma_wait3A_532] : memref<100000x128xf32, #tpu.memory_space<hbm>> -> memref<100000x128xf32, #tpu.memory_space<hbm>>
    tpu.wait_indirect_dma semaphore(%arg9 : memref<!tpu.dma_semaphore, #tpu.memory_space<semaphore_mem>>) src(%dma_wait3A_533 : memref<100000x128xf32, #tpu.memory_space<hbm>>) dst(%dma_wait3A_527 : memref<50x128xf32, #tpu.memory_space<vmem>>)
    %dma_wait3A_534 = arith.constant 126 : i32
    %dma_wait3A_535 = arith.constant 6 : i32
    %dma_wait3A_536 = arith.constant 0 : i32
    %dma_wait3A_537 = arith.constant 0 : i32
    %dma_wait3A_538 = tpu.memref_slice %arg7[%dma_wait3A_535, %dma_wait3A_536, %dma_wait3A_537] : memref<8x50x128xf32, #tpu.memory_space<vmem>> -> memref<1x50x128xf32, #tpu.memory_space<vmem>>
    %dma_wait3A_539 = tpu.memref_squeeze %dma_wait3A_538 : memref<1x50x128xf32, #tpu.memory_space<vmem>> -> memref<50x128xf32, #tpu.memory_space<vmem>>
    %dma_wait3A_540 = arith.constant 0 : i32
    %dma_wait3A_541 = tpu.memref_slice %arg5[%dma_wait3A_534, %dma_wait3A_540] : memref<128x50xi32, #tpu.memory_space<vmem>> -> memref<1x50xi32, #tpu.memory_space<vmem>>
    %dma_wait3A_542 = tpu.memref_squeeze %dma_wait3A_541 : memref<1x50xi32, #tpu.memory_space<vmem>> -> memref<50xi32, #tpu.memory_space<vmem>>
    %dma_wait3A_543 = arith.constant 0 : i32
    %dma_wait3A_544 = arith.constant 0 : i32
    %dma_wait3A_545 = tpu.memref_slice %arg3[%dma_wait3A_543, %dma_wait3A_544] : memref<100000x128xf32, #tpu.memory_space<hbm>> -> memref<100000x128xf32, #tpu.memory_space<hbm>>
    tpu.wait_indirect_dma semaphore(%arg9 : memref<!tpu.dma_semaphore, #tpu.memory_space<semaphore_mem>>) src(%dma_wait3A_545 : memref<100000x128xf32, #tpu.memory_space<hbm>>) dst(%dma_wait3A_539 : memref<50x128xf32, #tpu.memory_space<vmem>>)
    %dma_wait3A_546 = arith.constant 127 : i32
    %dma_wait3A_547 = arith.constant 7 : i32
    %dma_wait3A_548 = arith.constant 0 : i32
    %dma_wait3A_549 = arith.constant 0 : i32
    %dma_wait3A_550 = tpu.memref_slice %arg7[%dma_wait3A_547, %dma_wait3A_548, %dma_wait3A_549] : memref<8x50x128xf32, #tpu.memory_space<vmem>> -> memref<1x50x128xf32, #tpu.memory_space<vmem>>
    %dma_wait3A_551 = tpu.memref_squeeze %dma_wait3A_550 : memref<1x50x128xf32, #tpu.memory_space<vmem>> -> memref<50x128xf32, #tpu.memory_space<vmem>>
    %dma_wait3A_552 = arith.constant 0 : i32
    %dma_wait3A_553 = tpu.memref_slice %arg5[%dma_wait3A_546, %dma_wait3A_552] : memref<128x50xi32, #tpu.memory_space<vmem>> -> memref<1x50xi32, #tpu.memory_space<vmem>>
    %dma_wait3A_554 = tpu.memref_squeeze %dma_wait3A_553 : memref<1x50xi32, #tpu.memory_space<vmem>> -> memref<50xi32, #tpu.memory_space<vmem>>
    %dma_wait3A_555 = arith.constant 0 : i32
    %dma_wait3A_556 = arith.constant 0 : i32
    %dma_wait3A_557 = tpu.memref_slice %arg3[%dma_wait3A_555, %dma_wait3A_556] : memref<100000x128xf32, #tpu.memory_space<hbm>> -> memref<100000x128xf32, #tpu.memory_space<hbm>>
    tpu.wait_indirect_dma semaphore(%arg9 : memref<!tpu.dma_semaphore, #tpu.memory_space<semaphore_mem>>) src(%dma_wait3A_557 : memref<100000x128xf32, #tpu.memory_space<hbm>>) dst(%dma_wait3A_551 : memref<50x128xf32, #tpu.memory_space<vmem>>)
    %add3A_558 = arith.constant 120 : i32
    %add3A_559 = arith.addi %mul3A_2, %add3A_558 : i32
    %add3A_560 = arith.constant 0 : i32
    %add3A_561 = arith.addi %add3A_559, %add3A_560 : i32
    %add3A_562 = arith.constant 120 : i32
    %add3A_563 = arith.addi %mul3A_2, %add3A_562 : i32
    %add3A_564 = arith.constant 1 : i32
    %add3A_565 = arith.addi %add3A_563, %add3A_564 : i32
    %add3A_566 = arith.constant 120 : i32
    %add3A_567 = arith.addi %mul3A_2, %add3A_566 : i32
    %add3A_568 = arith.constant 2 : i32
    %add3A_569 = arith.addi %add3A_567, %add3A_568 : i32
    %add3A_570 = arith.constant 120 : i32
    %add3A_571 = arith.addi %mul3A_2, %add3A_570 : i32
    %add3A_572 = arith.constant 3 : i32
    %add3A_573 = arith.addi %add3A_571, %add3A_572 : i32
    %add3A_574 = arith.constant 120 : i32
    %add3A_575 = arith.addi %mul3A_2, %add3A_574 : i32
    %add3A_576 = arith.constant 4 : i32
    %add3A_577 = arith.addi %add3A_575, %add3A_576 : i32
    %add3A_578 = arith.constant 120 : i32
    %add3A_579 = arith.addi %mul3A_2, %add3A_578 : i32
    %add3A_580 = arith.constant 5 : i32
    %add3A_581 = arith.addi %add3A_579, %add3A_580 : i32
    %add3A_582 = arith.constant 120 : i32
    %add3A_583 = arith.addi %mul3A_2, %add3A_582 : i32
    %add3A_584 = arith.constant 6 : i32
    %add3A_585 = arith.addi %add3A_583, %add3A_584 : i32
    %add3A_586 = arith.constant 120 : i32
    %add3A_587 = arith.addi %mul3A_2, %add3A_586 : i32
    %add3A_588 = arith.constant 7 : i32
    %add3A_589 = arith.addi %add3A_587, %add3A_588 : i32
    %dma_start3A_590 = arith.constant 0 : i32
    %dma_start3A_591 = arith.constant 0 : i32
    %dma_start3A_592 = arith.constant 0 : i32
    %dma_start3A_593 = tpu.memref_slice %arg7[%dma_start3A_590, %dma_start3A_591, %dma_start3A_592] : memref<8x50x128xf32, #tpu.memory_space<vmem>> -> memref<1x50x128xf32, #tpu.memory_space<vmem>>
    %dma_start3A_594 = tpu.memref_squeeze %dma_start3A_593 : memref<1x50x128xf32, #tpu.memory_space<vmem>> -> memref<50x128xf32, #tpu.memory_space<vmem>>
    %dma_start3A_595 = arith.constant 0 : i32
    %dma_start3A_596 = arith.constant 0 : i32
    %dma_start3A_597 = tpu.memref_slice %arg4[%dma_start3A_595, %add3A_561, %dma_start3A_596] : memref<50x4096x128xf32, #tpu.memory_space<hbm>> -> memref<50x1x128xf32, #tpu.memory_space<hbm>>
    %dma_start3A_598 = tpu.memref_squeeze %dma_start3A_597 : memref<50x1x128xf32, #tpu.memory_space<hbm>> -> memref<50x128xf32, #tpu.memory_space<hbm>>
    %dma_start3A_599 = arith.constant 0 : i32
    %dma_start3A_600 = arith.constant 0 : i32
    %dma_start3A_601 = tpu.memref_slice %arg4[%dma_start3A_599, %add3A_561, %dma_start3A_600] : memref<50x4096x128xf32, #tpu.memory_space<hbm>> -> memref<50x1x128xf32, #tpu.memory_space<hbm>>
    %dma_start3A_602 = tpu.memref_squeeze %dma_start3A_601 : memref<50x1x128xf32, #tpu.memory_space<hbm>> -> memref<50x128xf32, #tpu.memory_space<hbm>>
    %dma_start3A_603 = arith.constant 0 : i32
    %dma_start3A_604 = arith.constant 0 : i32
    %dma_start3A_605 = tpu.memref_slice %arg7[%dma_start3A_590, %dma_start3A_603, %dma_start3A_604] : memref<8x50x128xf32, #tpu.memory_space<vmem>> -> memref<1x50x128xf32, #tpu.memory_space<vmem>>
    %dma_start3A_606 = tpu.memref_squeeze %dma_start3A_605 : memref<1x50x128xf32, #tpu.memory_space<vmem>> -> memref<50x128xf32, #tpu.memory_space<vmem>>
    tpu.enqueue_dma source(%dma_start3A_606 : memref<50x128xf32, #tpu.memory_space<vmem>>) target(%dma_start3A_602 : memref<50x128xf32, #tpu.memory_space<hbm>>) target_semaphore(%arg11 : memref<!tpu.dma_semaphore, #tpu.memory_space<semaphore_mem>>)
    %dma_start3A_607 = arith.constant 1 : i32
    %dma_start3A_608 = arith.constant 0 : i32
    %dma_start3A_609 = arith.constant 0 : i32
    %dma_start3A_610 = tpu.memref_slice %arg7[%dma_start3A_607, %dma_start3A_608, %dma_start3A_609] : memref<8x50x128xf32, #tpu.memory_space<vmem>> -> memref<1x50x128xf32, #tpu.memory_space<vmem>>
    %dma_start3A_611 = tpu.memref_squeeze %dma_start3A_610 : memref<1x50x128xf32, #tpu.memory_space<vmem>> -> memref<50x128xf32, #tpu.memory_space<vmem>>
    %dma_start3A_612 = arith.constant 0 : i32
    %dma_start3A_613 = arith.constant 0 : i32
    %dma_start3A_614 = tpu.memref_slice %arg4[%dma_start3A_612, %add3A_565, %dma_start3A_613] : memref<50x4096x128xf32, #tpu.memory_space<hbm>> -> memref<50x1x128xf32, #tpu.memory_space<hbm>>
    %dma_start3A_615 = tpu.memref_squeeze %dma_start3A_614 : memref<50x1x128xf32, #tpu.memory_space<hbm>> -> memref<50x128xf32, #tpu.memory_space<hbm>>
    %dma_start3A_616 = arith.constant 0 : i32
    %dma_start3A_617 = arith.constant 0 : i32
    %dma_start3A_618 = tpu.memref_slice %arg4[%dma_start3A_616, %add3A_565, %dma_start3A_617] : memref<50x4096x128xf32, #tpu.memory_space<hbm>> -> memref<50x1x128xf32, #tpu.memory_space<hbm>>
    %dma_start3A_619 = tpu.memref_squeeze %dma_start3A_618 : memref<50x1x128xf32, #tpu.memory_space<hbm>> -> memref<50x128xf32, #tpu.memory_space<hbm>>
    %dma_start3A_620 = arith.constant 0 : i32
    %dma_start3A_621 = arith.constant 0 : i32
    %dma_start3A_622 = tpu.memref_slice %arg7[%dma_start3A_607, %dma_start3A_620, %dma_start3A_621] : memref<8x50x128xf32, #tpu.memory_space<vmem>> -> memref<1x50x128xf32, #tpu.memory_space<vmem>>
    %dma_start3A_623 = tpu.memref_squeeze %dma_start3A_622 : memref<1x50x128xf32, #tpu.memory_space<vmem>> -> memref<50x128xf32, #tpu.memory_space<vmem>>
    tpu.enqueue_dma source(%dma_start3A_623 : memref<50x128xf32, #tpu.memory_space<vmem>>) target(%dma_start3A_619 : memref<50x128xf32, #tpu.memory_space<hbm>>) target_semaphore(%arg11 : memref<!tpu.dma_semaphore, #tpu.memory_space<semaphore_mem>>)
    %dma_start3A_624 = arith.constant 2 : i32
    %dma_start3A_625 = arith.constant 0 : i32
    %dma_start3A_626 = arith.constant 0 : i32
    %dma_start3A_627 = tpu.memref_slice %arg7[%dma_start3A_624, %dma_start3A_625, %dma_start3A_626] : memref<8x50x128xf32, #tpu.memory_space<vmem>> -> memref<1x50x128xf32, #tpu.memory_space<vmem>>
    %dma_start3A_628 = tpu.memref_squeeze %dma_start3A_627 : memref<1x50x128xf32, #tpu.memory_space<vmem>> -> memref<50x128xf32, #tpu.memory_space<vmem>>
    %dma_start3A_629 = arith.constant 0 : i32
    %dma_start3A_630 = arith.constant 0 : i32
    %dma_start3A_631 = tpu.memref_slice %arg4[%dma_start3A_629, %add3A_569, %dma_start3A_630] : memref<50x4096x128xf32, #tpu.memory_space<hbm>> -> memref<50x1x128xf32, #tpu.memory_space<hbm>>
    %dma_start3A_632 = tpu.memref_squeeze %dma_start3A_631 : memref<50x1x128xf32, #tpu.memory_space<hbm>> -> memref<50x128xf32, #tpu.memory_space<hbm>>
    %dma_start3A_633 = arith.constant 0 : i32
    %dma_start3A_634 = arith.constant 0 : i32
    %dma_start3A_635 = tpu.memref_slice %arg4[%dma_start3A_633, %add3A_569, %dma_start3A_634] : memref<50x4096x128xf32, #tpu.memory_space<hbm>> -> memref<50x1x128xf32, #tpu.memory_space<hbm>>
    %dma_start3A_636 = tpu.memref_squeeze %dma_start3A_635 : memref<50x1x128xf32, #tpu.memory_space<hbm>> -> memref<50x128xf32, #tpu.memory_space<hbm>>
    %dma_start3A_637 = arith.constant 0 : i32
    %dma_start3A_638 = arith.constant 0 : i32
    %dma_start3A_639 = tpu.memref_slice %arg7[%dma_start3A_624, %dma_start3A_637, %dma_start3A_638] : memref<8x50x128xf32, #tpu.memory_space<vmem>> -> memref<1x50x128xf32, #tpu.memory_space<vmem>>
    %dma_start3A_640 = tpu.memref_squeeze %dma_start3A_639 : memref<1x50x128xf32, #tpu.memory_space<vmem>> -> memref<50x128xf32, #tpu.memory_space<vmem>>
    tpu.enqueue_dma source(%dma_start3A_640 : memref<50x128xf32, #tpu.memory_space<vmem>>) target(%dma_start3A_636 : memref<50x128xf32, #tpu.memory_space<hbm>>) target_semaphore(%arg11 : memref<!tpu.dma_semaphore, #tpu.memory_space<semaphore_mem>>)
    %dma_start3A_641 = arith.constant 3 : i32
    %dma_start3A_642 = arith.constant 0 : i32
    %dma_start3A_643 = arith.constant 0 : i32
    %dma_start3A_644 = tpu.memref_slice %arg7[%dma_start3A_641, %dma_start3A_642, %dma_start3A_643] : memref<8x50x128xf32, #tpu.memory_space<vmem>> -> memref<1x50x128xf32, #tpu.memory_space<vmem>>
    %dma_start3A_645 = tpu.memref_squeeze %dma_start3A_644 : memref<1x50x128xf32, #tpu.memory_space<vmem>> -> memref<50x128xf32, #tpu.memory_space<vmem>>
    %dma_start3A_646 = arith.constant 0 : i32
    %dma_start3A_647 = arith.constant 0 : i32
    %dma_start3A_648 = tpu.memref_slice %arg4[%dma_start3A_646, %add3A_573, %dma_start3A_647] : memref<50x4096x128xf32, #tpu.memory_space<hbm>> -> memref<50x1x128xf32, #tpu.memory_space<hbm>>
    %dma_start3A_649 = tpu.memref_squeeze %dma_start3A_648 : memref<50x1x128xf32, #tpu.memory_space<hbm>> -> memref<50x128xf32, #tpu.memory_space<hbm>>
    %dma_start3A_650 = arith.constant 0 : i32
    %dma_start3A_651 = arith.constant 0 : i32
    %dma_start3A_652 = tpu.memref_slice %arg4[%dma_start3A_650, %add3A_573, %dma_start3A_651] : memref<50x4096x128xf32, #tpu.memory_space<hbm>> -> memref<50x1x128xf32, #tpu.memory_space<hbm>>
    %dma_start3A_653 = tpu.memref_squeeze %dma_start3A_652 : memref<50x1x128xf32, #tpu.memory_space<hbm>> -> memref<50x128xf32, #tpu.memory_space<hbm>>
    %dma_start3A_654 = arith.constant 0 : i32
    %dma_start3A_655 = arith.constant 0 : i32
    %dma_start3A_656 = tpu.memref_slice %arg7[%dma_start3A_641, %dma_start3A_654, %dma_start3A_655] : memref<8x50x128xf32, #tpu.memory_space<vmem>> -> memref<1x50x128xf32, #tpu.memory_space<vmem>>
    %dma_start3A_657 = tpu.memref_squeeze %dma_start3A_656 : memref<1x50x128xf32, #tpu.memory_space<vmem>> -> memref<50x128xf32, #tpu.memory_space<vmem>>
    tpu.enqueue_dma source(%dma_start3A_657 : memref<50x128xf32, #tpu.memory_space<vmem>>) target(%dma_start3A_653 : memref<50x128xf32, #tpu.memory_space<hbm>>) target_semaphore(%arg11 : memref<!tpu.dma_semaphore, #tpu.memory_space<semaphore_mem>>)
    %dma_start3A_658 = arith.constant 4 : i32
    %dma_start3A_659 = arith.constant 0 : i32
    %dma_start3A_660 = arith.constant 0 : i32
    %dma_start3A_661 = tpu.memref_slice %arg7[%dma_start3A_658, %dma_start3A_659, %dma_start3A_660] : memref<8x50x128xf32, #tpu.memory_space<vmem>> -> memref<1x50x128xf32, #tpu.memory_space<vmem>>
    %dma_start3A_662 = tpu.memref_squeeze %dma_start3A_661 : memref<1x50x128xf32, #tpu.memory_space<vmem>> -> memref<50x128xf32, #tpu.memory_space<vmem>>
    %dma_start3A_663 = arith.constant 0 : i32
    %dma_start3A_664 = arith.constant 0 : i32
    %dma_start3A_665 = tpu.memref_slice %arg4[%dma_start3A_663, %add3A_577, %dma_start3A_664] : memref<50x4096x128xf32, #tpu.memory_space<hbm>> -> memref<50x1x128xf32, #tpu.memory_space<hbm>>
    %dma_start3A_666 = tpu.memref_squeeze %dma_start3A_665 : memref<50x1x128xf32, #tpu.memory_space<hbm>> -> memref<50x128xf32, #tpu.memory_space<hbm>>
    %dma_start3A_667 = arith.constant 0 : i32
    %dma_start3A_668 = arith.constant 0 : i32
    %dma_start3A_669 = tpu.memref_slice %arg4[%dma_start3A_667, %add3A_577, %dma_start3A_668] : memref<50x4096x128xf32, #tpu.memory_space<hbm>> -> memref<50x1x128xf32, #tpu.memory_space<hbm>>
    %dma_start3A_670 = tpu.memref_squeeze %dma_start3A_669 : memref<50x1x128xf32, #tpu.memory_space<hbm>> -> memref<50x128xf32, #tpu.memory_space<hbm>>
    %dma_start3A_671 = arith.constant 0 : i32
    %dma_start3A_672 = arith.constant 0 : i32
    %dma_start3A_673 = tpu.memref_slice %arg7[%dma_start3A_658, %dma_start3A_671, %dma_start3A_672] : memref<8x50x128xf32, #tpu.memory_space<vmem>> -> memref<1x50x128xf32, #tpu.memory_space<vmem>>
    %dma_start3A_674 = tpu.memref_squeeze %dma_start3A_673 : memref<1x50x128xf32, #tpu.memory_space<vmem>> -> memref<50x128xf32, #tpu.memory_space<vmem>>
    tpu.enqueue_dma source(%dma_start3A_674 : memref<50x128xf32, #tpu.memory_space<vmem>>) target(%dma_start3A_670 : memref<50x128xf32, #tpu.memory_space<hbm>>) target_semaphore(%arg11 : memref<!tpu.dma_semaphore, #tpu.memory_space<semaphore_mem>>)
    %dma_start3A_675 = arith.constant 5 : i32
    %dma_start3A_676 = arith.constant 0 : i32
    %dma_start3A_677 = arith.constant 0 : i32
    %dma_start3A_678 = tpu.memref_slice %arg7[%dma_start3A_675, %dma_start3A_676, %dma_start3A_677] : memref<8x50x128xf32, #tpu.memory_space<vmem>> -> memref<1x50x128xf32, #tpu.memory_space<vmem>>
    %dma_start3A_679 = tpu.memref_squeeze %dma_start3A_678 : memref<1x50x128xf32, #tpu.memory_space<vmem>> -> memref<50x128xf32, #tpu.memory_space<vmem>>
    %dma_start3A_680 = arith.constant 0 : i32
    %dma_start3A_681 = arith.constant 0 : i32
    %dma_start3A_682 = tpu.memref_slice %arg4[%dma_start3A_680, %add3A_581, %dma_start3A_681] : memref<50x4096x128xf32, #tpu.memory_space<hbm>> -> memref<50x1x128xf32, #tpu.memory_space<hbm>>
    %dma_start3A_683 = tpu.memref_squeeze %dma_start3A_682 : memref<50x1x128xf32, #tpu.memory_space<hbm>> -> memref<50x128xf32, #tpu.memory_space<hbm>>
    %dma_start3A_684 = arith.constant 0 : i32
    %dma_start3A_685 = arith.constant 0 : i32
    %dma_start3A_686 = tpu.memref_slice %arg4[%dma_start3A_684, %add3A_581, %dma_start3A_685] : memref<50x4096x128xf32, #tpu.memory_space<hbm>> -> memref<50x1x128xf32, #tpu.memory_space<hbm>>
    %dma_start3A_687 = tpu.memref_squeeze %dma_start3A_686 : memref<50x1x128xf32, #tpu.memory_space<hbm>> -> memref<50x128xf32, #tpu.memory_space<hbm>>
    %dma_start3A_688 = arith.constant 0 : i32
    %dma_start3A_689 = arith.constant 0 : i32
    %dma_start3A_690 = tpu.memref_slice %arg7[%dma_start3A_675, %dma_start3A_688, %dma_start3A_689] : memref<8x50x128xf32, #tpu.memory_space<vmem>> -> memref<1x50x128xf32, #tpu.memory_space<vmem>>
    %dma_start3A_691 = tpu.memref_squeeze %dma_start3A_690 : memref<1x50x128xf32, #tpu.memory_space<vmem>> -> memref<50x128xf32, #tpu.memory_space<vmem>>
    tpu.enqueue_dma source(%dma_start3A_691 : memref<50x128xf32, #tpu.memory_space<vmem>>) target(%dma_start3A_687 : memref<50x128xf32, #tpu.memory_space<hbm>>) target_semaphore(%arg11 : memref<!tpu.dma_semaphore, #tpu.memory_space<semaphore_mem>>)
    %dma_start3A_692 = arith.constant 6 : i32
    %dma_start3A_693 = arith.constant 0 : i32
    %dma_start3A_694 = arith.constant 0 : i32
    %dma_start3A_695 = tpu.memref_slice %arg7[%dma_start3A_692, %dma_start3A_693, %dma_start3A_694] : memref<8x50x128xf32, #tpu.memory_space<vmem>> -> memref<1x50x128xf32, #tpu.memory_space<vmem>>
    %dma_start3A_696 = tpu.memref_squeeze %dma_start3A_695 : memref<1x50x128xf32, #tpu.memory_space<vmem>> -> memref<50x128xf32, #tpu.memory_space<vmem>>
    %dma_start3A_697 = arith.constant 0 : i32
    %dma_start3A_698 = arith.constant 0 : i32
    %dma_start3A_699 = tpu.memref_slice %arg4[%dma_start3A_697, %add3A_585, %dma_start3A_698] : memref<50x4096x128xf32, #tpu.memory_space<hbm>> -> memref<50x1x128xf32, #tpu.memory_space<hbm>>
    %dma_start3A_700 = tpu.memref_squeeze %dma_start3A_699 : memref<50x1x128xf32, #tpu.memory_space<hbm>> -> memref<50x128xf32, #tpu.memory_space<hbm>>
    %dma_start3A_701 = arith.constant 0 : i32
    %dma_start3A_702 = arith.constant 0 : i32
    %dma_start3A_703 = tpu.memref_slice %arg4[%dma_start3A_701, %add3A_585, %dma_start3A_702] : memref<50x4096x128xf32, #tpu.memory_space<hbm>> -> memref<50x1x128xf32, #tpu.memory_space<hbm>>
    %dma_start3A_704 = tpu.memref_squeeze %dma_start3A_703 : memref<50x1x128xf32, #tpu.memory_space<hbm>> -> memref<50x128xf32, #tpu.memory_space<hbm>>
    %dma_start3A_705 = arith.constant 0 : i32
    %dma_start3A_706 = arith.constant 0 : i32
    %dma_start3A_707 = tpu.memref_slice %arg7[%dma_start3A_692, %dma_start3A_705, %dma_start3A_706] : memref<8x50x128xf32, #tpu.memory_space<vmem>> -> memref<1x50x128xf32, #tpu.memory_space<vmem>>
    %dma_start3A_708 = tpu.memref_squeeze %dma_start3A_707 : memref<1x50x128xf32, #tpu.memory_space<vmem>> -> memref<50x128xf32, #tpu.memory_space<vmem>>
    tpu.enqueue_dma source(%dma_start3A_708 : memref<50x128xf32, #tpu.memory_space<vmem>>) target(%dma_start3A_704 : memref<50x128xf32, #tpu.memory_space<hbm>>) target_semaphore(%arg11 : memref<!tpu.dma_semaphore, #tpu.memory_space<semaphore_mem>>)
    %dma_start3A_709 = arith.constant 7 : i32
    %dma_start3A_710 = arith.constant 0 : i32
    %dma_start3A_711 = arith.constant 0 : i32
    %dma_start3A_712 = tpu.memref_slice %arg7[%dma_start3A_709, %dma_start3A_710, %dma_start3A_711] : memref<8x50x128xf32, #tpu.memory_space<vmem>> -> memref<1x50x128xf32, #tpu.memory_space<vmem>>
    %dma_start3A_713 = tpu.memref_squeeze %dma_start3A_712 : memref<1x50x128xf32, #tpu.memory_space<vmem>> -> memref<50x128xf32, #tpu.memory_space<vmem>>
    %dma_start3A_714 = arith.constant 0 : i32
    %dma_start3A_715 = arith.constant 0 : i32
    %dma_start3A_716 = tpu.memref_slice %arg4[%dma_start3A_714, %add3A_589, %dma_start3A_715] : memref<50x4096x128xf32, #tpu.memory_space<hbm>> -> memref<50x1x128xf32, #tpu.memory_space<hbm>>
    %dma_start3A_717 = tpu.memref_squeeze %dma_start3A_716 : memref<50x1x128xf32, #tpu.memory_space<hbm>> -> memref<50x128xf32, #tpu.memory_space<hbm>>
    %dma_start3A_718 = arith.constant 0 : i32
    %dma_start3A_719 = arith.constant 0 : i32
    %dma_start3A_720 = tpu.memref_slice %arg4[%dma_start3A_718, %add3A_589, %dma_start3A_719] : memref<50x4096x128xf32, #tpu.memory_space<hbm>> -> memref<50x1x128xf32, #tpu.memory_space<hbm>>
    %dma_start3A_721 = tpu.memref_squeeze %dma_start3A_720 : memref<50x1x128xf32, #tpu.memory_space<hbm>> -> memref<50x128xf32, #tpu.memory_space<hbm>>
    %dma_start3A_722 = arith.constant 0 : i32
    %dma_start3A_723 = arith.constant 0 : i32
    %dma_start3A_724 = tpu.memref_slice %arg7[%dma_start3A_709, %dma_start3A_722, %dma_start3A_723] : memref<8x50x128xf32, #tpu.memory_space<vmem>> -> memref<1x50x128xf32, #tpu.memory_space<vmem>>
    %dma_start3A_725 = tpu.memref_squeeze %dma_start3A_724 : memref<1x50x128xf32, #tpu.memory_space<vmem>> -> memref<50x128xf32, #tpu.memory_space<vmem>>
    tpu.enqueue_dma source(%dma_start3A_725 : memref<50x128xf32, #tpu.memory_space<vmem>>) target(%dma_start3A_721 : memref<50x128xf32, #tpu.memory_space<hbm>>) target_semaphore(%arg11 : memref<!tpu.dma_semaphore, #tpu.memory_space<semaphore_mem>>)
    %add3A_726 = arith.constant 112 : i32
    %add3A_727 = arith.addi %mul3A_2, %add3A_726 : i32
    %add3A_728 = arith.constant 0 : i32
    %add3A_729 = arith.addi %add3A_727, %add3A_728 : i32
    %add3A_730 = arith.constant 112 : i32
    %add3A_731 = arith.addi %mul3A_2, %add3A_730 : i32
    %add3A_732 = arith.constant 1 : i32
    %add3A_733 = arith.addi %add3A_731, %add3A_732 : i32
    %add3A_734 = arith.constant 112 : i32
    %add3A_735 = arith.addi %mul3A_2, %add3A_734 : i32
    %add3A_736 = arith.constant 2 : i32
    %add3A_737 = arith.addi %add3A_735, %add3A_736 : i32
    %add3A_738 = arith.constant 112 : i32
    %add3A_739 = arith.addi %mul3A_2, %add3A_738 : i32
    %add3A_740 = arith.constant 3 : i32
    %add3A_741 = arith.addi %add3A_739, %add3A_740 : i32
    %add3A_742 = arith.constant 112 : i32
    %add3A_743 = arith.addi %mul3A_2, %add3A_742 : i32
    %add3A_744 = arith.constant 4 : i32
    %add3A_745 = arith.addi %add3A_743, %add3A_744 : i32
    %add3A_746 = arith.constant 112 : i32
    %add3A_747 = arith.addi %mul3A_2, %add3A_746 : i32
    %add3A_748 = arith.constant 5 : i32
    %add3A_749 = arith.addi %add3A_747, %add3A_748 : i32
    %add3A_750 = arith.constant 112 : i32
    %add3A_751 = arith.addi %mul3A_2, %add3A_750 : i32
    %add3A_752 = arith.constant 6 : i32
    %add3A_753 = arith.addi %add3A_751, %add3A_752 : i32
    %add3A_754 = arith.constant 112 : i32
    %add3A_755 = arith.addi %mul3A_2, %add3A_754 : i32
    %add3A_756 = arith.constant 7 : i32
    %add3A_757 = arith.addi %add3A_755, %add3A_756 : i32
    %dma_wait3A_758 = arith.constant 0 : i32
    %dma_wait3A_759 = arith.constant 0 : i32
    %dma_wait3A_760 = arith.constant 0 : i32
    %dma_wait3A_761 = tpu.memref_slice %arg6[%dma_wait3A_758, %dma_wait3A_759, %dma_wait3A_760] : memref<8x50x128xf32, #tpu.memory_space<vmem>> -> memref<1x50x128xf32, #tpu.memory_space<vmem>>
    %dma_wait3A_762 = tpu.memref_squeeze %dma_wait3A_761 : memref<1x50x128xf32, #tpu.memory_space<vmem>> -> memref<50x128xf32, #tpu.memory_space<vmem>>
    %dma_wait3A_763 = arith.constant 0 : i32
    %dma_wait3A_764 = arith.constant 0 : i32
    %dma_wait3A_765 = tpu.memref_slice %arg4[%dma_wait3A_763, %add3A_729, %dma_wait3A_764] : memref<50x4096x128xf32, #tpu.memory_space<hbm>> -> memref<50x1x128xf32, #tpu.memory_space<hbm>>
    %dma_wait3A_766 = tpu.memref_squeeze %dma_wait3A_765 : memref<50x1x128xf32, #tpu.memory_space<hbm>> -> memref<50x128xf32, #tpu.memory_space<hbm>>
    %dma_wait3A_767 = arith.constant 0 : i32
    %dma_wait3A_768 = arith.constant 0 : i32
    %dma_wait3A_769 = tpu.memref_slice %arg4[%dma_wait3A_767, %add3A_729, %dma_wait3A_768] : memref<50x4096x128xf32, #tpu.memory_space<hbm>> -> memref<50x1x128xf32, #tpu.memory_space<hbm>>
    %dma_wait3A_770 = tpu.memref_squeeze %dma_wait3A_769 : memref<50x1x128xf32, #tpu.memory_space<hbm>> -> memref<50x128xf32, #tpu.memory_space<hbm>>
    %dma_wait3A_771 = arith.constant 0 : i32
    %dma_wait3A_772 = arith.constant 0 : i32
    %dma_wait3A_773 = tpu.memref_slice %arg6[%dma_wait3A_758, %dma_wait3A_771, %dma_wait3A_772] : memref<8x50x128xf32, #tpu.memory_space<vmem>> -> memref<1x50x128xf32, #tpu.memory_space<vmem>>
    %dma_wait3A_774 = tpu.memref_squeeze %dma_wait3A_773 : memref<1x50x128xf32, #tpu.memory_space<vmem>> -> memref<50x128xf32, #tpu.memory_space<vmem>>
    tpu.wait_dma2 semaphore(%arg10 : memref<!tpu.dma_semaphore, #tpu.memory_space<semaphore_mem>>) src(%dma_wait3A_774 : memref<50x128xf32, #tpu.memory_space<vmem>>) dst(%dma_wait3A_770 : memref<50x128xf32, #tpu.memory_space<hbm>>)
    %dma_wait3A_775 = arith.constant 1 : i32
    %dma_wait3A_776 = arith.constant 0 : i32
    %dma_wait3A_777 = arith.constant 0 : i32
    %dma_wait3A_778 = tpu.memref_slice %arg6[%dma_wait3A_775, %dma_wait3A_776, %dma_wait3A_777] : memref<8x50x128xf32, #tpu.memory_space<vmem>> -> memref<1x50x128xf32, #tpu.memory_space<vmem>>
    %dma_wait3A_779 = tpu.memref_squeeze %dma_wait3A_778 : memref<1x50x128xf32, #tpu.memory_space<vmem>> -> memref<50x128xf32, #tpu.memory_space<vmem>>
    %dma_wait3A_780 = arith.constant 0 : i32
    %dma_wait3A_781 = arith.constant 0 : i32
    %dma_wait3A_782 = tpu.memref_slice %arg4[%dma_wait3A_780, %add3A_733, %dma_wait3A_781] : memref<50x4096x128xf32, #tpu.memory_space<hbm>> -> memref<50x1x128xf32, #tpu.memory_space<hbm>>
    %dma_wait3A_783 = tpu.memref_squeeze %dma_wait3A_782 : memref<50x1x128xf32, #tpu.memory_space<hbm>> -> memref<50x128xf32, #tpu.memory_space<hbm>>
    %dma_wait3A_784 = arith.constant 0 : i32
    %dma_wait3A_785 = arith.constant 0 : i32
    %dma_wait3A_786 = tpu.memref_slice %arg4[%dma_wait3A_784, %add3A_733, %dma_wait3A_785] : memref<50x4096x128xf32, #tpu.memory_space<hbm>> -> memref<50x1x128xf32, #tpu.memory_space<hbm>>
    %dma_wait3A_787 = tpu.memref_squeeze %dma_wait3A_786 : memref<50x1x128xf32, #tpu.memory_space<hbm>> -> memref<50x128xf32, #tpu.memory_space<hbm>>
    %dma_wait3A_788 = arith.constant 0 : i32
    %dma_wait3A_789 = arith.constant 0 : i32
    %dma_wait3A_790 = tpu.memref_slice %arg6[%dma_wait3A_775, %dma_wait3A_788, %dma_wait3A_789] : memref<8x50x128xf32, #tpu.memory_space<vmem>> -> memref<1x50x128xf32, #tpu.memory_space<vmem>>
    %dma_wait3A_791 = tpu.memref_squeeze %dma_wait3A_790 : memref<1x50x128xf32, #tpu.memory_space<vmem>> -> memref<50x128xf32, #tpu.memory_space<vmem>>
    tpu.wait_dma2 semaphore(%arg10 : memref<!tpu.dma_semaphore, #tpu.memory_space<semaphore_mem>>) src(%dma_wait3A_791 : memref<50x128xf32, #tpu.memory_space<vmem>>) dst(%dma_wait3A_787 : memref<50x128xf32, #tpu.memory_space<hbm>>)
    %dma_wait3A_792 = arith.constant 2 : i32
    %dma_wait3A_793 = arith.constant 0 : i32
    %dma_wait3A_794 = arith.constant 0 : i32
    %dma_wait3A_795 = tpu.memref_slice %arg6[%dma_wait3A_792, %dma_wait3A_793, %dma_wait3A_794] : memref<8x50x128xf32, #tpu.memory_space<vmem>> -> memref<1x50x128xf32, #tpu.memory_space<vmem>>
    %dma_wait3A_796 = tpu.memref_squeeze %dma_wait3A_795 : memref<1x50x128xf32, #tpu.memory_space<vmem>> -> memref<50x128xf32, #tpu.memory_space<vmem>>
    %dma_wait3A_797 = arith.constant 0 : i32
    %dma_wait3A_798 = arith.constant 0 : i32
    %dma_wait3A_799 = tpu.memref_slice %arg4[%dma_wait3A_797, %add3A_737, %dma_wait3A_798] : memref<50x4096x128xf32, #tpu.memory_space<hbm>> -> memref<50x1x128xf32, #tpu.memory_space<hbm>>
    %dma_wait3A_800 = tpu.memref_squeeze %dma_wait3A_799 : memref<50x1x128xf32, #tpu.memory_space<hbm>> -> memref<50x128xf32, #tpu.memory_space<hbm>>
    %dma_wait3A_801 = arith.constant 0 : i32
    %dma_wait3A_802 = arith.constant 0 : i32
    %dma_wait3A_803 = tpu.memref_slice %arg4[%dma_wait3A_801, %add3A_737, %dma_wait3A_802] : memref<50x4096x128xf32, #tpu.memory_space<hbm>> -> memref<50x1x128xf32, #tpu.memory_space<hbm>>
    %dma_wait3A_804 = tpu.memref_squeeze %dma_wait3A_803 : memref<50x1x128xf32, #tpu.memory_space<hbm>> -> memref<50x128xf32, #tpu.memory_space<hbm>>
    %dma_wait3A_805 = arith.constant 0 : i32
    %dma_wait3A_806 = arith.constant 0 : i32
    %dma_wait3A_807 = tpu.memref_slice %arg6[%dma_wait3A_792, %dma_wait3A_805, %dma_wait3A_806] : memref<8x50x128xf32, #tpu.memory_space<vmem>> -> memref<1x50x128xf32, #tpu.memory_space<vmem>>
    %dma_wait3A_808 = tpu.memref_squeeze %dma_wait3A_807 : memref<1x50x128xf32, #tpu.memory_space<vmem>> -> memref<50x128xf32, #tpu.memory_space<vmem>>
    tpu.wait_dma2 semaphore(%arg10 : memref<!tpu.dma_semaphore, #tpu.memory_space<semaphore_mem>>) src(%dma_wait3A_808 : memref<50x128xf32, #tpu.memory_space<vmem>>) dst(%dma_wait3A_804 : memref<50x128xf32, #tpu.memory_space<hbm>>)
    %dma_wait3A_809 = arith.constant 3 : i32
    %dma_wait3A_810 = arith.constant 0 : i32
    %dma_wait3A_811 = arith.constant 0 : i32
    %dma_wait3A_812 = tpu.memref_slice %arg6[%dma_wait3A_809, %dma_wait3A_810, %dma_wait3A_811] : memref<8x50x128xf32, #tpu.memory_space<vmem>> -> memref<1x50x128xf32, #tpu.memory_space<vmem>>
    %dma_wait3A_813 = tpu.memref_squeeze %dma_wait3A_812 : memref<1x50x128xf32, #tpu.memory_space<vmem>> -> memref<50x128xf32, #tpu.memory_space<vmem>>
    %dma_wait3A_814 = arith.constant 0 : i32
    %dma_wait3A_815 = arith.constant 0 : i32
    %dma_wait3A_816 = tpu.memref_slice %arg4[%dma_wait3A_814, %add3A_741, %dma_wait3A_815] : memref<50x4096x128xf32, #tpu.memory_space<hbm>> -> memref<50x1x128xf32, #tpu.memory_space<hbm>>
    %dma_wait3A_817 = tpu.memref_squeeze %dma_wait3A_816 : memref<50x1x128xf32, #tpu.memory_space<hbm>> -> memref<50x128xf32, #tpu.memory_space<hbm>>
    %dma_wait3A_818 = arith.constant 0 : i32
    %dma_wait3A_819 = arith.constant 0 : i32
    %dma_wait3A_820 = tpu.memref_slice %arg4[%dma_wait3A_818, %add3A_741, %dma_wait3A_819] : memref<50x4096x128xf32, #tpu.memory_space<hbm>> -> memref<50x1x128xf32, #tpu.memory_space<hbm>>
    %dma_wait3A_821 = tpu.memref_squeeze %dma_wait3A_820 : memref<50x1x128xf32, #tpu.memory_space<hbm>> -> memref<50x128xf32, #tpu.memory_space<hbm>>
    %dma_wait3A_822 = arith.constant 0 : i32
    %dma_wait3A_823 = arith.constant 0 : i32
    %dma_wait3A_824 = tpu.memref_slice %arg6[%dma_wait3A_809, %dma_wait3A_822, %dma_wait3A_823] : memref<8x50x128xf32, #tpu.memory_space<vmem>> -> memref<1x50x128xf32, #tpu.memory_space<vmem>>
    %dma_wait3A_825 = tpu.memref_squeeze %dma_wait3A_824 : memref<1x50x128xf32, #tpu.memory_space<vmem>> -> memref<50x128xf32, #tpu.memory_space<vmem>>
    tpu.wait_dma2 semaphore(%arg10 : memref<!tpu.dma_semaphore, #tpu.memory_space<semaphore_mem>>) src(%dma_wait3A_825 : memref<50x128xf32, #tpu.memory_space<vmem>>) dst(%dma_wait3A_821 : memref<50x128xf32, #tpu.memory_space<hbm>>)
    %dma_wait3A_826 = arith.constant 4 : i32
    %dma_wait3A_827 = arith.constant 0 : i32
    %dma_wait3A_828 = arith.constant 0 : i32
    %dma_wait3A_829 = tpu.memref_slice %arg6[%dma_wait3A_826, %dma_wait3A_827, %dma_wait3A_828] : memref<8x50x128xf32, #tpu.memory_space<vmem>> -> memref<1x50x128xf32, #tpu.memory_space<vmem>>
    %dma_wait3A_830 = tpu.memref_squeeze %dma_wait3A_829 : memref<1x50x128xf32, #tpu.memory_space<vmem>> -> memref<50x128xf32, #tpu.memory_space<vmem>>
    %dma_wait3A_831 = arith.constant 0 : i32
    %dma_wait3A_832 = arith.constant 0 : i32
    %dma_wait3A_833 = tpu.memref_slice %arg4[%dma_wait3A_831, %add3A_745, %dma_wait3A_832] : memref<50x4096x128xf32, #tpu.memory_space<hbm>> -> memref<50x1x128xf32, #tpu.memory_space<hbm>>
    %dma_wait3A_834 = tpu.memref_squeeze %dma_wait3A_833 : memref<50x1x128xf32, #tpu.memory_space<hbm>> -> memref<50x128xf32, #tpu.memory_space<hbm>>
    %dma_wait3A_835 = arith.constant 0 : i32
    %dma_wait3A_836 = arith.constant 0 : i32
    %dma_wait3A_837 = tpu.memref_slice %arg4[%dma_wait3A_835, %add3A_745, %dma_wait3A_836] : memref<50x4096x128xf32, #tpu.memory_space<hbm>> -> memref<50x1x128xf32, #tpu.memory_space<hbm>>
    %dma_wait3A_838 = tpu.memref_squeeze %dma_wait3A_837 : memref<50x1x128xf32, #tpu.memory_space<hbm>> -> memref<50x128xf32, #tpu.memory_space<hbm>>
    %dma_wait3A_839 = arith.constant 0 : i32
    %dma_wait3A_840 = arith.constant 0 : i32
    %dma_wait3A_841 = tpu.memref_slice %arg6[%dma_wait3A_826, %dma_wait3A_839, %dma_wait3A_840] : memref<8x50x128xf32, #tpu.memory_space<vmem>> -> memref<1x50x128xf32, #tpu.memory_space<vmem>>
    %dma_wait3A_842 = tpu.memref_squeeze %dma_wait3A_841 : memref<1x50x128xf32, #tpu.memory_space<vmem>> -> memref<50x128xf32, #tpu.memory_space<vmem>>
    tpu.wait_dma2 semaphore(%arg10 : memref<!tpu.dma_semaphore, #tpu.memory_space<semaphore_mem>>) src(%dma_wait3A_842 : memref<50x128xf32, #tpu.memory_space<vmem>>) dst(%dma_wait3A_838 : memref<50x128xf32, #tpu.memory_space<hbm>>)
    %dma_wait3A_843 = arith.constant 5 : i32
    %dma_wait3A_844 = arith.constant 0 : i32
    %dma_wait3A_845 = arith.constant 0 : i32
    %dma_wait3A_846 = tpu.memref_slice %arg6[%dma_wait3A_843, %dma_wait3A_844, %dma_wait3A_845] : memref<8x50x128xf32, #tpu.memory_space<vmem>> -> memref<1x50x128xf32, #tpu.memory_space<vmem>>
    %dma_wait3A_847 = tpu.memref_squeeze %dma_wait3A_846 : memref<1x50x128xf32, #tpu.memory_space<vmem>> -> memref<50x128xf32, #tpu.memory_space<vmem>>
    %dma_wait3A_848 = arith.constant 0 : i32
    %dma_wait3A_849 = arith.constant 0 : i32
    %dma_wait3A_850 = tpu.memref_slice %arg4[%dma_wait3A_848, %add3A_749, %dma_wait3A_849] : memref<50x4096x128xf32, #tpu.memory_space<hbm>> -> memref<50x1x128xf32, #tpu.memory_space<hbm>>
    %dma_wait3A_851 = tpu.memref_squeeze %dma_wait3A_850 : memref<50x1x128xf32, #tpu.memory_space<hbm>> -> memref<50x128xf32, #tpu.memory_space<hbm>>
    %dma_wait3A_852 = arith.constant 0 : i32
    %dma_wait3A_853 = arith.constant 0 : i32
    %dma_wait3A_854 = tpu.memref_slice %arg4[%dma_wait3A_852, %add3A_749, %dma_wait3A_853] : memref<50x4096x128xf32, #tpu.memory_space<hbm>> -> memref<50x1x128xf32, #tpu.memory_space<hbm>>
    %dma_wait3A_855 = tpu.memref_squeeze %dma_wait3A_854 : memref<50x1x128xf32, #tpu.memory_space<hbm>> -> memref<50x128xf32, #tpu.memory_space<hbm>>
    %dma_wait3A_856 = arith.constant 0 : i32
    %dma_wait3A_857 = arith.constant 0 : i32
    %dma_wait3A_858 = tpu.memref_slice %arg6[%dma_wait3A_843, %dma_wait3A_856, %dma_wait3A_857] : memref<8x50x128xf32, #tpu.memory_space<vmem>> -> memref<1x50x128xf32, #tpu.memory_space<vmem>>
    %dma_wait3A_859 = tpu.memref_squeeze %dma_wait3A_858 : memref<1x50x128xf32, #tpu.memory_space<vmem>> -> memref<50x128xf32, #tpu.memory_space<vmem>>
    tpu.wait_dma2 semaphore(%arg10 : memref<!tpu.dma_semaphore, #tpu.memory_space<semaphore_mem>>) src(%dma_wait3A_859 : memref<50x128xf32, #tpu.memory_space<vmem>>) dst(%dma_wait3A_855 : memref<50x128xf32, #tpu.memory_space<hbm>>)
    %dma_wait3A_860 = arith.constant 6 : i32
    %dma_wait3A_861 = arith.constant 0 : i32
    %dma_wait3A_862 = arith.constant 0 : i32
    %dma_wait3A_863 = tpu.memref_slice %arg6[%dma_wait3A_860, %dma_wait3A_861, %dma_wait3A_862] : memref<8x50x128xf32, #tpu.memory_space<vmem>> -> memref<1x50x128xf32, #tpu.memory_space<vmem>>
    %dma_wait3A_864 = tpu.memref_squeeze %dma_wait3A_863 : memref<1x50x128xf32, #tpu.memory_space<vmem>> -> memref<50x128xf32, #tpu.memory_space<vmem>>
    %dma_wait3A_865 = arith.constant 0 : i32
    %dma_wait3A_866 = arith.constant 0 : i32
    %dma_wait3A_867 = tpu.memref_slice %arg4[%dma_wait3A_865, %add3A_753, %dma_wait3A_866] : memref<50x4096x128xf32, #tpu.memory_space<hbm>> -> memref<50x1x128xf32, #tpu.memory_space<hbm>>
    %dma_wait3A_868 = tpu.memref_squeeze %dma_wait3A_867 : memref<50x1x128xf32, #tpu.memory_space<hbm>> -> memref<50x128xf32, #tpu.memory_space<hbm>>
    %dma_wait3A_869 = arith.constant 0 : i32
    %dma_wait3A_870 = arith.constant 0 : i32
    %dma_wait3A_871 = tpu.memref_slice %arg4[%dma_wait3A_869, %add3A_753, %dma_wait3A_870] : memref<50x4096x128xf32, #tpu.memory_space<hbm>> -> memref<50x1x128xf32, #tpu.memory_space<hbm>>
    %dma_wait3A_872 = tpu.memref_squeeze %dma_wait3A_871 : memref<50x1x128xf32, #tpu.memory_space<hbm>> -> memref<50x128xf32, #tpu.memory_space<hbm>>
    %dma_wait3A_873 = arith.constant 0 : i32
    %dma_wait3A_874 = arith.constant 0 : i32
    %dma_wait3A_875 = tpu.memref_slice %arg6[%dma_wait3A_860, %dma_wait3A_873, %dma_wait3A_874] : memref<8x50x128xf32, #tpu.memory_space<vmem>> -> memref<1x50x128xf32, #tpu.memory_space<vmem>>
    %dma_wait3A_876 = tpu.memref_squeeze %dma_wait3A_875 : memref<1x50x128xf32, #tpu.memory_space<vmem>> -> memref<50x128xf32, #tpu.memory_space<vmem>>
    tpu.wait_dma2 semaphore(%arg10 : memref<!tpu.dma_semaphore, #tpu.memory_space<semaphore_mem>>) src(%dma_wait3A_876 : memref<50x128xf32, #tpu.memory_space<vmem>>) dst(%dma_wait3A_872 : memref<50x128xf32, #tpu.memory_space<hbm>>)
    %dma_wait3A_877 = arith.constant 7 : i32
    %dma_wait3A_878 = arith.constant 0 : i32
    %dma_wait3A_879 = arith.constant 0 : i32
    %dma_wait3A_880 = tpu.memref_slice %arg6[%dma_wait3A_877, %dma_wait3A_878, %dma_wait3A_879] : memref<8x50x128xf32, #tpu.memory_space<vmem>> -> memref<1x50x128xf32, #tpu.memory_space<vmem>>
    %dma_wait3A_881 = tpu.memref_squeeze %dma_wait3A_880 : memref<1x50x128xf32, #tpu.memory_space<vmem>> -> memref<50x128xf32, #tpu.memory_space<vmem>>
    %dma_wait3A_882 = arith.constant 0 : i32
    %dma_wait3A_883 = arith.constant 0 : i32
    %dma_wait3A_884 = tpu.memref_slice %arg4[%dma_wait3A_882, %add3A_757, %dma_wait3A_883] : memref<50x4096x128xf32, #tpu.memory_space<hbm>> -> memref<50x1x128xf32, #tpu.memory_space<hbm>>
    %dma_wait3A_885 = tpu.memref_squeeze %dma_wait3A_884 : memref<50x1x128xf32, #tpu.memory_space<hbm>> -> memref<50x128xf32, #tpu.memory_space<hbm>>
    %dma_wait3A_886 = arith.constant 0 : i32
    %dma_wait3A_887 = arith.constant 0 : i32
    %dma_wait3A_888 = tpu.memref_slice %arg4[%dma_wait3A_886, %add3A_757, %dma_wait3A_887] : memref<50x4096x128xf32, #tpu.memory_space<hbm>> -> memref<50x1x128xf32, #tpu.memory_space<hbm>>
    %dma_wait3A_889 = tpu.memref_squeeze %dma_wait3A_888 : memref<50x1x128xf32, #tpu.memory_space<hbm>> -> memref<50x128xf32, #tpu.memory_space<hbm>>
    %dma_wait3A_890 = arith.constant 0 : i32
    %dma_wait3A_891 = arith.constant 0 : i32
    %dma_wait3A_892 = tpu.memref_slice %arg6[%dma_wait3A_877, %dma_wait3A_890, %dma_wait3A_891] : memref<8x50x128xf32, #tpu.memory_space<vmem>> -> memref<1x50x128xf32, #tpu.memory_space<vmem>>
    %dma_wait3A_893 = tpu.memref_squeeze %dma_wait3A_892 : memref<1x50x128xf32, #tpu.memory_space<vmem>> -> memref<50x128xf32, #tpu.memory_space<vmem>>
    tpu.wait_dma2 semaphore(%arg10 : memref<!tpu.dma_semaphore, #tpu.memory_space<semaphore_mem>>) src(%dma_wait3A_893 : memref<50x128xf32, #tpu.memory_space<vmem>>) dst(%dma_wait3A_889 : memref<50x128xf32, #tpu.memory_space<hbm>>)
    %add3A_894 = arith.constant 120 : i32
    %add3A_895 = arith.addi %mul3A_2, %add3A_894 : i32
    %add3A_896 = arith.constant 0 : i32
    %add3A_897 = arith.addi %add3A_895, %add3A_896 : i32
    %add3A_898 = arith.constant 120 : i32
    %add3A_899 = arith.addi %mul3A_2, %add3A_898 : i32
    %add3A_900 = arith.constant 1 : i32
    %add3A_901 = arith.addi %add3A_899, %add3A_900 : i32
    %add3A_902 = arith.constant 120 : i32
    %add3A_903 = arith.addi %mul3A_2, %add3A_902 : i32
    %add3A_904 = arith.constant 2 : i32
    %add3A_905 = arith.addi %add3A_903, %add3A_904 : i32
    %add3A_906 = arith.constant 120 : i32
    %add3A_907 = arith.addi %mul3A_2, %add3A_906 : i32
    %add3A_908 = arith.constant 3 : i32
    %add3A_909 = arith.addi %add3A_907, %add3A_908 : i32
    %add3A_910 = arith.constant 120 : i32
    %add3A_911 = arith.addi %mul3A_2, %add3A_910 : i32
    %add3A_912 = arith.constant 4 : i32
    %add3A_913 = arith.addi %add3A_911, %add3A_912 : i32
    %add3A_914 = arith.constant 120 : i32
    %add3A_915 = arith.addi %mul3A_2, %add3A_914 : i32
    %add3A_916 = arith.constant 5 : i32
    %add3A_917 = arith.addi %add3A_915, %add3A_916 : i32
    %add3A_918 = arith.constant 120 : i32
    %add3A_919 = arith.addi %mul3A_2, %add3A_918 : i32
    %add3A_920 = arith.constant 6 : i32
    %add3A_921 = arith.addi %add3A_919, %add3A_920 : i32
    %add3A_922 = arith.constant 120 : i32
    %add3A_923 = arith.addi %mul3A_2, %add3A_922 : i32
    %add3A_924 = arith.constant 7 : i32
    %add3A_925 = arith.addi %add3A_923, %add3A_924 : i32
    %dma_wait3A_926 = arith.constant 0 : i32
    %dma_wait3A_927 = arith.constant 0 : i32
    %dma_wait3A_928 = arith.constant 0 : i32
    %dma_wait3A_929 = tpu.memref_slice %arg7[%dma_wait3A_926, %dma_wait3A_927, %dma_wait3A_928] : memref<8x50x128xf32, #tpu.memory_space<vmem>> -> memref<1x50x128xf32, #tpu.memory_space<vmem>>
    %dma_wait3A_930 = tpu.memref_squeeze %dma_wait3A_929 : memref<1x50x128xf32, #tpu.memory_space<vmem>> -> memref<50x128xf32, #tpu.memory_space<vmem>>
    %dma_wait3A_931 = arith.constant 0 : i32
    %dma_wait3A_932 = arith.constant 0 : i32
    %dma_wait3A_933 = tpu.memref_slice %arg4[%dma_wait3A_931, %add3A_897, %dma_wait3A_932] : memref<50x4096x128xf32, #tpu.memory_space<hbm>> -> memref<50x1x128xf32, #tpu.memory_space<hbm>>
    %dma_wait3A_934 = tpu.memref_squeeze %dma_wait3A_933 : memref<50x1x128xf32, #tpu.memory_space<hbm>> -> memref<50x128xf32, #tpu.memory_space<hbm>>
    %dma_wait3A_935 = arith.constant 0 : i32
    %dma_wait3A_936 = arith.constant 0 : i32
    %dma_wait3A_937 = tpu.memref_slice %arg4[%dma_wait3A_935, %add3A_897, %dma_wait3A_936] : memref<50x4096x128xf32, #tpu.memory_space<hbm>> -> memref<50x1x128xf32, #tpu.memory_space<hbm>>
    %dma_wait3A_938 = tpu.memref_squeeze %dma_wait3A_937 : memref<50x1x128xf32, #tpu.memory_space<hbm>> -> memref<50x128xf32, #tpu.memory_space<hbm>>
    %dma_wait3A_939 = arith.constant 0 : i32
    %dma_wait3A_940 = arith.constant 0 : i32
    %dma_wait3A_941 = tpu.memref_slice %arg7[%dma_wait3A_926, %dma_wait3A_939, %dma_wait3A_940] : memref<8x50x128xf32, #tpu.memory_space<vmem>> -> memref<1x50x128xf32, #tpu.memory_space<vmem>>
    %dma_wait3A_942 = tpu.memref_squeeze %dma_wait3A_941 : memref<1x50x128xf32, #tpu.memory_space<vmem>> -> memref<50x128xf32, #tpu.memory_space<vmem>>
    tpu.wait_dma2 semaphore(%arg11 : memref<!tpu.dma_semaphore, #tpu.memory_space<semaphore_mem>>) src(%dma_wait3A_942 : memref<50x128xf32, #tpu.memory_space<vmem>>) dst(%dma_wait3A_938 : memref<50x128xf32, #tpu.memory_space<hbm>>)
    %dma_wait3A_943 = arith.constant 1 : i32
    %dma_wait3A_944 = arith.constant 0 : i32
    %dma_wait3A_945 = arith.constant 0 : i32
    %dma_wait3A_946 = tpu.memref_slice %arg7[%dma_wait3A_943, %dma_wait3A_944, %dma_wait3A_945] : memref<8x50x128xf32, #tpu.memory_space<vmem>> -> memref<1x50x128xf32, #tpu.memory_space<vmem>>
    %dma_wait3A_947 = tpu.memref_squeeze %dma_wait3A_946 : memref<1x50x128xf32, #tpu.memory_space<vmem>> -> memref<50x128xf32, #tpu.memory_space<vmem>>
    %dma_wait3A_948 = arith.constant 0 : i32
    %dma_wait3A_949 = arith.constant 0 : i32
    %dma_wait3A_950 = tpu.memref_slice %arg4[%dma_wait3A_948, %add3A_901, %dma_wait3A_949] : memref<50x4096x128xf32, #tpu.memory_space<hbm>> -> memref<50x1x128xf32, #tpu.memory_space<hbm>>
    %dma_wait3A_951 = tpu.memref_squeeze %dma_wait3A_950 : memref<50x1x128xf32, #tpu.memory_space<hbm>> -> memref<50x128xf32, #tpu.memory_space<hbm>>
    %dma_wait3A_952 = arith.constant 0 : i32
    %dma_wait3A_953 = arith.constant 0 : i32
    %dma_wait3A_954 = tpu.memref_slice %arg4[%dma_wait3A_952, %add3A_901, %dma_wait3A_953] : memref<50x4096x128xf32, #tpu.memory_space<hbm>> -> memref<50x1x128xf32, #tpu.memory_space<hbm>>
    %dma_wait3A_955 = tpu.memref_squeeze %dma_wait3A_954 : memref<50x1x128xf32, #tpu.memory_space<hbm>> -> memref<50x128xf32, #tpu.memory_space<hbm>>
    %dma_wait3A_956 = arith.constant 0 : i32
    %dma_wait3A_957 = arith.constant 0 : i32
    %dma_wait3A_958 = tpu.memref_slice %arg7[%dma_wait3A_943, %dma_wait3A_956, %dma_wait3A_957] : memref<8x50x128xf32, #tpu.memory_space<vmem>> -> memref<1x50x128xf32, #tpu.memory_space<vmem>>
    %dma_wait3A_959 = tpu.memref_squeeze %dma_wait3A_958 : memref<1x50x128xf32, #tpu.memory_space<vmem>> -> memref<50x128xf32, #tpu.memory_space<vmem>>
    tpu.wait_dma2 semaphore(%arg11 : memref<!tpu.dma_semaphore, #tpu.memory_space<semaphore_mem>>) src(%dma_wait3A_959 : memref<50x128xf32, #tpu.memory_space<vmem>>) dst(%dma_wait3A_955 : memref<50x128xf32, #tpu.memory_space<hbm>>)
    %dma_wait3A_960 = arith.constant 2 : i32
    %dma_wait3A_961 = arith.constant 0 : i32
    %dma_wait3A_962 = arith.constant 0 : i32
    %dma_wait3A_963 = tpu.memref_slice %arg7[%dma_wait3A_960, %dma_wait3A_961, %dma_wait3A_962] : memref<8x50x128xf32, #tpu.memory_space<vmem>> -> memref<1x50x128xf32, #tpu.memory_space<vmem>>
    %dma_wait3A_964 = tpu.memref_squeeze %dma_wait3A_963 : memref<1x50x128xf32, #tpu.memory_space<vmem>> -> memref<50x128xf32, #tpu.memory_space<vmem>>
    %dma_wait3A_965 = arith.constant 0 : i32
    %dma_wait3A_966 = arith.constant 0 : i32
    %dma_wait3A_967 = tpu.memref_slice %arg4[%dma_wait3A_965, %add3A_905, %dma_wait3A_966] : memref<50x4096x128xf32, #tpu.memory_space<hbm>> -> memref<50x1x128xf32, #tpu.memory_space<hbm>>
    %dma_wait3A_968 = tpu.memref_squeeze %dma_wait3A_967 : memref<50x1x128xf32, #tpu.memory_space<hbm>> -> memref<50x128xf32, #tpu.memory_space<hbm>>
    %dma_wait3A_969 = arith.constant 0 : i32
    %dma_wait3A_970 = arith.constant 0 : i32
    %dma_wait3A_971 = tpu.memref_slice %arg4[%dma_wait3A_969, %add3A_905, %dma_wait3A_970] : memref<50x4096x128xf32, #tpu.memory_space<hbm>> -> memref<50x1x128xf32, #tpu.memory_space<hbm>>
    %dma_wait3A_972 = tpu.memref_squeeze %dma_wait3A_971 : memref<50x1x128xf32, #tpu.memory_space<hbm>> -> memref<50x128xf32, #tpu.memory_space<hbm>>
    %dma_wait3A_973 = arith.constant 0 : i32
    %dma_wait3A_974 = arith.constant 0 : i32
    %dma_wait3A_975 = tpu.memref_slice %arg7[%dma_wait3A_960, %dma_wait3A_973, %dma_wait3A_974] : memref<8x50x128xf32, #tpu.memory_space<vmem>> -> memref<1x50x128xf32, #tpu.memory_space<vmem>>
    %dma_wait3A_976 = tpu.memref_squeeze %dma_wait3A_975 : memref<1x50x128xf32, #tpu.memory_space<vmem>> -> memref<50x128xf32, #tpu.memory_space<vmem>>
    tpu.wait_dma2 semaphore(%arg11 : memref<!tpu.dma_semaphore, #tpu.memory_space<semaphore_mem>>) src(%dma_wait3A_976 : memref<50x128xf32, #tpu.memory_space<vmem>>) dst(%dma_wait3A_972 : memref<50x128xf32, #tpu.memory_space<hbm>>)
    %dma_wait3A_977 = arith.constant 3 : i32
    %dma_wait3A_978 = arith.constant 0 : i32
    %dma_wait3A_979 = arith.constant 0 : i32
    %dma_wait3A_980 = tpu.memref_slice %arg7[%dma_wait3A_977, %dma_wait3A_978, %dma_wait3A_979] : memref<8x50x128xf32, #tpu.memory_space<vmem>> -> memref<1x50x128xf32, #tpu.memory_space<vmem>>
    %dma_wait3A_981 = tpu.memref_squeeze %dma_wait3A_980 : memref<1x50x128xf32, #tpu.memory_space<vmem>> -> memref<50x128xf32, #tpu.memory_space<vmem>>
    %dma_wait3A_982 = arith.constant 0 : i32
    %dma_wait3A_983 = arith.constant 0 : i32
    %dma_wait3A_984 = tpu.memref_slice %arg4[%dma_wait3A_982, %add3A_909, %dma_wait3A_983] : memref<50x4096x128xf32, #tpu.memory_space<hbm>> -> memref<50x1x128xf32, #tpu.memory_space<hbm>>
    %dma_wait3A_985 = tpu.memref_squeeze %dma_wait3A_984 : memref<50x1x128xf32, #tpu.memory_space<hbm>> -> memref<50x128xf32, #tpu.memory_space<hbm>>
    %dma_wait3A_986 = arith.constant 0 : i32
    %dma_wait3A_987 = arith.constant 0 : i32
    %dma_wait3A_988 = tpu.memref_slice %arg4[%dma_wait3A_986, %add3A_909, %dma_wait3A_987] : memref<50x4096x128xf32, #tpu.memory_space<hbm>> -> memref<50x1x128xf32, #tpu.memory_space<hbm>>
    %dma_wait3A_989 = tpu.memref_squeeze %dma_wait3A_988 : memref<50x1x128xf32, #tpu.memory_space<hbm>> -> memref<50x128xf32, #tpu.memory_space<hbm>>
    %dma_wait3A_990 = arith.constant 0 : i32
    %dma_wait3A_991 = arith.constant 0 : i32
    %dma_wait3A_992 = tpu.memref_slice %arg7[%dma_wait3A_977, %dma_wait3A_990, %dma_wait3A_991] : memref<8x50x128xf32, #tpu.memory_space<vmem>> -> memref<1x50x128xf32, #tpu.memory_space<vmem>>
    %dma_wait3A_993 = tpu.memref_squeeze %dma_wait3A_992 : memref<1x50x128xf32, #tpu.memory_space<vmem>> -> memref<50x128xf32, #tpu.memory_space<vmem>>
    tpu.wait_dma2 semaphore(%arg11 : memref<!tpu.dma_semaphore, #tpu.memory_space<semaphore_mem>>) src(%dma_wait3A_993 : memref<50x128xf32, #tpu.memory_space<vmem>>) dst(%dma_wait3A_989 : memref<50x128xf32, #tpu.memory_space<hbm>>)
    %dma_wait3A_994 = arith.constant 4 : i32
    %dma_wait3A_995 = arith.constant 0 : i32
    %dma_wait3A_996 = arith.constant 0 : i32
    %dma_wait3A_997 = tpu.memref_slice %arg7[%dma_wait3A_994, %dma_wait3A_995, %dma_wait3A_996] : memref<8x50x128xf32, #tpu.memory_space<vmem>> -> memref<1x50x128xf32, #tpu.memory_space<vmem>>
    %dma_wait3A_998 = tpu.memref_squeeze %dma_wait3A_997 : memref<1x50x128xf32, #tpu.memory_space<vmem>> -> memref<50x128xf32, #tpu.memory_space<vmem>>
    %dma_wait3A_999 = arith.constant 0 : i32
    %dma_wait3A_1000 = arith.constant 0 : i32
    %dma_wait3A_1001 = tpu.memref_slice %arg4[%dma_wait3A_999, %add3A_913, %dma_wait3A_1000] : memref<50x4096x128xf32, #tpu.memory_space<hbm>> -> memref<50x1x128xf32, #tpu.memory_space<hbm>>
    %dma_wait3A_1002 = tpu.memref_squeeze %dma_wait3A_1001 : memref<50x1x128xf32, #tpu.memory_space<hbm>> -> memref<50x128xf32, #tpu.memory_space<hbm>>
    %dma_wait3A_1003 = arith.constant 0 : i32
    %dma_wait3A_1004 = arith.constant 0 : i32
    %dma_wait3A_1005 = tpu.memref_slice %arg4[%dma_wait3A_1003, %add3A_913, %dma_wait3A_1004] : memref<50x4096x128xf32, #tpu.memory_space<hbm>> -> memref<50x1x128xf32, #tpu.memory_space<hbm>>
    %dma_wait3A_1006 = tpu.memref_squeeze %dma_wait3A_1005 : memref<50x1x128xf32, #tpu.memory_space<hbm>> -> memref<50x128xf32, #tpu.memory_space<hbm>>
    %dma_wait3A_1007 = arith.constant 0 : i32
    %dma_wait3A_1008 = arith.constant 0 : i32
    %dma_wait3A_1009 = tpu.memref_slice %arg7[%dma_wait3A_994, %dma_wait3A_1007, %dma_wait3A_1008] : memref<8x50x128xf32, #tpu.memory_space<vmem>> -> memref<1x50x128xf32, #tpu.memory_space<vmem>>
    %dma_wait3A_1010 = tpu.memref_squeeze %dma_wait3A_1009 : memref<1x50x128xf32, #tpu.memory_space<vmem>> -> memref<50x128xf32, #tpu.memory_space<vmem>>
    tpu.wait_dma2 semaphore(%arg11 : memref<!tpu.dma_semaphore, #tpu.memory_space<semaphore_mem>>) src(%dma_wait3A_1010 : memref<50x128xf32, #tpu.memory_space<vmem>>) dst(%dma_wait3A_1006 : memref<50x128xf32, #tpu.memory_space<hbm>>)
    %dma_wait3A_1011 = arith.constant 5 : i32
    %dma_wait3A_1012 = arith.constant 0 : i32
    %dma_wait3A_1013 = arith.constant 0 : i32
    %dma_wait3A_1014 = tpu.memref_slice %arg7[%dma_wait3A_1011, %dma_wait3A_1012, %dma_wait3A_1013] : memref<8x50x128xf32, #tpu.memory_space<vmem>> -> memref<1x50x128xf32, #tpu.memory_space<vmem>>
    %dma_wait3A_1015 = tpu.memref_squeeze %dma_wait3A_1014 : memref<1x50x128xf32, #tpu.memory_space<vmem>> -> memref<50x128xf32, #tpu.memory_space<vmem>>
    %dma_wait3A_1016 = arith.constant 0 : i32
    %dma_wait3A_1017 = arith.constant 0 : i32
    %dma_wait3A_1018 = tpu.memref_slice %arg4[%dma_wait3A_1016, %add3A_917, %dma_wait3A_1017] : memref<50x4096x128xf32, #tpu.memory_space<hbm>> -> memref<50x1x128xf32, #tpu.memory_space<hbm>>
    %dma_wait3A_1019 = tpu.memref_squeeze %dma_wait3A_1018 : memref<50x1x128xf32, #tpu.memory_space<hbm>> -> memref<50x128xf32, #tpu.memory_space<hbm>>
    %dma_wait3A_1020 = arith.constant 0 : i32
    %dma_wait3A_1021 = arith.constant 0 : i32
    %dma_wait3A_1022 = tpu.memref_slice %arg4[%dma_wait3A_1020, %add3A_917, %dma_wait3A_1021] : memref<50x4096x128xf32, #tpu.memory_space<hbm>> -> memref<50x1x128xf32, #tpu.memory_space<hbm>>
    %dma_wait3A_1023 = tpu.memref_squeeze %dma_wait3A_1022 : memref<50x1x128xf32, #tpu.memory_space<hbm>> -> memref<50x128xf32, #tpu.memory_space<hbm>>
    %dma_wait3A_1024 = arith.constant 0 : i32
    %dma_wait3A_1025 = arith.constant 0 : i32
    %dma_wait3A_1026 = tpu.memref_slice %arg7[%dma_wait3A_1011, %dma_wait3A_1024, %dma_wait3A_1025] : memref<8x50x128xf32, #tpu.memory_space<vmem>> -> memref<1x50x128xf32, #tpu.memory_space<vmem>>
    %dma_wait3A_1027 = tpu.memref_squeeze %dma_wait3A_1026 : memref<1x50x128xf32, #tpu.memory_space<vmem>> -> memref<50x128xf32, #tpu.memory_space<vmem>>
    tpu.wait_dma2 semaphore(%arg11 : memref<!tpu.dma_semaphore, #tpu.memory_space<semaphore_mem>>) src(%dma_wait3A_1027 : memref<50x128xf32, #tpu.memory_space<vmem>>) dst(%dma_wait3A_1023 : memref<50x128xf32, #tpu.memory_space<hbm>>)
    %dma_wait3A_1028 = arith.constant 6 : i32
    %dma_wait3A_1029 = arith.constant 0 : i32
    %dma_wait3A_1030 = arith.constant 0 : i32
    %dma_wait3A_1031 = tpu.memref_slice %arg7[%dma_wait3A_1028, %dma_wait3A_1029, %dma_wait3A_1030] : memref<8x50x128xf32, #tpu.memory_space<vmem>> -> memref<1x50x128xf32, #tpu.memory_space<vmem>>
    %dma_wait3A_1032 = tpu.memref_squeeze %dma_wait3A_1031 : memref<1x50x128xf32, #tpu.memory_space<vmem>> -> memref<50x128xf32, #tpu.memory_space<vmem>>
    %dma_wait3A_1033 = arith.constant 0 : i32
    %dma_wait3A_1034 = arith.constant 0 : i32
    %dma_wait3A_1035 = tpu.memref_slice %arg4[%dma_wait3A_1033, %add3A_921, %dma_wait3A_1034] : memref<50x4096x128xf32, #tpu.memory_space<hbm>> -> memref<50x1x128xf32, #tpu.memory_space<hbm>>
    %dma_wait3A_1036 = tpu.memref_squeeze %dma_wait3A_1035 : memref<50x1x128xf32, #tpu.memory_space<hbm>> -> memref<50x128xf32, #tpu.memory_space<hbm>>
    %dma_wait3A_1037 = arith.constant 0 : i32
    %dma_wait3A_1038 = arith.constant 0 : i32
    %dma_wait3A_1039 = tpu.memref_slice %arg4[%dma_wait3A_1037, %add3A_921, %dma_wait3A_1038] : memref<50x4096x128xf32, #tpu.memory_space<hbm>> -> memref<50x1x128xf32, #tpu.memory_space<hbm>>
    %dma_wait3A_1040 = tpu.memref_squeeze %dma_wait3A_1039 : memref<50x1x128xf32, #tpu.memory_space<hbm>> -> memref<50x128xf32, #tpu.memory_space<hbm>>
    %dma_wait3A_1041 = arith.constant 0 : i32
    %dma_wait3A_1042 = arith.constant 0 : i32
    %dma_wait3A_1043 = tpu.memref_slice %arg7[%dma_wait3A_1028, %dma_wait3A_1041, %dma_wait3A_1042] : memref<8x50x128xf32, #tpu.memory_space<vmem>> -> memref<1x50x128xf32, #tpu.memory_space<vmem>>
    %dma_wait3A_1044 = tpu.memref_squeeze %dma_wait3A_1043 : memref<1x50x128xf32, #tpu.memory_space<vmem>> -> memref<50x128xf32, #tpu.memory_space<vmem>>
    tpu.wait_dma2 semaphore(%arg11 : memref<!tpu.dma_semaphore, #tpu.memory_space<semaphore_mem>>) src(%dma_wait3A_1044 : memref<50x128xf32, #tpu.memory_space<vmem>>) dst(%dma_wait3A_1040 : memref<50x128xf32, #tpu.memory_space<hbm>>)
    %dma_wait3A_1045 = arith.constant 7 : i32
    %dma_wait3A_1046 = arith.constant 0 : i32
    %dma_wait3A_1047 = arith.constant 0 : i32
    %dma_wait3A_1048 = tpu.memref_slice %arg7[%dma_wait3A_1045, %dma_wait3A_1046, %dma_wait3A_1047] : memref<8x50x128xf32, #tpu.memory_space<vmem>> -> memref<1x50x128xf32, #tpu.memory_space<vmem>>
    %dma_wait3A_1049 = tpu.memref_squeeze %dma_wait3A_1048 : memref<1x50x128xf32, #tpu.memory_space<vmem>> -> memref<50x128xf32, #tpu.memory_space<vmem>>
    %dma_wait3A_1050 = arith.constant 0 : i32
    %dma_wait3A_1051 = arith.constant 0 : i32
    %dma_wait3A_1052 = tpu.memref_slice %arg4[%dma_wait3A_1050, %add3A_925, %dma_wait3A_1051] : memref<50x4096x128xf32, #tpu.memory_space<hbm>> -> memref<50x1x128xf32, #tpu.memory_space<hbm>>
    %dma_wait3A_1053 = tpu.memref_squeeze %dma_wait3A_1052 : memref<50x1x128xf32, #tpu.memory_space<hbm>> -> memref<50x128xf32, #tpu.memory_space<hbm>>
    %dma_wait3A_1054 = arith.constant 0 : i32
    %dma_wait3A_1055 = arith.constant 0 : i32
    %dma_wait3A_1056 = tpu.memref_slice %arg4[%dma_wait3A_1054, %add3A_925, %dma_wait3A_1055] : memref<50x4096x128xf32, #tpu.memory_space<hbm>> -> memref<50x1x128xf32, #tpu.memory_space<hbm>>
    %dma_wait3A_1057 = tpu.memref_squeeze %dma_wait3A_1056 : memref<50x1x128xf32, #tpu.memory_space<hbm>> -> memref<50x128xf32, #tpu.memory_space<hbm>>
    %dma_wait3A_1058 = arith.constant 0 : i32
    %dma_wait3A_1059 = arith.constant 0 : i32
    %dma_wait3A_1060 = tpu.memref_slice %arg7[%dma_wait3A_1045, %dma_wait3A_1058, %dma_wait3A_1059] : memref<8x50x128xf32, #tpu.memory_space<vmem>> -> memref<1x50x128xf32, #tpu.memory_space<vmem>>
    %dma_wait3A_1061 = tpu.memref_squeeze %dma_wait3A_1060 : memref<1x50x128xf32, #tpu.memory_space<vmem>> -> memref<50x128xf32, #tpu.memory_space<vmem>>
    tpu.wait_dma2 semaphore(%arg11 : memref<!tpu.dma_semaphore, #tpu.memory_space<semaphore_mem>>) src(%dma_wait3A_1061 : memref<50x128xf32, #tpu.memory_space<vmem>>) dst(%dma_wait3A_1057 : memref<50x128xf32, #tpu.memory_space<hbm>>)
    return
  }
}

</mosaic_0001>

<sc_bundles>
// kernel: kernel.3.cloned.1.call-start
scs
__scs_entry_jumppad:
0x0: {  	(pc) =	sbr.rel $0x88, $3  }
0x1: {  	(tag) =	ssettag $0x0;
	lr =	simm.s32 $0x1  }
0x2: {  	[smem:$0x3F9F] =	sst lr;
	_ =	strace $0xD0000000  }
0x3: {  	_ = 	snop  }
0x4: {  	_ = 	snop  }
0x5: {  	_ = 	snop  }
0x6: {  	_ = 	snop  }
0x7: {  	_ = 	snop  }
__scs_overlays_trampoline_lowered:
0x8: {  	[smem:$0x3FAE] =	sst s0  }
0x9: {  	[smem:$0x3FAF] =	sst s1  }
0xa: {  	[smem:$0x3FB0] =	sst s2  }
0xb: {  	[smem:$0x3FB1] =	sst s3  }
0xc: {  	[smem:$0x3FB2] =	sst s4  }
0xd: {  	[smem:$0x3FB3] =	sst s5  }
0xe: {  	[smem:$0x3FB4] =	sst s6  }
0xf: {  	[smem:$0x3FB5] =	sst s7  }
0x10: {  	[smem:$0x3FB6] =	sst s8  }
0x11: {  	[smem:$0x3FB7] =	sst s9;
	s0 =	simm.s32 @!p0 $0x0  }
0x12: {  	s1 =	sld [smem:$0x3F9D];
	s0 =	simm.s32 @p0 $0x1  }
0x13: {  	[smem:$0x3FB8] =	sst s0;
	s0 =	simm.s32 @!p1 $0x0  }
0x14: {  	s2 =	sld [smem:$0x3F9C];
	s0 =	simm.s32 @p1 $0x1  }
0x15: {  	[smem:$0x3FB9] =	sst s0;
	s0 =	simm.s32 @!p2 $0x0  }
0x16: {  	s3 =	sld [smem:$0x3FDB];
	s0 =	simm.s32 @p2 $0x1  }
0x17: {  	s4 =	simm.s32 $0x1BF5;
	[smem:$0x3FBB] =	sst s0  }
0x18: {  	s0 =	sld [smem:$0x3F9E];
	_ =	swait.ge [sflag:s4], $0x0  }
0x19: {  	s7 =	sld [smem:$0x3F9F]  }
0x1a: {  	s8 =	sadd.s32 $0xFFFFE003, lr  }
0x1b: {  	s9 =	sadd.s32 $0xFFFFFEF7, lr;
	s5 =	simm.s32 $0xFFFFFFFF;
	p2 =	slt.u32 s8, $0xFFFFF086  }
0x1c: {  	p1 =	slt.u32 s9, $0xF7A;
	s5 =	simm.s32 @!p2 $0x0  }
0x1d: {  	s5 =	simm.s32 @p1 $0x1;
	p0 =	seq.s32 s7, s2  }
0x1e: {  	s7 =	smul.u32 @!p0 $0xF7A, s2;
	p2 =	seq.s32 @!p0 s5, $0x0  }
0x1f: {  	s9 =	smul.u32 $0xF7A, s1;
	s8 =	simm.s32 @!p0 $0x1BF5;
	p2 =	por !p2, p0  }
0x20: {  	[sflag:s8] =	ssyncset.s32 @!p0 $0xFFFFF086;
	s6 =	sadd.s32 @!p0 s3, s7;
	s7 =	simm.s32 @!p0 $0x108  }
0x21: {  	s3 =	sadd.s32 s3, s9;
	s6 =	sadd.s32 @!p0 $0x88, s6;
	s7 =	simm.s32 @p2 $0x1082  }
0x22: {  	[simem:s7], [sflag:s8] =	dma.local @!p0 [hbm:s6], $0xF7A  }
0x23: {  	s9 =	sor.u32 $0xD0000000, s2;
	s6 =	simm.s32 $0x108;
	_ =	swait.ge @!p0 [sflag:s8], $0x0  }
0x24: {  	s3 =	sadd.s32 $0x88, s3;
	s6 =	simm.s32 @!p1 $0x1082;
	[sflag:s4] =	ssyncset.s32 $0xFFFFF086  }
0x25: {  	[simem:s6], [sflag:s4] =	dma.local [hbm:s3], $0xF7A  }
0x26: {  	[smem:$0x3F9F] =	sst s1;
	(tag) =	ssettag s2;
	_ =	strace s9  }
0x27: {  	s1 =	sld [smem:$0x3FAF]  }
0x28: {  	s2 =	sld [smem:$0x3FB0]  }
0x29: {  	s4 =	sld [smem:$0x3FB2]  }
0x2a: {  	p0 =	seq.s32 s5, $0x0;
	s5 =	sld [smem:$0x3FB3]  }
0x2b: {  	s6 =	sld [smem:$0x3FB4]  }
0x2c: {  	s7 =	sld [smem:$0x3FB5]  }
0x2d: {  	s3 =	simm.s32 $0x108;
	s8 =	sld [smem:$0x3FB6]  }
0x2e: {  	s3 =	simm.s32 @!p0 $0x1082;
	s9 =	sld [smem:$0x3FB7]  }
0x2f: {  	lr =	sadd.s32 s0, s3;
	s0 =	sld [smem:$0x3FAE]  }
0x30: {  	s3 =	sld [smem:$0x3FB1]  }
0x31: {  	[smem:$0x3FBA] =	sst s10  }
0x32: {  	s10 =	sld [smem:$0x3FB8];
	_ =	sdelay $0x3  }
0x33: {  	p0 =	seq.s32 s10, $0x1;
	s10 =	sld [smem:$0x3FBA];
	_ =	sdelay $0x3  }
0x34: {  	[smem:$0x3FBA] =	sst s10  }
0x35: {  	s10 =	sld [smem:$0x3FB9];
	_ =	sdelay $0x3  }
0x36: {  	p1 =	seq.s32 s10, $0x1;
	s10 =	sld [smem:$0x3FBA];
	_ =	sdelay $0x3  }
0x37: {  	[smem:$0x3FBA] =	sst s10  }
0x38: {  	s10 =	sld [smem:$0x3FBB]  }
0x39: {  	_ = 	snop;
	(pc) =	sbr.ind lr, $3  }
0x3a: {  	_ = 	snop  }
0x3b: {  	_ = 	snop  }
0x3c: {  	p2 =	seq.s32 s10, $0x1;
	s10 =	sld [smem:$0x3FBA]  }
0x3d: {  	_ =	shalt  }
0x3e: {  	_ =	shalt  }
0x3f: {  	_ =	shalt  }
0x40: {  	_ =	shalt  }
0x41: {  	_ =	shalt  }
0x42: {  	_ =	shalt  }
0x43: {  	_ =	shalt  }
0x44: {  	_ =	shalt  }
0x45: {  	_ =	shalt  }
0x46: {  	_ =	shalt  }
0x47: {  	_ =	shalt  }
0x48: {  	_ =	shalt  }
0x49: {  	_ =	shalt  }
0x4a: {  	_ =	shalt  }
0x4b: {  	_ =	shalt  }
0x4c: {  	_ =	shalt  }
0x4d: {  	_ =	shalt  }
0x4e: {  	_ =	shalt  }
0x4f: {  	_ =	shalt  }
0x50: {  	_ =	shalt  }
0x51: {  	_ =	shalt  }
0x52: {  	_ =	shalt  }
0x53: {  	_ =	shalt  }
0x54: {  	_ =	shalt  }
0x55: {  	_ =	shalt  }
0x56: {  	_ =	shalt  }
0x57: {  	_ =	shalt  }
0x58: {  	_ =	shalt  }
0x59: {  	_ =	shalt  }
0x5a: {  	_ =	shalt  }
0x5b: {  	_ =	shalt  }
0x5c: {  	_ =	shalt  }
0x5d: {  	_ =	shalt  }
0x5e: {  	_ =	shalt  }
0x5f: {  	_ =	shalt  }
0x60: {  	_ =	shalt  }
0x61: {  	_ =	shalt  }
0x62: {  	_ =	shalt  }
0x63: {  	_ =	shalt  }
0x64: {  	_ =	shalt  }
0x65: {  	_ =	shalt  }
0x66: {  	_ =	shalt  }
0x67: {  	_ =	shalt  }
0x68: {  	_ =	shalt  }
0x69: {  	_ =	shalt  }
0x6a: {  	_ =	shalt  }
0x6b: {  	_ =	shalt  }
0x6c: {  	_ =	shalt  }
0x6d: {  	_ =	shalt  }
0x6e: {  	_ =	shalt  }
0x6f: {  	_ =	shalt  }
0x70: {  	_ =	shalt  }
0x71: {  	_ =	shalt  }
0x72: {  	_ =	shalt  }
0x73: {  	_ =	shalt  }
0x74: {  	_ =	shalt  }
0x75: {  	_ =	shalt  }
0x76: {  	_ =	shalt  }
0x77: {  	_ =	shalt  }
0x78: {  	_ =	shalt  }
0x79: {  	_ =	shalt  }
0x7a: {  	_ =	shalt  }
0x7b: {  	_ =	shalt  }
0x7c: {  	_ =	shalt  }
0x7d: {  	_ =	shalt  }
0x7e: {  	_ =	shalt  }
0x7f: {  	_ =	shalt  }
0x80: {  	_ =	shalt  }
0x81: {  	_ =	shalt  }
0x82: {  	_ =	shalt  }
0x83: {  	_ =	shalt  }
0x84: {  	_ =	shalt  }
0x85: {  	_ =	shalt  }
0x86: {  	_ =	shalt  }
0x87: {  	_ =	shalt  }
.Lfunc_end0:
.L_simem_size_0:
called_computation_lowered:
.L_overlay_start_0:
0x88: {  	s2 =	sld [smem:$0x3FD9]  }
0x89: {  	s3 =	sld [smem:$0x3FFE];
	_ =	sdelay $0x1  }
0x8a: {  	s1 =	srdreg.scid  }
0x8b: {  	s0 =	sand.u32 $0x1, s1  }
0x8c: {  	s17 =	sshll.u32 s0, $0xA;
	s2 =	sadd.s32 s3, s2  }
0x8d: {  	s2 =	sadd.s32 s2, s17  }
0x8e: {  	[smem:$0x3FC6] =	sst s2  }
0x8f: {  	_ = 	snop  }
0x90: {  	s2 =	sld [smem:$0x3FC8]  }
0x91: {  	s18 =	sld [smem:$0x3FD0];
	(tm) =	ssettm $0x1  }
0x92: {  	s4 =	sld [smem:$0x3FFB];
	_ =	sdelay $0x3  }
0x93: {  	_ =	strace s4  }
0x94: {  	s4 =	sld [smem:$0x3FFC];
	_ =	sdelay $0x3  }
0x95: {  	_ =	strace s4  }
0x96: {  	s4 =	sld [smem:$0x3FFD];
	_ =	sdelay $0x3  }
0x97: {  	_ =	strace s4  }
0x98: {  	_ =	strace $0x8FFFFFFF  }
0x99: {  	s19 =	sld [smem:$0x3FDB];
	_ =	sdelay $0x1  }
0x9a: {  	s5 =	simm.s32 $_scs_section_size  }
0x9b: {  	s6 =	simm.s32 $_size__tile_overlayer_lowered;
	s7 =	simm.s32 $_tile_overlayer_lowered  }
0x9c: {  	s22 =	simm.s32 $0x1BFF;
	s21 =	sshll.u32 s7, $0x1;
	s4 =	sadd.s32 s5, s19  }
0x9d: {  	s8 =	simm.s32 $0x0;
	s20 =	sshll.u32 s6, $0x1;
	s6 =	sadd.s32 s21, s4  }
0x9e: {  	[timem:s8], [sflag:s22] =	dma.local [hbm:s6], s20  }
0x9f: {  	_ =	swait.ge [sflag:s22], s20  }
0xa0: {  	s5 =	ssub.s32 $0x0, s20;
	[sflag:s22] =	ssyncset.done $0x0  }
0xa1: {  	[sflag:s22] =	ssyncadd.s32 s5;
	_ =	sdelay $0x1  }
0xa2: {  	s23 =	simm.s32 $0x1B8B  }
0xa3: {  	_ =	swait.ge [sflag:s23], $0x1  }
0xa4: {  	[sflag:s23] =	ssyncset.done $0x0  }
0xa5: {  	s25 =	simm.s32 $0x1B8E;
	s24 =	sld [smem:$0x3FFE];
	[sflag:s23] =	ssyncadd.s32 $0xFFFFFFFF  }
0xa6: {  	s26 =	simm.s32 $execute0_lowered;
	[smem:$0x3FD2] =	sst s25  }
0xa7: {  	s6 =	sshll.u32 s26, $0x1;
	_ =	strace $0x80000046;
	[dreg:$0x1] =	wrdreg $0xFFFFFFFF  }
0xa8: {  	s28 =	simm.s32 $_size_execute0_lowered;
	s4 =	sadd.s32 s4, s6;
	[dreg:$0x0] =	wrdreg $0x0  }
0xa9: {  	s6 =	sshll.u32 s28, $0x1;
	[dreg:$0x2] =	wrdreg s4  }
0xaa: {  	[dreg:$0x3] =	wrdreg s6  }
0xab: {  	[dreg:$0x4] =	wrdreg $0xC0  }
0xac: {  	_ =	task [dreg:s8], $0x5FFFF  }
0xad: {  	[dreg:$0x1] =	wrdreg $0xFFFFFFFF  }
0xae: {  	[dreg:$0x0] =	wrdreg $0x60  }
0xaf: {  	[dreg:$0x2] =	wrdreg s24  }
0xb0: {  	[dreg:$0x3] =	wrdreg s2  }
0xb1: {  	[dreg:$0x4] =	wrdreg s18  }
0xb2: {  	[dreg:$0x5] =	wrdreg $0x9  }
0xb3: {  	_ =	task.clear_ibuf [dreg:s8], $0x6FFFF;
	_ =	strace $0x90000046  }
0xb4: {  	s29 =	simm.s32 $0x9;
	_ =	strace $0x80000048  }
0xb5: {  	_ =	swait.ge [sflag:s29], $0x1  }
0xb6: {  	[sflag:s29] =	ssyncadd.s32 $0xFFFFFFFF  }
0xb7: {  	_ =	strace $0x90000048  }
0xb8: {  	_ =	sfence  }
0xb9: {  	s30 =	sld [smem:$0x0];
	_ =	sdelay $0x2  }
0xba: {  	s31 =	sshll.u32 s1, $0xD;
	s1 =	sshrl.u32 s1, $0x2  }
0xbb: {  	s3 =	sand.u32 $0x4000, s31;
	s1 =	sadd.s32 s1, s30  }
0xbc: {  	s0 =	sor.u32 s3, s0;
	s1 =	sshll.u32 s1, $0x11  }
0xbd: {  	s0 =	sor.u32 s1, s0  }
0xbe: {  	s0 =	sadd.s32 $0x8F2B, s0  }
0xbf: {  	[sflag:s0] =	ssyncadd.remote.s32 $0x1  }
0xc0: {  	_ =	sfence.sel $0xFFFF  }
0xc1: {  	[dreg:$0x0] =	wrdreg $0xFFFFFFFF;
	(pc) =	sbr.abs _section_cstart, $3  }
0xc2: {  	[dreg:$0x1] =	wrdreg $0xFFFFFFFF  }
0xc3: {  	_ =	task.clear_ibuf [dreg:s8], $0x2FFFF;
	_ =	strace $0x9FFFFFFF  }
0xc4: {  	(tm) =	ssettm $0x7FFFFFFF  }
0xc5: {  	_ =	shalt  }
tec
execute0_lowered:
.L_overlay_start_1:
0x0: {  	(tag) =	ssettag $0x1  }
0x1: {  	s3 =	srdreg.scid  }
0x2: {  	s0 =	rddreg [dreg:$0x0];
	s4 =	stileid.u32;
	s3 =	sand.u32 $0x1, s3  }
0x3: {  	s1 =	rddreg [dreg:$0x1];
	s9 =	sshll.u32 s4, $0xC;
	s6 =	sshll.u32 s3, $0xB  }
0x4: {  	s2 =	rddreg [dreg:$0x2];
	s5 =	simm.s32 $0x0;
	s4 =	sor.u32 s6, s9  }
0x5: {  	[smem:$0x7FF] =	sst s5;
	s0 =	sadd.s32 s4, s0;
	s4 =	sadd.s32 s2, s4  }
0x6: {  	_ =	strace $0x80000047;
	s0 =	sadd.s32 $0x400, s0;
	[dreg:$0x4] =	wrdreg s4  }
0x7: {  	s10 =	sadd.s32 $0x10, s4;
	[dreg:$0x5] =	wrdreg s0  }
0x8: {  	s11 =	sadd.s32 $0x20, s4;
	[dreg:$0x6] =	wrdreg s10  }
0x9: {  	s28 =	simm.s32 $0x5C00;
	s12 =	sadd.s32 $0x30, s4;
	[dreg:$0x7] =	wrdreg s11  }
0xa: {  	s30 =	simm.s32 $0x7800;
	s13 =	sadd.s32 $0x40, s4;
	[dreg:$0x8] =	wrdreg s12  }
0xb: {  	s29 =	simm.s32 $0xB000;
	s14 =	sadd.s32 $0x50, s4;
	[dreg:$0x9] =	wrdreg s13  }
0xc: {  	s31 =	simm.s32 $0xE800;
	s15 =	sadd.s32 $0x60, s4;
	[dreg:$0xa] =	wrdreg s14  }
0xd: {  	s8 =	simm.s32 $0x17400;
	s16 =	sadd.s32 $0x70, s4;
	[dreg:$0xb] =	wrdreg s15  }
0xe: {  	s5 =	simm.s32 $0x12000;
	s17 =	sadd.s32 $0x780, s4;
	[dreg:$0xc] =	wrdreg s16  }
0xf: {  	s3 =	ssub.s32 $0x2, s3;
	s18 =	sadd.s32 $0x790, s4;
	[dreg:$0xd] =	wrdreg s17  }
0x10: {  	s22 =	sadd.s32 s9, s2;
	s19 =	sadd.s32 $0x7A0, s4;
	[dreg:$0xe] =	wrdreg s18  }
0x11: {  	s7 =	sshrl.u32 s3, $0x1;
	s20 =	sadd.s32 $0x7B0, s4;
	[dreg:$0xf] =	wrdreg s19  }
0x12: {  	s9 =	simm.s32 $0x19000;
	s21 =	sadd.s32 $0x7C0, s4;
	[dreg:$0x10] =	wrdreg s20  }
0x13: {  	s3 =	ssub.s32 s3, s7;
	s23 =	sadd.s32 $0x7D0, s4;
	[dreg:$0x11] =	wrdreg s21  }
0x14: {  	s2 =	simm.s32 $0xCC00;
	s24 =	sadd.s32 $0x7E0, s4;
	[dreg:$0x12] =	wrdreg s23  }
0x15: {  	s7 =	simm.s32 $0x15800;
	s25 =	sadd.s32 $0x7F0, s4;
	[dreg:$0x13] =	wrdreg s24  }
0x16: {  	s26 =	smax.u32 s3, $0x1;
	s3 =	simm.s32 $0x10400;
	[dreg:$0x14] =	wrdreg s25  }
0x17: {  	s0 =	sadd.s32 s6, s22;
	[dreg:$0x15] =	wrdreg s26;
	s23 =	simm.s32 $0x5  }
0x18: {  	s24 =	simm.s32 $0x32;
	s25 =	simm.s32 $0x4000;
	s26 =	simm.s32 $0x80  }
0x19: {  	s6 =	simm.s32 $0x13C00;
	s10 =	simm.s32 $0x1AC00;
	s11 =	simm.s32 $0x1C800  }
0x1a: {  	s12 =	simm.s32 $0x1E400;
	s13 =	simm.s32 $0x1;
	s14 =	simm.s32 $0x80000  }
0x1b: {  	s15 =	simm.s32 $0x3;
	s16 =	simm.s32 $0x2;
	s17 =	simm.s32 $0x4  }
0x1c: {  	s18 =	simm.s32 $0x0;
	s22 =	sadd.s32 $0xC0, s0;
	s0 =	simm.s32 $0x9400  }
.LBB2_1:
0x1d: {  	s4 =	simm.s32 $0x0;
	s19 =	rddreg [dreg:$0x5]  }
0x1e: {  	[tilespmem:s4], [sflag:$0x5] =	stream.linear.gather [hbm4b:s19+s4], $0x4000, $0x38;
	v63 =	vld [tilespmem:$0x0]  }
0x1f: {  	_ =	swait.ge [sflag:s23], $0x4000  }
0x20: {  	[sflag:s23] =	ssyncset.done $0x0  }
0x21: {  	[sflag:s23] =	ssyncadd.s32 $0xFFFFC000  }
0x22: {  	[tilespmem:s25], [sflag:$0x1] =	stream.indirect.gather [hbm4b:s1+s24], $0x80, s4, s24, $0xb8;
	v63 =	vld [tilespmem:$0x0]  }
0x23: {  	_ = 	snop  }
0x24: {  	[tilespmem:s28], [sflag:$0x1] =	stream.indirect.gather [hbm4b:s1+s24], $0x80, s26, s24, $0xb8;
	v63 =	vld [tilespmem:$0x0]  }
0x25: {  	s21 =	simm.s32 $0x100  }
0x26: {  	[tilespmem:s30], [sflag:$0x1] =	stream.indirect.gather [hbm4b:s1+s24], $0x80, s21, s24, $0xb8;
	v63 =	vld [tilespmem:$0x0]  }
0x27: {  	s19 =	simm.s32 $0x180  }
0x28: {  	[tilespmem:s0], [sflag:$0x1] =	stream.indirect.gather [hbm4b:s1+s24], $0x80, s19, s24, $0xb8;
	v63 =	vld [tilespmem:$0x0]  }
0x29: {  	s20 =	simm.s32 $0x200  }
0x2a: {  	[tilespmem:s29], [sflag:$0x1] =	stream.indirect.gather [hbm4b:s1+s24], $0x80, s20, s24, $0xb8;
	v63 =	vld [tilespmem:$0x0]  }
0x2b: {  	s21 =	simm.s32 $0x280  }
0x2c: {  	[tilespmem:s2], [sflag:$0x1] =	stream.indirect.gather [hbm4b:s1+s24], $0x80, s21, s24, $0xb8;
	v63 =	vld [tilespmem:$0x0]  }
0x2d: {  	s19 =	simm.s32 $0x300  }
0x2e: {  	[tilespmem:s31], [sflag:$0x1] =	stream.indirect.gather [hbm4b:s1+s24], $0x80, s19, s24, $0xb8;
	v63 =	vld [tilespmem:$0x0]  }
0x2f: {  	s20 =	simm.s32 $0x380  }
0x30: {  	[tilespmem:s3], [sflag:$0x1] =	stream.indirect.gather [hbm4b:s1+s24], $0x80, s20, s24, $0xb8;
	v63 =	vld [tilespmem:$0x0]  }
0x31: {  	s21 =	simm.s32 $0x400  }
0x32: {  	[tilespmem:s5], [sflag:$0x2] =	stream.indirect.gather [hbm4b:s1+s24], $0x80, s21, s24, $0xb8;
	v63 =	vld [tilespmem:$0x0]  }
0x33: {  	s19 =	simm.s32 $0x480  }
0x34: {  	[tilespmem:s6], [sflag:$0x2] =	stream.indirect.gather [hbm4b:s1+s24], $0x80, s19, s24, $0xb8;
	v63 =	vld [tilespmem:$0x0]  }
0x35: {  	s20 =	simm.s32 $0x500  }
0x36: {  	[tilespmem:s7], [sflag:$0x2] =	stream.indirect.gather [hbm4b:s1+s24], $0x80, s20, s24, $0xb8;
	v63 =	vld [tilespmem:$0x0]  }
0x37: {  	s21 =	simm.s32 $0x580  }
0x38: {  	[tilespmem:s8], [sflag:$0x2] =	stream.indirect.gather [hbm4b:s1+s24], $0x80, s21, s24, $0xb8;
	v63 =	vld [tilespmem:$0x0]  }
0x39: {  	s19 =	simm.s32 $0x600  }
0x3a: {  	[tilespmem:s9], [sflag:$0x2] =	stream.indirect.gather [hbm4b:s1+s24], $0x80, s19, s24, $0xb8;
	v63 =	vld [tilespmem:$0x0]  }
0x3b: {  	s20 =	simm.s32 $0x680  }
0x3c: {  	[tilespmem:s10], [sflag:$0x2] =	stream.indirect.gather [hbm4b:s1+s24], $0x80, s20, s24, $0xb8;
	v63 =	vld [tilespmem:$0x0]  }
0x3d: {  	s21 =	simm.s32 $0x700  }
0x3e: {  	[tilespmem:s11], [sflag:$0x2] =	stream.indirect.gather [hbm4b:s1+s24], $0x80, s21, s24, $0xb8;
	v63 =	vld [tilespmem:$0x0]  }
0x3f: {  	s19 =	simm.s32 $0x780  }
0x40: {  	[tilespmem:s12], [sflag:$0x2] =	stream.indirect.gather [hbm4b:s1+s24], $0x80, s19, s24, $0xb8;
	v63 =	vld [tilespmem:$0x0]  }
0x41: {  	_ =	swait.ge [sflag:s13], $0x1900  }
0x42: {  	[sflag:s13] =	ssyncset.done $0x0  }
0x43: {  	[sflag:s13] =	ssyncadd.s32 $0xFFFFE700  }
0x44: {  	_ =	swait.ge [sflag:s13], $0x1900  }
0x45: {  	[sflag:s13] =	ssyncset.done $0x0  }
0x46: {  	[sflag:s13] =	ssyncadd.s32 $0xFFFFE700  }
0x47: {  	_ =	swait.ge [sflag:s13], $0x1900  }
0x48: {  	[sflag:s13] =	ssyncset.done $0x0  }
0x49: {  	[sflag:s13] =	ssyncadd.s32 $0xFFFFE700  }
0x4a: {  	_ =	swait.ge [sflag:s13], $0x1900  }
0x4b: {  	[sflag:s13] =	ssyncset.done $0x0  }
0x4c: {  	[sflag:s13] =	ssyncadd.s32 $0xFFFFE700  }
0x4d: {  	_ =	swait.ge [sflag:s13], $0x1900  }
0x4e: {  	[sflag:s13] =	ssyncset.done $0x0  }
0x4f: {  	[sflag:s13] =	ssyncadd.s32 $0xFFFFE700  }
0x50: {  	_ =	swait.ge [sflag:s13], $0x1900  }
0x51: {  	[sflag:s13] =	ssyncset.done $0x0  }
0x52: {  	[sflag:s13] =	ssyncadd.s32 $0xFFFFE700  }
0x53: {  	_ =	swait.ge [sflag:s13], $0x1900  }
0x54: {  	[sflag:s13] =	ssyncset.done $0x0  }
0x55: {  	[sflag:s13] =	ssyncadd.s32 $0xFFFFE700  }
0x56: {  	_ =	swait.ge [sflag:s13], $0x1900  }
0x57: {  	[sflag:s13] =	ssyncset.done $0x0  }
0x58: {  	s20 =	rddreg [dreg:$0x4];
	[sflag:s13] =	ssyncadd.s32 $0xFFFFE700  }
0x59: {  	[hbm4b:s20+s26] =	stream.strided.scatter [tilespmem:s25], [sflag:$0x3], $0x1900, s14, s26, $0x38;
	v63 =	vld [tilespmem:$0x0]  }
0x5a: {  	s21 =	rddreg [dreg:$0x6]  }
0x5b: {  	[hbm4b:s21+s26] =	stream.strided.scatter [tilespmem:s28], [sflag:$0x3], $0x1900, s14, s26, $0x38;
	v63 =	vld [tilespmem:$0x0]  }
0x5c: {  	s19 =	rddreg [dreg:$0x7]  }
0x5d: {  	[hbm4b:s19+s26] =	stream.strided.scatter [tilespmem:s30], [sflag:$0x3], $0x1900, s14, s26, $0x38;
	v63 =	vld [tilespmem:$0x0]  }
0x5e: {  	s20 =	rddreg [dreg:$0x8]  }
0x5f: {  	[hbm4b:s20+s26] =	stream.strided.scatter [tilespmem:s0], [sflag:$0x3], $0x1900, s14, s26, $0x38;
	v63 =	vld [tilespmem:$0x0]  }
0x60: {  	s21 =	rddreg [dreg:$0x9]  }
0x61: {  	[hbm4b:s21+s26] =	stream.strided.scatter [tilespmem:s29], [sflag:$0x3], $0x1900, s14, s26, $0x38;
	v63 =	vld [tilespmem:$0x0]  }
0x62: {  	s19 =	rddreg [dreg:$0xa]  }
0x63: {  	[hbm4b:s19+s26] =	stream.strided.scatter [tilespmem:s2], [sflag:$0x3], $0x1900, s14, s26, $0x38;
	v63 =	vld [tilespmem:$0x0]  }
0x64: {  	s20 =	rddreg [dreg:$0xb]  }
0x65: {  	[hbm4b:s20+s26] =	stream.strided.scatter [tilespmem:s31], [sflag:$0x3], $0x1900, s14, s26, $0x38;
	v63 =	vld [tilespmem:$0x0]  }
0x66: {  	s21 =	rddreg [dreg:$0xc]  }
0x67: {  	[hbm4b:s21+s26] =	stream.strided.scatter [tilespmem:s3], [sflag:$0x3], $0x1900, s14, s26, $0x38;
	v63 =	vld [tilespmem:$0x0]  }
0x68: {  	_ =	swait.ge [sflag:s15], $0x1900  }
0x69: {  	[sflag:s15] =	ssyncset.done $0x0  }
0x6a: {  	[sflag:s15] =	ssyncadd.s32 $0xFFFFE700  }
0x6b: {  	_ =	swait.ge [sflag:s15], $0x1900  }
0x6c: {  	[sflag:s15] =	ssyncset.done $0x0  }
0x6d: {  	[sflag:s15] =	ssyncadd.s32 $0xFFFFE700  }
0x6e: {  	_ =	swait.ge [sflag:s15], $0x1900  }
0x6f: {  	[sflag:s15] =	ssyncset.done $0x0  }
0x70: {  	[sflag:s15] =	ssyncadd.s32 $0xFFFFE700  }
0x71: {  	_ =	swait.ge [sflag:s15], $0x1900  }
0x72: {  	[sflag:s15] =	ssyncset.done $0x0  }
0x73: {  	[sflag:s15] =	ssyncadd.s32 $0xFFFFE700  }
0x74: {  	_ =	swait.ge [sflag:s15], $0x1900  }
0x75: {  	[sflag:s15] =	ssyncset.done $0x0  }
0x76: {  	[sflag:s15] =	ssyncadd.s32 $0xFFFFE700  }
0x77: {  	_ =	swait.ge [sflag:s15], $0x1900  }
0x78: {  	[sflag:s15] =	ssyncset.done $0x0  }
0x79: {  	[sflag:s15] =	ssyncadd.s32 $0xFFFFE700  }
0x7a: {  	_ =	swait.ge [sflag:s15], $0x1900  }
0x7b: {  	[sflag:s15] =	ssyncset.done $0x0  }
0x7c: {  	[sflag:s15] =	ssyncadd.s32 $0xFFFFE700  }
0x7d: {  	_ =	swait.ge [sflag:s15], $0x1900  }
0x7e: {  	[sflag:s15] =	ssyncset.done $0x0  }
0x7f: {  	s4 =	simm.s32 $0x800;
	[sflag:s15] =	ssyncadd.s32 $0xFFFFE700  }
0x80: {  	[tilespmem:s25], [sflag:$0x1] =	stream.indirect.gather [hbm4b:s1+s24], $0x80, s4, s24, $0xb8;
	v63 =	vld [tilespmem:$0x0]  }
0x81: {  	s20 =	simm.s32 $0x880  }
0x82: {  	[tilespmem:s28], [sflag:$0x1] =	stream.indirect.gather [hbm4b:s1+s24], $0x80, s20, s24, $0xb8;
	v63 =	vld [tilespmem:$0x0]  }
0x83: {  	s21 =	simm.s32 $0x900  }
0x84: {  	[tilespmem:s30], [sflag:$0x1] =	stream.indirect.gather [hbm4b:s1+s24], $0x80, s21, s24, $0xb8;
	v63 =	vld [tilespmem:$0x0]  }
0x85: {  	s4 =	simm.s32 $0x980  }
0x86: {  	[tilespmem:s0], [sflag:$0x1] =	stream.indirect.gather [hbm4b:s1+s24], $0x80, s4, s24, $0xb8;
	v63 =	vld [tilespmem:$0x0]  }
0x87: {  	s20 =	simm.s32 $0xA00  }
0x88: {  	[tilespmem:s29], [sflag:$0x1] =	stream.indirect.gather [hbm4b:s1+s24], $0x80, s20, s24, $0xb8;
	v63 =	vld [tilespmem:$0x0]  }
0x89: {  	s21 =	simm.s32 $0xA80  }
0x8a: {  	[tilespmem:s2], [sflag:$0x1] =	stream.indirect.gather [hbm4b:s1+s24], $0x80, s21, s24, $0xb8;
	v63 =	vld [tilespmem:$0x0]  }
0x8b: {  	s4 =	simm.s32 $0xB00  }
0x8c: {  	[tilespmem:s31], [sflag:$0x1] =	stream.indirect.gather [hbm4b:s1+s24], $0x80, s4, s24, $0xb8;
	v63 =	vld [tilespmem:$0x0]  }
0x8d: {  	s20 =	simm.s32 $0xB80  }
0x8e: {  	[tilespmem:s3], [sflag:$0x1] =	stream.indirect.gather [hbm4b:s1+s24], $0x80, s20, s24, $0xb8;
	v63 =	vld [tilespmem:$0x0]  }
0x8f: {  	_ =	swait.ge [sflag:s16], $0x1900  }
0x90: {  	[sflag:s16] =	ssyncset.done $0x0  }
0x91: {  	[sflag:s16] =	ssyncadd.s32 $0xFFFFE700  }
0x92: {  	_ =	swait.ge [sflag:s16], $0x1900  }
0x93: {  	[sflag:s16] =	ssyncset.done $0x0  }
0x94: {  	[sflag:s16] =	ssyncadd.s32 $0xFFFFE700  }
0x95: {  	_ =	swait.ge [sflag:s16], $0x1900  }
0x96: {  	[sflag:s16] =	ssyncset.done $0x0  }
0x97: {  	[sflag:s16] =	ssyncadd.s32 $0xFFFFE700  }
0x98: {  	_ =	swait.ge [sflag:s16], $0x1900  }
0x99: {  	[sflag:s16] =	ssyncset.done $0x0  }
0x9a: {  	[sflag:s16] =	ssyncadd.s32 $0xFFFFE700  }
0x9b: {  	_ =	swait.ge [sflag:s16], $0x1900  }
0x9c: {  	[sflag:s16] =	ssyncset.done $0x0  }
0x9d: {  	[sflag:s16] =	ssyncadd.s32 $0xFFFFE700  }
0x9e: {  	_ =	swait.ge [sflag:s16], $0x1900  }
0x9f: {  	[sflag:s16] =	ssyncset.done $0x0  }
0xa0: {  	[sflag:s16] =	ssyncadd.s32 $0xFFFFE700  }
0xa1: {  	_ =	swait.ge [sflag:s16], $0x1900  }
0xa2: {  	[sflag:s16] =	ssyncset.done $0x0  }
0xa3: {  	[sflag:s16] =	ssyncadd.s32 $0xFFFFE700  }
0xa4: {  	_ =	swait.ge [sflag:s16], $0x1900  }
0xa5: {  	[sflag:s16] =	ssyncset.done $0x0  }
0xa6: {  	s21 =	sadd.s32 $0xFFFFFFC0, s22;
	[sflag:s16] =	ssyncadd.s32 $0xFFFFE700  }
0xa7: {  	[hbm4b:s21+s26] =	stream.strided.scatter [tilespmem:s5], [sflag:$0x4], $0x1900, s14, s26, $0x38;
	v63 =	vld [tilespmem:$0x0]  }
0xa8: {  	s4 =	sadd.s32 $0xFFFFFFD0, s22  }
0xa9: {  	[hbm4b:s4+s26] =	stream.strided.scatter [tilespmem:s6], [sflag:$0x4], $0x1900, s14, s26, $0x38;
	v63 =	vld [tilespmem:$0x0]  }
0xaa: {  	s20 =	sadd.s32 $0xFFFFFFE0, s22  }
0xab: {  	[hbm4b:s20+s26] =	stream.strided.scatter [tilespmem:s7], [sflag:$0x4], $0x1900, s14, s26, $0x38;
	v63 =	vld [tilespmem:$0x0]  }
0xac: {  	s21 =	sadd.s32 $0xFFFFFFF0, s22  }
0xad: {  	[hbm4b:s21+s26] =	stream.strided.scatter [tilespmem:s8], [sflag:$0x4], $0x1900, s14, s26, $0x38;
	v63 =	vld [tilespmem:$0x0]  }
0xae: {  	_ = 	snop  }
0xaf: {  	[hbm4b:s22+s26] =	stream.strided.scatter [tilespmem:s9], [sflag:$0x4], $0x1900, s14, s26, $0x38;
	v63 =	vld [tilespmem:$0x0]  }
0xb0: {  	s4 =	sadd.s32 $0x10, s22  }
0xb1: {  	[hbm4b:s4+s26] =	stream.strided.scatter [tilespmem:s10], [sflag:$0x4], $0x1900, s14, s26, $0x38;
	v63 =	vld [tilespmem:$0x0]  }
0xb2: {  	s20 =	sadd.s32 $0x20, s22  }
0xb3: {  	[hbm4b:s20+s26] =	stream.strided.scatter [tilespmem:s11], [sflag:$0x4], $0x1900, s14, s26, $0x38;
	v63 =	vld [tilespmem:$0x0]  }
0xb4: {  	s21 =	sadd.s32 $0x30, s22  }
0xb5: {  	[hbm4b:s21+s26] =	stream.strided.scatter [tilespmem:s12], [sflag:$0x4], $0x1900, s14, s26, $0x38;
	v63 =	vld [tilespmem:$0x0]  }
0xb6: {  	_ =	swait.ge [sflag:s17], $0x1900  }
0xb7: {  	[sflag:s17] =	ssyncset.done $0x0  }
0xb8: {  	[sflag:s17] =	ssyncadd.s32 $0xFFFFE700  }
0xb9: {  	_ =	swait.ge [sflag:s17], $0x1900  }
0xba: {  	[sflag:s17] =	ssyncset.done $0x0  }
0xbb: {  	[sflag:s17] =	ssyncadd.s32 $0xFFFFE700  }
0xbc: {  	_ =	swait.ge [sflag:s17], $0x1900  }
0xbd: {  	[sflag:s17] =	ssyncset.done $0x0  }
0xbe: {  	[sflag:s17] =	ssyncadd.s32 $0xFFFFE700  }
0xbf: {  	_ =	swait.ge [sflag:s17], $0x1900  }
0xc0: {  	[sflag:s17] =	ssyncset.done $0x0  }
0xc1: {  	[sflag:s17] =	ssyncadd.s32 $0xFFFFE700  }
0xc2: {  	_ =	swait.ge [sflag:s17], $0x1900  }
0xc3: {  	[sflag:s17] =	ssyncset.done $0x0  }
0xc4: {  	[sflag:s17] =	ssyncadd.s32 $0xFFFFE700  }
0xc5: {  	_ =	swait.ge [sflag:s17], $0x1900  }
0xc6: {  	[sflag:s17] =	ssyncset.done $0x0  }
0xc7: {  	[sflag:s17] =	ssyncadd.s32 $0xFFFFE700  }
0xc8: {  	_ =	swait.ge [sflag:s17], $0x1900  }
0xc9: {  	[sflag:s17] =	ssyncset.done $0x0  }
0xca: {  	[sflag:s17] =	ssyncadd.s32 $0xFFFFE700  }
0xcb: {  	_ =	swait.ge [sflag:s17], $0x1900  }
0xcc: {  	[sflag:s17] =	ssyncset.done $0x0  }
0xcd: {  	s4 =	simm.s32 $0xC00;
	[sflag:s17] =	ssyncadd.s32 $0xFFFFE700  }
0xce: {  	[tilespmem:s5], [sflag:$0x2] =	stream.indirect.gather [hbm4b:s1+s24], $0x80, s4, s24, $0xb8;
	v63 =	vld [tilespmem:$0x0]  }
0xcf: {  	s20 =	simm.s32 $0xC80  }
0xd0: {  	[tilespmem:s6], [sflag:$0x2] =	stream.indirect.gather [hbm4b:s1+s24], $0x80, s20, s24, $0xb8;
	v63 =	vld [tilespmem:$0x0]  }
0xd1: {  	s21 =	simm.s32 $0xD00  }
0xd2: {  	[tilespmem:s7], [sflag:$0x2] =	stream.indirect.gather [hbm4b:s1+s24], $0x80, s21, s24, $0xb8;
	v63 =	vld [tilespmem:$0x0]  }
0xd3: {  	s4 =	simm.s32 $0xD80  }
0xd4: {  	[tilespmem:s8], [sflag:$0x2] =	stream.indirect.gather [hbm4b:s1+s24], $0x80, s4, s24, $0xb8;
	v63 =	vld [tilespmem:$0x0]  }
0xd5: {  	s20 =	simm.s32 $0xE00  }
0xd6: {  	[tilespmem:s9], [sflag:$0x2] =	stream.indirect.gather [hbm4b:s1+s24], $0x80, s20, s24, $0xb8;
	v63 =	vld [tilespmem:$0x0]  }
0xd7: {  	s21 =	simm.s32 $0xE80  }
0xd8: {  	[tilespmem:s10], [sflag:$0x2] =	stream.indirect.gather [hbm4b:s1+s24], $0x80, s21, s24, $0xb8;
	v63 =	vld [tilespmem:$0x0]  }
0xd9: {  	s4 =	simm.s32 $0xF00  }
0xda: {  	[tilespmem:s11], [sflag:$0x2] =	stream.indirect.gather [hbm4b:s1+s24], $0x80, s4, s24, $0xb8;
	v63 =	vld [tilespmem:$0x0]  }
0xdb: {  	s20 =	simm.s32 $0xF80  }
0xdc: {  	[tilespmem:s12], [sflag:$0x2] =	stream.indirect.gather [hbm4b:s1+s24], $0x80, s20, s24, $0xb8;
	v63 =	vld [tilespmem:$0x0]  }
0xdd: {  	_ =	swait.ge [sflag:s13], $0x1900  }
0xde: {  	[sflag:s13] =	ssyncset.done $0x0  }
0xdf: {  	[sflag:s13] =	ssyncadd.s32 $0xFFFFE700  }
0xe0: {  	_ =	swait.ge [sflag:s13], $0x1900  }
0xe1: {  	[sflag:s13] =	ssyncset.done $0x0  }
0xe2: {  	[sflag:s13] =	ssyncadd.s32 $0xFFFFE700  }
0xe3: {  	_ =	swait.ge [sflag:s13], $0x1900  }
0xe4: {  	[sflag:s13] =	ssyncset.done $0x0  }
0xe5: {  	[sflag:s13] =	ssyncadd.s32 $0xFFFFE700  }
0xe6: {  	_ =	swait.ge [sflag:s13], $0x1900  }
0xe7: {  	[sflag:s13] =	ssyncset.done $0x0  }
0xe8: {  	[sflag:s13] =	ssyncadd.s32 $0xFFFFE700  }
0xe9: {  	_ =	swait.ge [sflag:s13], $0x1900  }
0xea: {  	[sflag:s13] =	ssyncset.done $0x0  }
0xeb: {  	[sflag:s13] =	ssyncadd.s32 $0xFFFFE700  }
0xec: {  	_ =	swait.ge [sflag:s13], $0x1900  }
0xed: {  	[sflag:s13] =	ssyncset.done $0x0  }
0xee: {  	[sflag:s13] =	ssyncadd.s32 $0xFFFFE700  }
0xef: {  	_ =	swait.ge [sflag:s13], $0x1900  }
0xf0: {  	[sflag:s13] =	ssyncset.done $0x0  }
0xf1: {  	[sflag:s13] =	ssyncadd.s32 $0xFFFFE700  }
0xf2: {  	_ =	swait.ge [sflag:s13], $0x1900  }
0xf3: {  	[sflag:s13] =	ssyncset.done $0x0  }
0xf4: {  	s21 =	sadd.s32 $0x40, s22;
	[sflag:s13] =	ssyncadd.s32 $0xFFFFE700  }
0xf5: {  	[hbm4b:s21+s26] =	stream.strided.scatter [tilespmem:s25], [sflag:$0x3], $0x1900, s14, s26, $0x38;
	v63 =	vld [tilespmem:$0x0]  }
0xf6: {  	s4 =	sadd.s32 $0x50, s22  }
0xf7: {  	[hbm4b:s4+s26] =	stream.strided.scatter [tilespmem:s28], [sflag:$0x3], $0x1900, s14, s26, $0x38;
	v63 =	vld [tilespmem:$0x0]  }
0xf8: {  	s20 =	sadd.s32 $0x60, s22  }
0xf9: {  	[hbm4b:s20+s26] =	stream.strided.scatter [tilespmem:s30], [sflag:$0x3], $0x1900, s14, s26, $0x38;
	v63 =	vld [tilespmem:$0x0]  }
0xfa: {  	s21 =	sadd.s32 $0x70, s22  }
0xfb: {  	[hbm4b:s21+s26] =	stream.strided.scatter [tilespmem:s0], [sflag:$0x3], $0x1900, s14, s26, $0x38;
	v63 =	vld [tilespmem:$0x0]  }
0xfc: {  	s4 =	sadd.s32 $0x80, s22  }
0xfd: {  	[hbm4b:s4+s26] =	stream.strided.scatter [tilespmem:s29], [sflag:$0x3], $0x1900, s14, s26, $0x38;
	v63 =	vld [tilespmem:$0x0]  }
0xfe: {  	s20 =	sadd.s32 $0x90, s22  }
0xff: {  	[hbm4b:s20+s26] =	stream.strided.scatter [tilespmem:s2], [sflag:$0x3], $0x1900, s14, s26, $0x38;
	v63 =	vld [tilespmem:$0x0]  }
0x100: {  	s21 =	sadd.s32 $0xA0, s22  }
0x101: {  	[hbm4b:s21+s26] =	stream.strided.scatter [tilespmem:s31], [sflag:$0x3], $0x1900, s14, s26, $0x38;
	v63 =	vld [tilespmem:$0x0]  }
0x102: {  	s19 =	simm.s32 $0x2000;
	s20 =	sadd.s32 $0x100, s22;
	s21 =	sadd.s32 $0xB0, s22  }
.LBB2_2:
0x103: {  	[hbm4b:s21+s26] =	stream.strided.scatter [tilespmem:s3], [sflag:$0x3], $0x1900, s14, s26, $0x38;
	v63 =	vld [tilespmem:$0x0]  }
0x104: {  	s21 =	smov.u32 s19  }
0x105: {  	p0 =	sne.s32 s19, $0xC000;
	s19 =	sadd.s32 $0x2000, s19;
	_ =	swait.ge [sflag:s15], $0x1900  }
0x106: {  	[sflag:s15] =	ssyncset.done $0x0  }
0x107: {  	[sflag:s15] =	ssyncadd.s32 $0xFFFFE700  }
0x108: {  	_ =	swait.ge [sflag:s15], $0x1900  }
0x109: {  	[sflag:s15] =	ssyncset.done $0x0  }
0x10a: {  	[sflag:s15] =	ssyncadd.s32 $0xFFFFE700  }
0x10b: {  	_ =	swait.ge [sflag:s15], $0x1900  }
0x10c: {  	[sflag:s15] =	ssyncset.done $0x0  }
0x10d: {  	[sflag:s15] =	ssyncadd.s32 $0xFFFFE700  }
0x10e: {  	_ =	swait.ge [sflag:s15], $0x1900  }
0x10f: {  	[sflag:s15] =	ssyncset.done $0x0  }
0x110: {  	[sflag:s15] =	ssyncadd.s32 $0xFFFFE700  }
0x111: {  	_ =	swait.ge [sflag:s15], $0x1900  }
0x112: {  	[sflag:s15] =	ssyncset.done $0x0  }
0x113: {  	[sflag:s15] =	ssyncadd.s32 $0xFFFFE700  }
0x114: {  	_ =	swait.ge [sflag:s15], $0x1900  }
0x115: {  	[sflag:s15] =	ssyncset.done $0x0  }
0x116: {  	[sflag:s15] =	ssyncadd.s32 $0xFFFFE700  }
0x117: {  	_ =	swait.ge [sflag:s15], $0x1900  }
0x118: {  	[sflag:s15] =	ssyncset.done $0x0  }
0x119: {  	[sflag:s15] =	ssyncadd.s32 $0xFFFFE700  }
0x11a: {  	_ =	swait.ge [sflag:s15], $0x1900  }
0x11b: {  	s21 =	sshra.s32 s21, $0x2;
	[sflag:s15] =	ssyncset.done $0x0  }
0x11c: {  	s4 =	sadd.s32 $0x800, s21;
	[sflag:s15] =	ssyncadd.s32 $0xFFFFE700  }
0x11d: {  	[tilespmem:s25], [sflag:$0x1] =	stream.indirect.gather [hbm4b:s1+s24], $0x80, s4, s24, $0xb8;
	v63 =	vld [tilespmem:$0x0]  }
0x11e: {  	s4 =	sadd.s32 $0x880, s21  }
0x11f: {  	[tilespmem:s28], [sflag:$0x1] =	stream.indirect.gather [hbm4b:s1+s24], $0x80, s4, s24, $0xb8;
	v63 =	vld [tilespmem:$0x0]  }
0x120: {  	s4 =	sadd.s32 $0x900, s21  }
0x121: {  	[tilespmem:s30], [sflag:$0x1] =	stream.indirect.gather [hbm4b:s1+s24], $0x80, s4, s24, $0xb8;
	v63 =	vld [tilespmem:$0x0]  }
0x122: {  	s4 =	sadd.s32 $0x980, s21  }
0x123: {  	[tilespmem:s0], [sflag:$0x1] =	stream.indirect.gather [hbm4b:s1+s24], $0x80, s4, s24, $0xb8;
	v63 =	vld [tilespmem:$0x0]  }
0x124: {  	s4 =	sadd.s32 $0xA00, s21  }
0x125: {  	[tilespmem:s29], [sflag:$0x1] =	stream.indirect.gather [hbm4b:s1+s24], $0x80, s4, s24, $0xb8;
	v63 =	vld [tilespmem:$0x0]  }
0x126: {  	s4 =	sadd.s32 $0xA80, s21  }
0x127: {  	[tilespmem:s2], [sflag:$0x1] =	stream.indirect.gather [hbm4b:s1+s24], $0x80, s4, s24, $0xb8;
	v63 =	vld [tilespmem:$0x0]  }
0x128: {  	s4 =	sadd.s32 $0xB00, s21  }
0x129: {  	[tilespmem:s31], [sflag:$0x1] =	stream.indirect.gather [hbm4b:s1+s24], $0x80, s4, s24, $0xb8;
	v63 =	vld [tilespmem:$0x0]  }
0x12a: {  	s4 =	sadd.s32 $0xB80, s21  }
0x12b: {  	[tilespmem:s3], [sflag:$0x1] =	stream.indirect.gather [hbm4b:s1+s24], $0x80, s4, s24, $0xb8;
	v63 =	vld [tilespmem:$0x0]  }
0x12c: {  	_ =	swait.ge [sflag:s16], $0x1900  }
0x12d: {  	[sflag:s16] =	ssyncset.done $0x0  }
0x12e: {  	[sflag:s16] =	ssyncadd.s32 $0xFFFFE700  }
0x12f: {  	_ =	swait.ge [sflag:s16], $0x1900  }
0x130: {  	[sflag:s16] =	ssyncset.done $0x0  }
0x131: {  	[sflag:s16] =	ssyncadd.s32 $0xFFFFE700  }
0x132: {  	_ =	swait.ge [sflag:s16], $0x1900  }
0x133: {  	[sflag:s16] =	ssyncset.done $0x0  }
0x134: {  	[sflag:s16] =	ssyncadd.s32 $0xFFFFE700  }
0x135: {  	_ =	swait.ge [sflag:s16], $0x1900  }
0x136: {  	[sflag:s16] =	ssyncset.done $0x0  }
0x137: {  	[sflag:s16] =	ssyncadd.s32 $0xFFFFE700  }
0x138: {  	_ =	swait.ge [sflag:s16], $0x1900  }
0x139: {  	[sflag:s16] =	ssyncset.done $0x0  }
0x13a: {  	[sflag:s16] =	ssyncadd.s32 $0xFFFFE700  }
0x13b: {  	_ =	swait.ge [sflag:s16], $0x1900  }
0x13c: {  	[sflag:s16] =	ssyncset.done $0x0  }
0x13d: {  	[sflag:s16] =	ssyncadd.s32 $0xFFFFE700  }
0x13e: {  	_ =	swait.ge [sflag:s16], $0x1900  }
0x13f: {  	[sflag:s16] =	ssyncset.done $0x0  }
0x140: {  	[sflag:s16] =	ssyncadd.s32 $0xFFFFE700  }
0x141: {  	_ =	swait.ge [sflag:s16], $0x1900  }
0x142: {  	[sflag:s16] =	ssyncset.done $0x0  }
0x143: {  	s4 =	sadd.s32 $0xFFFFFFC0, s20;
	[sflag:s16] =	ssyncadd.s32 $0xFFFFE700  }
0x144: {  	[hbm4b:s4+s26] =	stream.strided.scatter [tilespmem:s5], [sflag:$0x4], $0x1900, s14, s26, $0x38;
	v63 =	vld [tilespmem:$0x0]  }
0x145: {  	s4 =	sadd.s32 $0xFFFFFFD0, s20  }
0x146: {  	[hbm4b:s4+s26] =	stream.strided.scatter [tilespmem:s6], [sflag:$0x4], $0x1900, s14, s26, $0x38;
	v63 =	vld [tilespmem:$0x0]  }
0x147: {  	s4 =	sadd.s32 $0xFFFFFFE0, s20  }
0x148: {  	[hbm4b:s4+s26] =	stream.strided.scatter [tilespmem:s7], [sflag:$0x4], $0x1900, s14, s26, $0x38;
	v63 =	vld [tilespmem:$0x0]  }
0x149: {  	s4 =	sadd.s32 $0xFFFFFFF0, s20  }
0x14a: {  	[hbm4b:s4+s26] =	stream.strided.scatter [tilespmem:s8], [sflag:$0x4], $0x1900, s14, s26, $0x38;
	v63 =	vld [tilespmem:$0x0]  }
0x14b: {  	_ = 	snop  }
0x14c: {  	[hbm4b:s20+s26] =	stream.strided.scatter [tilespmem:s9], [sflag:$0x4], $0x1900, s14, s26, $0x38;
	v63 =	vld [tilespmem:$0x0]  }
0x14d: {  	s4 =	sadd.s32 $0x10, s20  }
0x14e: {  	[hbm4b:s4+s26] =	stream.strided.scatter [tilespmem:s10], [sflag:$0x4], $0x1900, s14, s26, $0x38;
	v63 =	vld [tilespmem:$0x0]  }
0x14f: {  	s4 =	sadd.s32 $0x20, s20  }
0x150: {  	[hbm4b:s4+s26] =	stream.strided.scatter [tilespmem:s11], [sflag:$0x4], $0x1900, s14, s26, $0x38;
	v63 =	vld [tilespmem:$0x0]  }
0x151: {  	s4 =	sadd.s32 $0x30, s20  }
0x152: {  	[hbm4b:s4+s26] =	stream.strided.scatter [tilespmem:s12], [sflag:$0x4], $0x1900, s14, s26, $0x38;
	v63 =	vld [tilespmem:$0x0]  }
0x153: {  	_ =	swait.ge [sflag:s17], $0x1900  }
0x154: {  	[sflag:s17] =	ssyncset.done $0x0  }
0x155: {  	[sflag:s17] =	ssyncadd.s32 $0xFFFFE700  }
0x156: {  	_ =	swait.ge [sflag:s17], $0x1900  }
0x157: {  	[sflag:s17] =	ssyncset.done $0x0  }
0x158: {  	[sflag:s17] =	ssyncadd.s32 $0xFFFFE700  }
0x159: {  	_ =	swait.ge [sflag:s17], $0x1900  }
0x15a: {  	[sflag:s17] =	ssyncset.done $0x0  }
0x15b: {  	[sflag:s17] =	ssyncadd.s32 $0xFFFFE700  }
0x15c: {  	_ =	swait.ge [sflag:s17], $0x1900  }
0x15d: {  	[sflag:s17] =	ssyncset.done $0x0  }
0x15e: {  	[sflag:s17] =	ssyncadd.s32 $0xFFFFE700  }
0x15f: {  	_ =	swait.ge [sflag:s17], $0x1900  }
0x160: {  	[sflag:s17] =	ssyncset.done $0x0  }
0x161: {  	[sflag:s17] =	ssyncadd.s32 $0xFFFFE700  }
0x162: {  	_ =	swait.ge [sflag:s17], $0x1900  }
0x163: {  	[sflag:s17] =	ssyncset.done $0x0  }
0x164: {  	[sflag:s17] =	ssyncadd.s32 $0xFFFFE700  }
0x165: {  	_ =	swait.ge [sflag:s17], $0x1900  }
0x166: {  	[sflag:s17] =	ssyncset.done $0x0  }
0x167: {  	[sflag:s17] =	ssyncadd.s32 $0xFFFFE700  }
0x168: {  	_ =	swait.ge [sflag:s17], $0x1900  }
0x169: {  	[sflag:s17] =	ssyncset.done $0x0  }
0x16a: {  	s4 =	sadd.s32 $0xC00, s21;
	[sflag:s17] =	ssyncadd.s32 $0xFFFFE700  }
0x16b: {  	[tilespmem:s5], [sflag:$0x2] =	stream.indirect.gather [hbm4b:s1+s24], $0x80, s4, s24, $0xb8;
	v63 =	vld [tilespmem:$0x0]  }
0x16c: {  	s4 =	sadd.s32 $0xC80, s21  }
0x16d: {  	[tilespmem:s6], [sflag:$0x2] =	stream.indirect.gather [hbm4b:s1+s24], $0x80, s4, s24, $0xb8;
	v63 =	vld [tilespmem:$0x0]  }
0x16e: {  	s4 =	sadd.s32 $0xD00, s21  }
0x16f: {  	[tilespmem:s7], [sflag:$0x2] =	stream.indirect.gather [hbm4b:s1+s24], $0x80, s4, s24, $0xb8;
	v63 =	vld [tilespmem:$0x0]  }
0x170: {  	s4 =	sadd.s32 $0xD80, s21  }
0x171: {  	[tilespmem:s8], [sflag:$0x2] =	stream.indirect.gather [hbm4b:s1+s24], $0x80, s4, s24, $0xb8;
	v63 =	vld [tilespmem:$0x0]  }
0x172: {  	s4 =	sadd.s32 $0xE00, s21  }
0x173: {  	[tilespmem:s9], [sflag:$0x2] =	stream.indirect.gather [hbm4b:s1+s24], $0x80, s4, s24, $0xb8;
	v63 =	vld [tilespmem:$0x0]  }
0x174: {  	s4 =	sadd.s32 $0xE80, s21  }
0x175: {  	[tilespmem:s10], [sflag:$0x2] =	stream.indirect.gather [hbm4b:s1+s24], $0x80, s4, s24, $0xb8;
	v63 =	vld [tilespmem:$0x0]  }
0x176: {  	s4 =	sadd.s32 $0xF00, s21  }
0x177: {  	[tilespmem:s11], [sflag:$0x2] =	stream.indirect.gather [hbm4b:s1+s24], $0x80, s4, s24, $0xb8;
	v63 =	vld [tilespmem:$0x0]  }
0x178: {  	s4 =	sadd.s32 $0xF80, s21  }
0x179: {  	[tilespmem:s12], [sflag:$0x2] =	stream.indirect.gather [hbm4b:s1+s24], $0x80, s4, s24, $0xb8;
	v63 =	vld [tilespmem:$0x0]  }
0x17a: {  	_ =	swait.ge [sflag:s13], $0x1900  }
0x17b: {  	[sflag:s13] =	ssyncset.done $0x0  }
0x17c: {  	[sflag:s13] =	ssyncadd.s32 $0xFFFFE700  }
0x17d: {  	_ =	swait.ge [sflag:s13], $0x1900  }
0x17e: {  	[sflag:s13] =	ssyncset.done $0x0  }
0x17f: {  	[sflag:s13] =	ssyncadd.s32 $0xFFFFE700  }
0x180: {  	_ =	swait.ge [sflag:s13], $0x1900  }
0x181: {  	[sflag:s13] =	ssyncset.done $0x0  }
0x182: {  	[sflag:s13] =	ssyncadd.s32 $0xFFFFE700  }
0x183: {  	_ =	swait.ge [sflag:s13], $0x1900  }
0x184: {  	[sflag:s13] =	ssyncset.done $0x0  }
0x185: {  	[sflag:s13] =	ssyncadd.s32 $0xFFFFE700  }
0x186: {  	_ =	swait.ge [sflag:s13], $0x1900  }
0x187: {  	[sflag:s13] =	ssyncset.done $0x0  }
0x188: {  	[sflag:s13] =	ssyncadd.s32 $0xFFFFE700  }
0x189: {  	_ =	swait.ge [sflag:s13], $0x1900  }
0x18a: {  	[sflag:s13] =	ssyncset.done $0x0  }
0x18b: {  	[sflag:s13] =	ssyncadd.s32 $0xFFFFE700  }
0x18c: {  	_ =	swait.ge [sflag:s13], $0x1900  }
0x18d: {  	[sflag:s13] =	ssyncset.done $0x0  }
0x18e: {  	[sflag:s13] =	ssyncadd.s32 $0xFFFFE700  }
0x18f: {  	_ =	swait.ge [sflag:s13], $0x1900  }
0x190: {  	[sflag:s13] =	ssyncset.done $0x0  }
0x191: {  	s4 =	sadd.s32 $0x40, s20;
	[sflag:s13] =	ssyncadd.s32 $0xFFFFE700  }
0x192: {  	[hbm4b:s4+s26] =	stream.strided.scatter [tilespmem:s25], [sflag:$0x3], $0x1900, s14, s26, $0x38;
	v63 =	vld [tilespmem:$0x0]  }
0x193: {  	s4 =	sadd.s32 $0x50, s20  }
0x194: {  	[hbm4b:s4+s26] =	stream.strided.scatter [tilespmem:s28], [sflag:$0x3], $0x1900, s14, s26, $0x38;
	v63 =	vld [tilespmem:$0x0]  }
0x195: {  	s4 =	sadd.s32 $0x60, s20  }
0x196: {  	[hbm4b:s4+s26] =	stream.strided.scatter [tilespmem:s30], [sflag:$0x3], $0x1900, s14, s26, $0x38;
	v63 =	vld [tilespmem:$0x0]  }
0x197: {  	s4 =	sadd.s32 $0x70, s20  }
0x198: {  	[hbm4b:s4+s26] =	stream.strided.scatter [tilespmem:s0], [sflag:$0x3], $0x1900, s14, s26, $0x38;
	v63 =	vld [tilespmem:$0x0]  }
0x199: {  	s4 =	sadd.s32 $0x80, s20  }
0x19a: {  	[hbm4b:s4+s26] =	stream.strided.scatter [tilespmem:s29], [sflag:$0x3], $0x1900, s14, s26, $0x38;
	v63 =	vld [tilespmem:$0x0]  }
.Ltmp0:
0x19b: {  	s4 =	sadd.s32 $0x90, s20;
	(pc) =	sbr.rel @p0 .LBB2_2-.Ltmp0, $4  }
0x19c: {  	[hbm4b:s4+s26] =	stream.strided.scatter [tilespmem:s2], [sflag:$0x3], $0x1900, s14, s26, $0x38;
	v63 =	vld [tilespmem:$0x0]  }
0x19d: {  	s4 =	sadd.s32 $0xA0, s20  }
0x19e: {  	[hbm4b:s4+s26] =	stream.strided.scatter [tilespmem:s31], [sflag:$0x3], $0x1900, s14, s26, $0x38;
	v63 =	vld [tilespmem:$0x0]  }
0x19f: {  	s21 =	sadd.s32 $0xB0, s20;
	s20 =	sadd.s32 $0x100, s20  }
0x1a0: {  	[hbm4b:s21+s26] =	stream.strided.scatter [tilespmem:s3], [sflag:$0x3], $0x1900, s14, s26, $0x38;
	v63 =	vld [tilespmem:$0x0]  }
0x1a1: {  	_ =	swait.ge [sflag:s16], $0x1900  }
0x1a2: {  	[sflag:s16] =	ssyncset.done $0x0  }
0x1a3: {  	[sflag:s16] =	ssyncadd.s32 $0xFFFFE700  }
0x1a4: {  	_ =	swait.ge [sflag:s16], $0x1900  }
0x1a5: {  	[sflag:s16] =	ssyncset.done $0x0  }
0x1a6: {  	[sflag:s16] =	ssyncadd.s32 $0xFFFFE700  }
0x1a7: {  	_ =	swait.ge [sflag:s16], $0x1900  }
0x1a8: {  	[sflag:s16] =	ssyncset.done $0x0  }
0x1a9: {  	[sflag:s16] =	ssyncadd.s32 $0xFFFFE700  }
0x1aa: {  	_ =	swait.ge [sflag:s16], $0x1900  }
0x1ab: {  	[sflag:s16] =	ssyncset.done $0x0  }
0x1ac: {  	[sflag:s16] =	ssyncadd.s32 $0xFFFFE700  }
0x1ad: {  	_ =	swait.ge [sflag:s16], $0x1900  }
0x1ae: {  	[sflag:s16] =	ssyncset.done $0x0  }
0x1af: {  	[sflag:s16] =	ssyncadd.s32 $0xFFFFE700  }
0x1b0: {  	_ =	swait.ge [sflag:s16], $0x1900  }
0x1b1: {  	[sflag:s16] =	ssyncset.done $0x0  }
0x1b2: {  	[sflag:s16] =	ssyncadd.s32 $0xFFFFE700  }
0x1b3: {  	_ =	swait.ge [sflag:s16], $0x1900  }
0x1b4: {  	[sflag:s16] =	ssyncset.done $0x0  }
0x1b5: {  	[sflag:s16] =	ssyncadd.s32 $0xFFFFE700  }
0x1b6: {  	_ =	swait.ge [sflag:s16], $0x1900  }
0x1b7: {  	[sflag:s16] =	ssyncset.done $0x0  }
0x1b8: {  	s4 =	rddreg [dreg:$0xd];
	[sflag:s16] =	ssyncadd.s32 $0xFFFFE700  }
0x1b9: {  	[hbm4b:s4+s26] =	stream.strided.scatter [tilespmem:s5], [sflag:$0x4], $0x1900, s14, s26, $0x38;
	v63 =	vld [tilespmem:$0x0]  }
0x1ba: {  	s20 =	rddreg [dreg:$0xe]  }
0x1bb: {  	[hbm4b:s20+s26] =	stream.strided.scatter [tilespmem:s6], [sflag:$0x4], $0x1900, s14, s26, $0x38;
	v63 =	vld [tilespmem:$0x0]  }
0x1bc: {  	s21 =	rddreg [dreg:$0xf]  }
0x1bd: {  	[hbm4b:s21+s26] =	stream.strided.scatter [tilespmem:s7], [sflag:$0x4], $0x1900, s14, s26, $0x38;
	v63 =	vld [tilespmem:$0x0]  }
0x1be: {  	s19 =	rddreg [dreg:$0x10]  }
0x1bf: {  	[hbm4b:s19+s26] =	stream.strided.scatter [tilespmem:s8], [sflag:$0x4], $0x1900, s14, s26, $0x38;
	v63 =	vld [tilespmem:$0x0]  }
0x1c0: {  	s20 =	rddreg [dreg:$0x11]  }
0x1c1: {  	[hbm4b:s20+s26] =	stream.strided.scatter [tilespmem:s9], [sflag:$0x4], $0x1900, s14, s26, $0x38;
	v63 =	vld [tilespmem:$0x0]  }
0x1c2: {  	s21 =	rddreg [dreg:$0x12]  }
0x1c3: {  	[hbm4b:s21+s26] =	stream.strided.scatter [tilespmem:s10], [sflag:$0x4], $0x1900, s14, s26, $0x38;
	v63 =	vld [tilespmem:$0x0]  }
0x1c4: {  	s19 =	rddreg [dreg:$0x13]  }
0x1c5: {  	[hbm4b:s19+s26] =	stream.strided.scatter [tilespmem:s11], [sflag:$0x4], $0x1900, s14, s26, $0x38;
	v63 =	vld [tilespmem:$0x0]  }
0x1c6: {  	s20 =	rddreg [dreg:$0x14]  }
0x1c7: {  	[hbm4b:s20+s26] =	stream.strided.scatter [tilespmem:s12], [sflag:$0x4], $0x1900, s14, s26, $0x38;
	v63 =	vld [tilespmem:$0x0]  }
0x1c8: {  	_ =	swait.ge [sflag:s15], $0x1900  }
0x1c9: {  	[sflag:s15] =	ssyncset.done $0x0  }
0x1ca: {  	[sflag:s15] =	ssyncadd.s32 $0xFFFFE700  }
0x1cb: {  	_ =	swait.ge [sflag:s15], $0x1900  }
0x1cc: {  	[sflag:s15] =	ssyncset.done $0x0  }
0x1cd: {  	[sflag:s15] =	ssyncadd.s32 $0xFFFFE700  }
0x1ce: {  	_ =	swait.ge [sflag:s15], $0x1900  }
0x1cf: {  	[sflag:s15] =	ssyncset.done $0x0  }
0x1d0: {  	[sflag:s15] =	ssyncadd.s32 $0xFFFFE700  }
0x1d1: {  	_ =	swait.ge [sflag:s15], $0x1900  }
0x1d2: {  	[sflag:s15] =	ssyncset.done $0x0  }
0x1d3: {  	[sflag:s15] =	ssyncadd.s32 $0xFFFFE700  }
0x1d4: {  	_ =	swait.ge [sflag:s15], $0x1900  }
0x1d5: {  	[sflag:s15] =	ssyncset.done $0x0  }
0x1d6: {  	[sflag:s15] =	ssyncadd.s32 $0xFFFFE700  }
0x1d7: {  	_ =	swait.ge [sflag:s15], $0x1900  }
0x1d8: {  	[sflag:s15] =	ssyncset.done $0x0  }
0x1d9: {  	[sflag:s15] =	ssyncadd.s32 $0xFFFFE700  }
0x1da: {  	_ =	swait.ge [sflag:s15], $0x1900  }
0x1db: {  	[sflag:s15] =	ssyncset.done $0x0  }
0x1dc: {  	[sflag:s15] =	ssyncadd.s32 $0xFFFFE700  }
0x1dd: {  	_ =	swait.ge [sflag:s15], $0x1900  }
0x1de: {  	[sflag:s15] =	ssyncset.done $0x0  }
0x1df: {  	[sflag:s15] =	ssyncadd.s32 $0xFFFFE700  }
0x1e0: {  	_ =	swait.ge [sflag:s17], $0x1900  }
0x1e1: {  	[sflag:s17] =	ssyncset.done $0x0  }
0x1e2: {  	[sflag:s17] =	ssyncadd.s32 $0xFFFFE700  }
0x1e3: {  	_ =	swait.ge [sflag:s17], $0x1900  }
0x1e4: {  	[sflag:s17] =	ssyncset.done $0x0  }
0x1e5: {  	[sflag:s17] =	ssyncadd.s32 $0xFFFFE700  }
0x1e6: {  	_ =	swait.ge [sflag:s17], $0x1900  }
0x1e7: {  	[sflag:s17] =	ssyncset.done $0x0  }
0x1e8: {  	[sflag:s17] =	ssyncadd.s32 $0xFFFFE700  }
0x1e9: {  	_ =	swait.ge [sflag:s17], $0x1900  }
0x1ea: {  	[sflag:s17] =	ssyncset.done $0x0  }
0x1eb: {  	[sflag:s17] =	ssyncadd.s32 $0xFFFFE700  }
0x1ec: {  	_ =	swait.ge [sflag:s17], $0x1900  }
0x1ed: {  	[sflag:s17] =	ssyncset.done $0x0  }
0x1ee: {  	[sflag:s17] =	ssyncadd.s32 $0xFFFFE700  }
0x1ef: {  	_ =	swait.ge [sflag:s17], $0x1900  }
0x1f0: {  	[sflag:s17] =	ssyncset.done $0x0  }
0x1f1: {  	[sflag:s17] =	ssyncadd.s32 $0xFFFFE700  }
0x1f2: {  	_ =	swait.ge [sflag:s17], $0x1900  }
0x1f3: {  	[sflag:s17] =	ssyncset.done $0x0  }
0x1f4: {  	[sflag:s17] =	ssyncadd.s32 $0xFFFFE700  }
0x1f5: {  	_ =	swait.ge [sflag:s17], $0x1900  }
0x1f6: {  	s18 =	sadd.s32 $0x1, s18;
	s21 =	rddreg [dreg:$0x15]  }
0x1f7: {  	p0 =	sne.s32 s18, s21  }
.Ltmp1:
0x1f8: {  	_ = 	snop;
	(pc) =	sbr.rel @p0 .LBB2_1-.Ltmp1, $3  }
0x1f9: {  	_ =	sdelay $0x1  }
0x1fa: {  	[sflag:s17] =	ssyncset.done $0x0  }
0x1fb: {  	[sflag:s17] =	ssyncadd.s32 $0xFFFFE700  }
0x1fc: {  	_ =	sfence.sel $0x180000  }
0x1fd: {  	[bflag:$0x0] =	sbarrier.arrive $0xFFFF  }
0x1fe: {  	_ =	strace $0x90000047  }
0x1ff: {  	s0 =	stileid.u32;
	[bflag:$0x2] =	sbarrier.arrive $0xFFFF  }
0x200: {  	p0 =	sne.s32 s0, $0x0;
	s0 =	rddreg [dreg:$0x3]  }
0x201: {  	s0 =	sadd.s32 @!p0 $0x100000, s0  }
0x202: {  	[sflag:s0] =	ssyncadd.tile.s32 @!p0 $0x1;
	_ =	shalt  }
.Lfunc_end2:
_tile_overlayer_lowered:
.L_overlay_start_2:
0x203: {  	(tag) =	ssettag $0x2  }
0x204: {  	s0 =	rddreg [dreg:$0x0];
	s2 =	stileid.u32  }
0x205: {  	s1 =	rddreg [dreg:$0x1];
	p0 =	sne.s32 s2, $0x0  }
0x206: {  	s3 =	rddreg [dreg:$0x2];
	[bflag:$0x3] =	sbarrier.arrive $0xFFFF;
	s2 =	simm.s32 @!p0 $0x1C05  }
0x207: {  	[timem:s3], [sflag:s2] =	dma.local @!p0 [hbm:s0], s1  }
0x208: {  	s0 =	simm.s32 @!p0 $0x5  }
0x209: {  	_ =	swait.ge @!p0 [sflag:s0], s1  }
0x20a: {  	s1 =	ssub.s32 @!p0 $0x0, s1;
	[sflag:s0] =	ssyncset.done @!p0 $0x0  }
0x20b: {  	[sflag:s0] =	ssyncadd.s32 @!p0 s1  }
0x20c: {  	[bflag:$0x3] =	sbarrier.arrive $0xFFFF  }
0x20d: {  	_ =	shalt  }

</sc_bundles>
